<compile_context>
chip_gen: v7x
topology: tpu7x:2x2x1
jax: 0.10.2.dev20260603
libtpu: 0.0.44.dev20260713+nightly
codegen_flags: <defaults>
</compile_context>

<pallas_src>
import functools

import jax
import jax.numpy as jnp
from jax import lax
from jax.experimental import pallas as pl
from jax.experimental.pallas import tpu as pltpu
from jax.experimental.pallas import tpu_sc as plsc

_B, _C, _F, _K, _NB = 64, 256, 1024, 16, 8



def _topk_body(x_ref, xx_ref, idx_ref):
    k = pl.program_id(0)
    x = x_ref[0]
    xx = xx_ref[0, 0]
    xb = x.astype(jnp.bfloat16)
    g = jax.lax.dot_general(
        xb, xb, (((0,), (0,)), ((), ())),
        preferred_element_type=jnp.float32)
    dist = (-2.0 * g + xx[None, :]) + xx[:, None]
    dist = jnp.maximum(dist, 0.0)
    biota = jax.lax.broadcasted_iota(jnp.int32, (_F, _F), 1)
    riota = jax.lax.broadcasted_iota(jnp.int32, (_F, _F), 0)
    idx_ref[0, :, 0] = jax.lax.iota(jnp.int32, _F) * _K + k
    d = jnp.where(biota == riota, 3.0e38, dist)
    for j in range(1, _NB):
        m = jnp.min(d, axis=1, keepdims=True)
        am = jnp.min(jnp.where(d == m, biota, _F), axis=1)
        idx_ref[0, :, j] = am * _K + k
        if j + 1 < _NB:
            d = jnp.where(biota == am[:, None], 3.0e38, d)


def _neighbor_indices(coordinates):
    coords_t = jnp.transpose(coordinates, (2, 0, 1))
    xx = jnp.sum(jnp.square(jnp.transpose(coordinates, (1, 0, 2))), axis=1)
    xx_t = jnp.transpose(xx, (1, 0)).reshape(_K, 1, _F)
    idx = pl.pallas_call(
        _topk_body,
        grid=(_K,),
        in_specs=[pl.BlockSpec((1, _C, _F), lambda k: (k, 0, 0)),
                  pl.BlockSpec((1, 1, _F), lambda k: (k, 0, 0))],
        out_specs=pl.BlockSpec((1, _F, _NB), lambda k: (k, 0, 0)),
        out_shape=jax.ShapeDtypeStruct((_K, _F, _NB), jnp.int32),
    )(coords_t, xx_t)
    return idx



_NC, _NS = 2, 16
_NW = _NC * _NS
_BPW = _B // _NW
_P = _F * _NB
_CHUNK = 128
_NCH = _P // _CHUNK
_DEPTH = 8
_TAB = _F * _K


_CW = _CHUNK * _K


def _gather_body(flat_hbm, fidx_hbm, out_hbm, tab_v, idx_v, row_v, isem, osem):
    wid = lax.axis_index("s") * _NC + lax.axis_index("c")
    base_bb = wid * _BPW
    pltpu.sync_copy(flat_hbm.at[pl.ds(base_bb * _TAB, _BPW * _TAB)], tab_v)

    def idx_copy(c, buf):
        return pltpu.make_async_copy(
            fidx_hbm.at[pl.ds(c * _CW, _CW)],
            idx_v.at[pl.ds(buf * _CW, _CW)], isem)

    _RPC = _CW // 128

    def out_copy(c, buf, i):
        return pltpu.make_async_copy(
            row_v.at[pl.ds((buf * _BPW + i) * _RPC, _RPC), :],
            out_hbm.at[base_bb + i, pl.ds(c * _RPC, _RPC), :],
            osem)

    for b in range(_DEPTH):
        idx_copy(b, b).start()

    @pl.loop(0, _NCH, step=_DEPTH)
    def _chunks(c0):
        for b in range(_DEPTH):
            c = c0 + b
            idx_copy(c, b).wait()

            @pl.when(c + _DEPTH < _NCH)
            def _():
                idx_copy(c + _DEPTH, b).start()

            @pl.when(c >= _DEPTH)
            def _():
                for i in range(_BPW):
                    out_copy(c - _DEPTH, b, i).wait()

            @plsc.parallel_loop(0, _CHUNK, unroll=8)
            def _pbody(p):
                ivec = idx_v[pl.ds(b * _CW + p * _K, _K)]
                q = p // (128 // _K)
                off = (p % (128 // _K)) * _K
                row_v[b * _BPW * _RPC + q, pl.ds(off, _K)] = (
                    plsc.load_gather(tab_v, [ivec]))
                row_v[(b * _BPW + 1) * _RPC + q, pl.ds(off, _K)] = (
                    plsc.load_gather(tab_v, [ivec + _TAB]))

            for i in range(_BPW):
                out_copy(c, b, i).start()

    for b in range(_DEPTH):
        for i in range(_BPW):
            out_copy(_NCH - _DEPTH + b, b, i).wait()


_sc_gather = functools.partial(
    pl.kernel,
    out_type=jax.ShapeDtypeStruct((_B, _P * _K // 128, 128), jnp.float32),
    mesh=plsc.VectorSubcoreMesh(core_axis_name="c", subcore_axis_name="s"),
    compiler_params=pltpu.CompilerParams(needs_layout_passes=False),
    scratch_types=[
        pltpu.VMEM((_BPW * _TAB,), jnp.float32),
        pltpu.VMEM((_DEPTH * _CW,), jnp.int32),
        pltpu.VMEM((_DEPTH * _BPW * (_CW // 128), 128), jnp.float32),
        pltpu.SemaphoreType.DMA,
        pltpu.SemaphoreType.DMA,
    ],
)(_gather_body)


def kernel(inputs, coordinates):
    idx = _neighbor_indices(coordinates)
    fidx = jnp.transpose(idx.reshape(_K, _P), (1, 0))
    flat = inputs.reshape(_B * _F * _K)
    out = _sc_gather(flat, fidx.reshape(_P * _K))
    return out.reshape(_B, _P, _K)

# --- scband reference (transcript-rebuilt; emitter-appended) ---
"""Pipeline reference for scband-phylo-neighbours-56040733278560 (READ-ONLY COPY).

The authoritative reference and input builder live on the scoring server;
editing this copy changes nothing except your own understanding.
"""

import jax, jax.numpy as jnp
import numpy as np

B, C, F, K, NB = 64, 256, 1024, 16, 8


def _euclidean_distances(coords):
    # coords: (C, F, K). Faithful to _euclidean_distances: per-filter squared
    # pairwise distances between feature columns.
    Xt = jnp.transpose(coords, (1, 0, 2))            # (F, C, K) == _transpose_on_first_two_axes(X)
    XX = jnp.expand_dims(jnp.sum(jnp.square(Xt), axis=1), 0)   # (1, F, K)
    YY = jnp.transpose(XX, (1, 0, 2))                # (F, 1, K)
    # _dot(Xt, coords): batched matmul over the last (filter) axis
    dot = jnp.einsum('ack,cbk->abk', Xt, coords)     # (F, F, K)
    dist = -2.0 * dot + XX + YY
    return jnp.maximum(dist, 0.0)


def _top_k_idx(dist, k):
    # order along the SECOND axis -> permute filters to last, top_k, permute back
    _, idx = jax.lax.top_k(jnp.transpose(-dist, (0, 2, 1)), k)  # (F, K, k)
    return jnp.transpose(idx, (0, 2, 1))                        # (F, k, K)


def _gather_target_neighbors(data, indices):
    # data: (B, F, K), indices: (F, NB, K) -> (B, F*NB, K), faithful per-filter gather loop
    pieces = []
    for i in range(data.shape[2]):
        dT = jnp.transpose(data[:, :, i], (1, 0))        # (F, B)
        g = jnp.take(dT, indices[:, :, i], axis=0)       # (F, NB, B)
        pieces.append(g.reshape(-1, data.shape[0])[:, :, None])  # (F*NB, B, 1)
    out = jnp.concatenate(pieces, axis=2)                # (F*NB, B, K)
    return jnp.transpose(out, (1, 0, 2))                 # (B, F*NB, K)


def setup_inputs(seed: int = 0) -> dict:
    key = jax.random.key(seed)
    k1, k2 = jax.random.split(key)
    inputs = jax.random.normal(k1, (B, F, K), dtype=jnp.float32)
    coordinates = jax.random.normal(k2, (C, F, K), dtype=jnp.float32)
    return {"inputs": inputs, "coordinates": coordinates}


def reference(inputs, coordinates):
    dist = _euclidean_distances(coordinates)     # computed in __init__ in the original
    neighbor_indexes = _top_k_idx(dist, NB)      # (F, NB, K)
    target_neighbors = neighbor_indexes[0:F, 0:NB, :]
    output = _gather_target_neighbors(inputs, target_neighbors)
    return output

if __name__ == "__main__":
    import jax
    _d = setup_inputs()
    print(jax.jit(kernel)(*tuple(_d.values())))

</pallas_src>

<mosaic_0001>
#map = affine_map<(d0, d1) -> (0)>
#map1 = affine_map<(d0, d1) -> (0, 0, 0)>
module attributes {stable_mosaic.version = 14 : i64} {
  func.func @_gather_body(%arg0: i32, %arg1: i32, %arg2: memref<1048576xf32, #tpu.memory_space<hbm>>, %arg3: memref<131072xi32, #tpu.memory_space<hbm>>, %arg4: memref<64x1024x128xf32, #tpu.memory_space<hbm>>, %arg5: memref<32768xf32, #tpu.memory_space<vmem>>, %arg6: memref<16384xi32, #tpu.memory_space<vmem>>, %arg7: memref<256x128xf32, #tpu.memory_space<vmem>>, %arg8: memref<!tpu.dma_semaphore, #tpu.memory_space<semaphore_mem>>, %arg9: memref<!tpu.dma_semaphore, #tpu.memory_space<semaphore_mem>>) attributes {dimension_semantics = [#tpu.dimension_semantics<core_parallel>, #tpu.dimension_semantics<subcore_parallel>], iteration_bounds = array<i64: 2, 16>, scalar_prefetch = 0 : i64, scratch_operands = 5 : i64, tpu.core_type = #tpu.core_type<sc_vector_subcore>, window_params = [{transform_indices = #map}, {transform_indices = #map}, {transform_indices = #map1}]} {
    %mul3A = arith.constant 2 : i32
    %mul3A_0 = arith.muli %arg1, %mul3A : i32
    %add3A = arith.addi %mul3A_0, %arg0 : i32
    %mul3A_1 = arith.constant 2 : i32
    %mul3A_2 = arith.muli %add3A, %mul3A_1 : i32
    %mul3A_3 = arith.constant 16384 : i32
    %mul3A_4 = arith.muli %mul3A_2, %mul3A_3 : i32
    "tpu.region"() ({
      %run_scoped3A = tpu.sem_alloc : memref<!tpu.dma_semaphore, #tpu.memory_space<semaphore_mem>>
      %dma_start3A_327 = tpu.memref_slice %arg2[%mul3A_4] : memref<1048576xf32, #tpu.memory_space<hbm>> -> memref<32768xf32, #tpu.memory_space<hbm>>
      %dma_start3A_328 = tpu.memref_slice %arg2[%mul3A_4] : memref<1048576xf32, #tpu.memory_space<hbm>> -> memref<32768xf32, #tpu.memory_space<hbm>>
      tpu.enqueue_dma source(%dma_start3A_328 : memref<32768xf32, #tpu.memory_space<hbm>>) target(%arg5 : memref<32768xf32, #tpu.memory_space<vmem>>) target_semaphore(%run_scoped3A : memref<!tpu.dma_semaphore, #tpu.memory_space<semaphore_mem>>)
      %dma_wait3A_329 = tpu.memref_slice %arg2[%mul3A_4] : memref<1048576xf32, #tpu.memory_space<hbm>> -> memref<32768xf32, #tpu.memory_space<hbm>>
      %dma_wait3A_330 = tpu.memref_slice %arg2[%mul3A_4] : memref<1048576xf32, #tpu.memory_space<hbm>> -> memref<32768xf32, #tpu.memory_space<hbm>>
      tpu.wait_dma2 semaphore(%run_scoped3A : memref<!tpu.dma_semaphore, #tpu.memory_space<semaphore_mem>>) src(%dma_wait3A_330 : memref<32768xf32, #tpu.memory_space<hbm>>) dst(%arg5 : memref<32768xf32, #tpu.memory_space<vmem>>)
      tpu.yield
    }) : () -> ()
    %dma_start3A = arith.constant 0 : i32
    %dma_start3A_5 = tpu.memref_slice %arg6[%dma_start3A] : memref<16384xi32, #tpu.memory_space<vmem>> -> memref<2048xi32, #tpu.memory_space<vmem>>
    %dma_start3A_6 = arith.constant 0 : i32
    %dma_start3A_7 = tpu.memref_slice %arg3[%dma_start3A_6] : memref<131072xi32, #tpu.memory_space<hbm>> -> memref<2048xi32, #tpu.memory_space<hbm>>
    %dma_start3A_8 = arith.constant 0 : i32
    %dma_start3A_9 = tpu.memref_slice %arg6[%dma_start3A_8] : memref<16384xi32, #tpu.memory_space<vmem>> -> memref<2048xi32, #tpu.memory_space<vmem>>
    %dma_start3A_10 = arith.constant 0 : i32
    %dma_start3A_11 = tpu.memref_slice %arg3[%dma_start3A_10] : memref<131072xi32, #tpu.memory_space<hbm>> -> memref<2048xi32, #tpu.memory_space<hbm>>
    tpu.enqueue_dma source(%dma_start3A_11 : memref<2048xi32, #tpu.memory_space<hbm>>) target(%dma_start3A_9 : memref<2048xi32, #tpu.memory_space<vmem>>) target_semaphore(%arg8 : memref<!tpu.dma_semaphore, #tpu.memory_space<semaphore_mem>>)
    %dma_start3A_12 = arith.constant 2048 : i32
    %dma_start3A_13 = tpu.memref_slice %arg6[%dma_start3A_12] : memref<16384xi32, #tpu.memory_space<vmem>> -> memref<2048xi32, #tpu.memory_space<vmem>>
    %dma_start3A_14 = arith.constant 2048 : i32
    %dma_start3A_15 = tpu.memref_slice %arg3[%dma_start3A_14] : memref<131072xi32, #tpu.memory_space<hbm>> -> memref<2048xi32, #tpu.memory_space<hbm>>
    %dma_start3A_16 = arith.constant 2048 : i32
    %dma_start3A_17 = tpu.memref_slice %arg6[%dma_start3A_16] : memref<16384xi32, #tpu.memory_space<vmem>> -> memref<2048xi32, #tpu.memory_space<vmem>>
    %dma_start3A_18 = arith.constant 2048 : i32
    %dma_start3A_19 = tpu.memref_slice %arg3[%dma_start3A_18] : memref<131072xi32, #tpu.memory_space<hbm>> -> memref<2048xi32, #tpu.memory_space<hbm>>
    tpu.enqueue_dma source(%dma_start3A_19 : memref<2048xi32, #tpu.memory_space<hbm>>) target(%dma_start3A_17 : memref<2048xi32, #tpu.memory_space<vmem>>) target_semaphore(%arg8 : memref<!tpu.dma_semaphore, #tpu.memory_space<semaphore_mem>>)
    %dma_start3A_20 = arith.constant 4096 : i32
    %dma_start3A_21 = tpu.memref_slice %arg6[%dma_start3A_20] : memref<16384xi32, #tpu.memory_space<vmem>> -> memref<2048xi32, #tpu.memory_space<vmem>>
    %dma_start3A_22 = arith.constant 4096 : i32
    %dma_start3A_23 = tpu.memref_slice %arg3[%dma_start3A_22] : memref<131072xi32, #tpu.memory_space<hbm>> -> memref<2048xi32, #tpu.memory_space<hbm>>
    %dma_start3A_24 = arith.constant 4096 : i32
    %dma_start3A_25 = tpu.memref_slice %arg6[%dma_start3A_24] : memref<16384xi32, #tpu.memory_space<vmem>> -> memref<2048xi32, #tpu.memory_space<vmem>>
    %dma_start3A_26 = arith.constant 4096 : i32
    %dma_start3A_27 = tpu.memref_slice %arg3[%dma_start3A_26] : memref<131072xi32, #tpu.memory_space<hbm>> -> memref<2048xi32, #tpu.memory_space<hbm>>
    tpu.enqueue_dma source(%dma_start3A_27 : memref<2048xi32, #tpu.memory_space<hbm>>) target(%dma_start3A_25 : memref<2048xi32, #tpu.memory_space<vmem>>) target_semaphore(%arg8 : memref<!tpu.dma_semaphore, #tpu.memory_space<semaphore_mem>>)
    %dma_start3A_28 = arith.constant 6144 : i32
    %dma_start3A_29 = tpu.memref_slice %arg6[%dma_start3A_28] : memref<16384xi32, #tpu.memory_space<vmem>> -> memref<2048xi32, #tpu.memory_space<vmem>>
    %dma_start3A_30 = arith.constant 6144 : i32
    %dma_start3A_31 = tpu.memref_slice %arg3[%dma_start3A_30] : memref<131072xi32, #tpu.memory_space<hbm>> -> memref<2048xi32, #tpu.memory_space<hbm>>
    %dma_start3A_32 = arith.constant 6144 : i32
    %dma_start3A_33 = tpu.memref_slice %arg6[%dma_start3A_32] : memref<16384xi32, #tpu.memory_space<vmem>> -> memref<2048xi32, #tpu.memory_space<vmem>>
    %dma_start3A_34 = arith.constant 6144 : i32
    %dma_start3A_35 = tpu.memref_slice %arg3[%dma_start3A_34] : memref<131072xi32, #tpu.memory_space<hbm>> -> memref<2048xi32, #tpu.memory_space<hbm>>
    tpu.enqueue_dma source(%dma_start3A_35 : memref<2048xi32, #tpu.memory_space<hbm>>) target(%dma_start3A_33 : memref<2048xi32, #tpu.memory_space<vmem>>) target_semaphore(%arg8 : memref<!tpu.dma_semaphore, #tpu.memory_space<semaphore_mem>>)
    %dma_start3A_36 = arith.constant 8192 : i32
    %dma_start3A_37 = tpu.memref_slice %arg6[%dma_start3A_36] : memref<16384xi32, #tpu.memory_space<vmem>> -> memref<2048xi32, #tpu.memory_space<vmem>>
    %dma_start3A_38 = arith.constant 8192 : i32
    %dma_start3A_39 = tpu.memref_slice %arg3[%dma_start3A_38] : memref<131072xi32, #tpu.memory_space<hbm>> -> memref<2048xi32, #tpu.memory_space<hbm>>
    %dma_start3A_40 = arith.constant 8192 : i32
    %dma_start3A_41 = tpu.memref_slice %arg6[%dma_start3A_40] : memref<16384xi32, #tpu.memory_space<vmem>> -> memref<2048xi32, #tpu.memory_space<vmem>>
    %dma_start3A_42 = arith.constant 8192 : i32
    %dma_start3A_43 = tpu.memref_slice %arg3[%dma_start3A_42] : memref<131072xi32, #tpu.memory_space<hbm>> -> memref<2048xi32, #tpu.memory_space<hbm>>
    tpu.enqueue_dma source(%dma_start3A_43 : memref<2048xi32, #tpu.memory_space<hbm>>) target(%dma_start3A_41 : memref<2048xi32, #tpu.memory_space<vmem>>) target_semaphore(%arg8 : memref<!tpu.dma_semaphore, #tpu.memory_space<semaphore_mem>>)
    %dma_start3A_44 = arith.constant 10240 : i32
    %dma_start3A_45 = tpu.memref_slice %arg6[%dma_start3A_44] : memref<16384xi32, #tpu.memory_space<vmem>> -> memref<2048xi32, #tpu.memory_space<vmem>>
    %dma_start3A_46 = arith.constant 10240 : i32
    %dma_start3A_47 = tpu.memref_slice %arg3[%dma_start3A_46] : memref<131072xi32, #tpu.memory_space<hbm>> -> memref<2048xi32, #tpu.memory_space<hbm>>
    %dma_start3A_48 = arith.constant 10240 : i32
    %dma_start3A_49 = tpu.memref_slice %arg6[%dma_start3A_48] : memref<16384xi32, #tpu.memory_space<vmem>> -> memref<2048xi32, #tpu.memory_space<vmem>>
    %dma_start3A_50 = arith.constant 10240 : i32
    %dma_start3A_51 = tpu.memref_slice %arg3[%dma_start3A_50] : memref<131072xi32, #tpu.memory_space<hbm>> -> memref<2048xi32, #tpu.memory_space<hbm>>
    tpu.enqueue_dma source(%dma_start3A_51 : memref<2048xi32, #tpu.memory_space<hbm>>) target(%dma_start3A_49 : memref<2048xi32, #tpu.memory_space<vmem>>) target_semaphore(%arg8 : memref<!tpu.dma_semaphore, #tpu.memory_space<semaphore_mem>>)
    %dma_start3A_52 = arith.constant 12288 : i32
    %dma_start3A_53 = tpu.memref_slice %arg6[%dma_start3A_52] : memref<16384xi32, #tpu.memory_space<vmem>> -> memref<2048xi32, #tpu.memory_space<vmem>>
    %dma_start3A_54 = arith.constant 12288 : i32
    %dma_start3A_55 = tpu.memref_slice %arg3[%dma_start3A_54] : memref<131072xi32, #tpu.memory_space<hbm>> -> memref<2048xi32, #tpu.memory_space<hbm>>
    %dma_start3A_56 = arith.constant 12288 : i32
    %dma_start3A_57 = tpu.memref_slice %arg6[%dma_start3A_56] : memref<16384xi32, #tpu.memory_space<vmem>> -> memref<2048xi32, #tpu.memory_space<vmem>>
    %dma_start3A_58 = arith.constant 12288 : i32
    %dma_start3A_59 = tpu.memref_slice %arg3[%dma_start3A_58] : memref<131072xi32, #tpu.memory_space<hbm>> -> memref<2048xi32, #tpu.memory_space<hbm>>
    tpu.enqueue_dma source(%dma_start3A_59 : memref<2048xi32, #tpu.memory_space<hbm>>) target(%dma_start3A_57 : memref<2048xi32, #tpu.memory_space<vmem>>) target_semaphore(%arg8 : memref<!tpu.dma_semaphore, #tpu.memory_space<semaphore_mem>>)
    %dma_start3A_60 = arith.constant 14336 : i32
    %dma_start3A_61 = tpu.memref_slice %arg6[%dma_start3A_60] : memref<16384xi32, #tpu.memory_space<vmem>> -> memref<2048xi32, #tpu.memory_space<vmem>>
    %dma_start3A_62 = arith.constant 14336 : i32
    %dma_start3A_63 = tpu.memref_slice %arg3[%dma_start3A_62] : memref<131072xi32, #tpu.memory_space<hbm>> -> memref<2048xi32, #tpu.memory_space<hbm>>
    %dma_start3A_64 = arith.constant 14336 : i32
    %dma_start3A_65 = tpu.memref_slice %arg6[%dma_start3A_64] : memref<16384xi32, #tpu.memory_space<vmem>> -> memref<2048xi32, #tpu.memory_space<vmem>>
    %dma_start3A_66 = arith.constant 14336 : i32
    %dma_start3A_67 = tpu.memref_slice %arg3[%dma_start3A_66] : memref<131072xi32, #tpu.memory_space<hbm>> -> memref<2048xi32, #tpu.memory_space<hbm>>
    tpu.enqueue_dma source(%dma_start3A_67 : memref<2048xi32, #tpu.memory_space<hbm>>) target(%dma_start3A_65 : memref<2048xi32, #tpu.memory_space<vmem>>) target_semaphore(%arg8 : memref<!tpu.dma_semaphore, #tpu.memory_space<semaphore_mem>>)
    %scan3A = arith.constant 0 : i32
    %scan3A_68 = arith.constant 8 : i32
    %scan3A_69 = arith.addi %scan3A, %scan3A_68 : i32
    %scan3A_70 = arith.constant 1 : i32
    scf.for %scan3A_327 = %scan3A to %scan3A_69 step %scan3A_70  : i32 {
      %mul3A_328 = arith.constant 8 : i32
      %mul3A_329 = arith.muli %scan3A_327, %mul3A_328 : i32
      %add3A_330 = arith.constant 0 : i32
      %add3A_331 = arith.addi %add3A_330, %mul3A_329 : i32
      %add3A_332 = arith.constant 0 : i32
      %add3A_333 = arith.addi %add3A_331, %add3A_332 : i32
      %mul3A_334 = arith.constant 2048 : i32
      %mul3A_335 = arith.muli %add3A_333, %mul3A_334 : i32
      %dma_wait3A_336 = arith.constant 0 : i32
      %dma_wait3A_337 = tpu.memref_slice %arg6[%dma_wait3A_336] : memref<16384xi32, #tpu.memory_space<vmem>> -> memref<2048xi32, #tpu.memory_space<vmem>>
      %dma_wait3A_338 = tpu.memref_slice %arg3[%mul3A_335] : memref<131072xi32, #tpu.memory_space<hbm>> -> memref<2048xi32, #tpu.memory_space<hbm>>
      %dma_wait3A_339 = arith.constant 0 : i32
      %dma_wait3A_340 = tpu.memref_slice %arg6[%dma_wait3A_339] : memref<16384xi32, #tpu.memory_space<vmem>> -> memref<2048xi32, #tpu.memory_space<vmem>>
      %dma_wait3A_341 = tpu.memref_slice %arg3[%mul3A_335] : memref<131072xi32, #tpu.memory_space<hbm>> -> memref<2048xi32, #tpu.memory_space<hbm>>
      tpu.wait_dma2 semaphore(%arg8 : memref<!tpu.dma_semaphore, #tpu.memory_space<semaphore_mem>>) src(%dma_wait3A_341 : memref<2048xi32, #tpu.memory_space<hbm>>) dst(%dma_wait3A_340 : memref<2048xi32, #tpu.memory_space<vmem>>)
      %add3A_342 = arith.constant 8 : i32
      %add3A_343 = arith.addi %add3A_333, %add3A_342 : i32
      %lt3A = arith.constant 64 : i32
      %lt3A_344 = arith.cmpi slt, %add3A_343, %lt3A : i32
      %convert_element_type3A = arith.extui %lt3A_344 : i1 to i32
      %cond3A = arith.constant 0 : i32
      %cond3A_345 = arith.cmpi ne, %convert_element_type3A, %cond3A : i32
      scf.if %cond3A_345 {
        %add3A_783 = arith.constant 8 : i32
        %add3A_784 = arith.addi %add3A_333, %add3A_783 : i32
        %mul3A_785 = arith.constant 2048 : i32
        %mul3A_786 = arith.muli %add3A_784, %mul3A_785 : i32
        %dma_start3A_787 = arith.constant 0 : i32
        %dma_start3A_788 = tpu.memref_slice %arg6[%dma_start3A_787] : memref<16384xi32, #tpu.memory_space<vmem>> -> memref<2048xi32, #tpu.memory_space<vmem>>
        %dma_start3A_789 = tpu.memref_slice %arg3[%mul3A_786] : memref<131072xi32, #tpu.memory_space<hbm>> -> memref<2048xi32, #tpu.memory_space<hbm>>
        %dma_start3A_790 = arith.constant 0 : i32
        %dma_start3A_791 = tpu.memref_slice %arg6[%dma_start3A_790] : memref<16384xi32, #tpu.memory_space<vmem>> -> memref<2048xi32, #tpu.memory_space<vmem>>
        %dma_start3A_792 = tpu.memref_slice %arg3[%mul3A_786] : memref<131072xi32, #tpu.memory_space<hbm>> -> memref<2048xi32, #tpu.memory_space<hbm>>
        tpu.enqueue_dma source(%dma_start3A_792 : memref<2048xi32, #tpu.memory_space<hbm>>) target(%dma_start3A_791 : memref<2048xi32, #tpu.memory_space<vmem>>) target_semaphore(%arg8 : memref<!tpu.dma_semaphore, #tpu.memory_space<semaphore_mem>>)
      } else {
      }
      %ge3A = arith.constant 8 : i32
      %ge3A_346 = arith.cmpi sge, %add3A_333, %ge3A : i32
      %convert_element_type3A_347 = arith.extui %ge3A_346 : i1 to i32
      %cond3A_348 = arith.constant 0 : i32
      %cond3A_349 = arith.cmpi ne, %convert_element_type3A_347, %cond3A_348 : i32
      scf.if %cond3A_349 {
        %sub3A = arith.constant 8 : i32
        %sub3A_783 = arith.subi %add3A_333, %sub3A : i32
        %add3A_784 = arith.constant 0 : i32
        %add3A_785 = arith.addi %mul3A_2, %add3A_784 : i32
        %mul3A_786 = arith.constant 16 : i32
        %mul3A_787 = arith.muli %sub3A_783, %mul3A_786 : i32
        %dma_wait3A_788 = arith.constant 0 : i32
        %dma_wait3A_789 = arith.constant 0 : i32
        %dma_wait3A_790 = tpu.memref_slice %arg7[%dma_wait3A_788, %dma_wait3A_789] : memref<256x128xf32, #tpu.memory_space<vmem>> -> memref<16x128xf32, #tpu.memory_space<vmem>>
        %dma_wait3A_791 = arith.constant 0 : i32
        %dma_wait3A_792 = tpu.memref_slice %arg4[%add3A_785, %mul3A_787, %dma_wait3A_791] : memref<64x1024x128xf32, #tpu.memory_space<hbm>> -> memref<1x16x128xf32, #tpu.memory_space<hbm>>
        %dma_wait3A_793 = tpu.memref_squeeze %dma_wait3A_792 : memref<1x16x128xf32, #tpu.memory_space<hbm>> -> memref<16x128xf32, #tpu.memory_space<hbm>>
        %dma_wait3A_794 = arith.constant 0 : i32
        %dma_wait3A_795 = tpu.memref_slice %arg4[%add3A_785, %mul3A_787, %dma_wait3A_794] : memref<64x1024x128xf32, #tpu.memory_space<hbm>> -> memref<1x16x128xf32, #tpu.memory_space<hbm>>
        %dma_wait3A_796 = tpu.memref_squeeze %dma_wait3A_795 : memref<1x16x128xf32, #tpu.memory_space<hbm>> -> memref<16x128xf32, #tpu.memory_space<hbm>>
        %dma_wait3A_797 = arith.constant 0 : i32
        %dma_wait3A_798 = arith.constant 0 : i32
        %dma_wait3A_799 = tpu.memref_slice %arg7[%dma_wait3A_797, %dma_wait3A_798] : memref<256x128xf32, #tpu.memory_space<vmem>> -> memref<16x128xf32, #tpu.memory_space<vmem>>
        tpu.wait_dma2 semaphore(%arg9 : memref<!tpu.dma_semaphore, #tpu.memory_space<semaphore_mem>>) src(%dma_wait3A_799 : memref<16x128xf32, #tpu.memory_space<vmem>>) dst(%dma_wait3A_796 : memref<16x128xf32, #tpu.memory_space<hbm>>)
        %sub3A_800 = arith.constant 8 : i32
        %sub3A_801 = arith.subi %add3A_333, %sub3A_800 : i32
        %add3A_802 = arith.constant 1 : i32
        %add3A_803 = arith.addi %mul3A_2, %add3A_802 : i32
        %mul3A_804 = arith.constant 16 : i32
        %mul3A_805 = arith.muli %sub3A_801, %mul3A_804 : i32
        %dma_wait3A_806 = arith.constant 16 : i32
        %dma_wait3A_807 = arith.constant 0 : i32
        %dma_wait3A_808 = tpu.memref_slice %arg7[%dma_wait3A_806, %dma_wait3A_807] : memref<256x128xf32, #tpu.memory_space<vmem>> -> memref<16x128xf32, #tpu.memory_space<vmem>>
        %dma_wait3A_809 = arith.constant 0 : i32
        %dma_wait3A_810 = tpu.memref_slice %arg4[%add3A_803, %mul3A_805, %dma_wait3A_809] : memref<64x1024x128xf32, #tpu.memory_space<hbm>> -> memref<1x16x128xf32, #tpu.memory_space<hbm>>
        %dma_wait3A_811 = tpu.memref_squeeze %dma_wait3A_810 : memref<1x16x128xf32, #tpu.memory_space<hbm>> -> memref<16x128xf32, #tpu.memory_space<hbm>>
        %dma_wait3A_812 = arith.constant 0 : i32
        %dma_wait3A_813 = tpu.memref_slice %arg4[%add3A_803, %mul3A_805, %dma_wait3A_812] : memref<64x1024x128xf32, #tpu.memory_space<hbm>> -> memref<1x16x128xf32, #tpu.memory_space<hbm>>
        %dma_wait3A_814 = tpu.memref_squeeze %dma_wait3A_813 : memref<1x16x128xf32, #tpu.memory_space<hbm>> -> memref<16x128xf32, #tpu.memory_space<hbm>>
        %dma_wait3A_815 = arith.constant 16 : i32
        %dma_wait3A_816 = arith.constant 0 : i32
        %dma_wait3A_817 = tpu.memref_slice %arg7[%dma_wait3A_815, %dma_wait3A_816] : memref<256x128xf32, #tpu.memory_space<vmem>> -> memref<16x128xf32, #tpu.memory_space<vmem>>
        tpu.wait_dma2 semaphore(%arg9 : memref<!tpu.dma_semaphore, #tpu.memory_space<semaphore_mem>>) src(%dma_wait3A_817 : memref<16x128xf32, #tpu.memory_space<vmem>>) dst(%dma_wait3A_814 : memref<16x128xf32, #tpu.memory_space<hbm>>)
      } else {
      }
      %parallel_loop3A = arith.constant 0 : i32
      %parallel_loop3A_350 = arith.constant 128 : i32
      %parallel_loop3A_351 = arith.constant 1 : i32
      scf.for %parallel_loop3A_783 = %parallel_loop3A to %parallel_loop3A_350 step %parallel_loop3A_351  : i32 {
        %parallel_loop3A_784 = arith.constant 16 : i32
        %parallel_loop3A_785 = arith.muli %parallel_loop3A_783, %parallel_loop3A_784 : i32
        %parallel_loop3A_786 = arith.constant 0 : i32
        %parallel_loop3A_787 = arith.addi %parallel_loop3A_786, %parallel_loop3A_785 : i32
        %parallel_loop3A_788 = arith.index_cast %parallel_loop3A_787 : i32 to index
        %parallel_loop3A_789 = tpu.vector_load %arg6[%parallel_loop3A_788] {strides = array<i32>} : memref<16384xi32, #tpu.memory_space<vmem>>, vector<16xi32>,
        %parallel_loop3A_790 = arith.constant 8 : i32
        %parallel_loop3A_791 = arith.divsi %parallel_loop3A_783, %parallel_loop3A_790 : i32
        %parallel_loop3A_792 = arith.constant 0 : i32
        %parallel_loop3A_793 = arith.cmpi sgt, %parallel_loop3A_783, %parallel_loop3A_792 : i32
        %parallel_loop3A_794 = arith.extui %parallel_loop3A_793 : i1 to i32
        %parallel_loop3A_795 = arith.constant 0 : i32
        %parallel_loop3A_796 = arith.cmpi slt, %parallel_loop3A_783, %parallel_loop3A_795 : i32
        %parallel_loop3A_797 = arith.extui %parallel_loop3A_796 : i1 to i32
        %parallel_loop3A_798 = arith.subi %parallel_loop3A_794, %parallel_loop3A_797 : i32
        %parallel_loop3A_799 = arith.constant 0 : i32
        %parallel_loop3A_800 = arith.cmpi sgt, %parallel_loop3A_790, %parallel_loop3A_799 : i32
        %parallel_loop3A_801 = arith.extui %parallel_loop3A_800 : i1 to i32
        %parallel_loop3A_802 = arith.constant 0 : i32
        %parallel_loop3A_803 = arith.cmpi slt, %parallel_loop3A_790, %parallel_loop3A_802 : i32
        %parallel_loop3A_804 = arith.extui %parallel_loop3A_803 : i1 to i32
        %parallel_loop3A_805 = arith.subi %parallel_loop3A_801, %parallel_loop3A_804 : i32
        %parallel_loop3A_806 = arith.cmpi ne, %parallel_loop3A_798, %parallel_loop3A_805 : i32
        %parallel_loop3A_807 = arith.remsi %parallel_loop3A_783, %parallel_loop3A_790 : i32
        %parallel_loop3A_808 = arith.constant 0 : i32
        %parallel_loop3A_809 = arith.cmpi ne, %parallel_loop3A_807, %parallel_loop3A_808 : i32
        %parallel_loop3A_810 = arith.andi %parallel_loop3A_806, %parallel_loop3A_809 : i1
        %parallel_loop3A_811 = arith.constant 1 : i32
        %parallel_loop3A_812 = arith.subi %parallel_loop3A_791, %parallel_loop3A_811 : i32
        %parallel_loop3A_813 = arith.select %parallel_loop3A_810, %parallel_loop3A_812, %parallel_loop3A_791 : i32
        %parallel_loop3A_814 = arith.constant 8 : i32
        %parallel_loop3A_815 = arith.constant 0 : i32
        %parallel_loop3A_816 = arith.cmpi eq, %parallel_loop3A_814, %parallel_loop3A_815 : i32
        %parallel_loop3A_817 = arith.constant 1 : i32
        %parallel_loop3A_818 = arith.select %parallel_loop3A_816, %parallel_loop3A_817, %parallel_loop3A_814 : i32
        %parallel_loop3A_819 = arith.remsi %parallel_loop3A_783, %parallel_loop3A_818 : i32
        %parallel_loop3A_820 = arith.constant 0 : i32
        %parallel_loop3A_821 = arith.cmpi ne, %parallel_loop3A_819, %parallel_loop3A_820 : i32
        %parallel_loop3A_822 = arith.constant 0 : i32
        %parallel_loop3A_823 = arith.cmpi slt, %parallel_loop3A_819, %parallel_loop3A_822 : i32
        %parallel_loop3A_824 = arith.constant 0 : i32
        %parallel_loop3A_825 = arith.cmpi slt, %parallel_loop3A_818, %parallel_loop3A_824 : i32
        %parallel_loop3A_826 = arith.xori %parallel_loop3A_823, %parallel_loop3A_825 : i1
        %parallel_loop3A_827 = arith.andi %parallel_loop3A_826, %parallel_loop3A_821 : i1
        %parallel_loop3A_828 = arith.addi %parallel_loop3A_819, %parallel_loop3A_818 : i32
        %parallel_loop3A_829 = arith.select %parallel_loop3A_827, %parallel_loop3A_828, %parallel_loop3A_819 : i32
        %parallel_loop3A_830 = arith.constant 16 : i32
        %parallel_loop3A_831 = arith.muli %parallel_loop3A_829, %parallel_loop3A_830 : i32
        %parallel_loop3A_832 = tpu.vector_load_idx %arg5[%parallel_loop3A_789] : memref<32768xf32, #tpu.memory_space<vmem>>[vector<16xi32>], vector<16xf32>,
        %parallel_loop3A_833 = arith.constant 0 : i32
        %parallel_loop3A_834 = arith.addi %parallel_loop3A_833, %parallel_loop3A_813 : i32
        %parallel_loop3A_835 = arith.index_cast %parallel_loop3A_834 : i32 to index
        %parallel_loop3A_836 = arith.index_cast %parallel_loop3A_831 : i32 to index
        %parallel_loop3A_837 = tpu.vector_load %arg7[%parallel_loop3A_835, %parallel_loop3A_836] {strides = array<i32>} : memref<256x128xf32, #tpu.memory_space<vmem>>, vector<16xf32>,
        tpu.vector_store %arg7[%parallel_loop3A_835, %parallel_loop3A_836], %parallel_loop3A_832 {strides = array<i32>} : memref<256x128xf32, #tpu.memory_space<vmem>>, vector<16xf32>,
        %parallel_loop3A_838 = arith.constant 16384 : i32
        %parallel_loop3A_839 = vector.broadcast %parallel_loop3A_838 : i32 to vector<16xi32>
        %parallel_loop3A_840 = arith.addi %parallel_loop3A_789, %parallel_loop3A_839 : vector<16xi32>
        %parallel_loop3A_841 = tpu.vector_load_idx %arg5[%parallel_loop3A_840] : memref<32768xf32, #tpu.memory_space<vmem>>[vector<16xi32>], vector<16xf32>,
        %parallel_loop3A_842 = arith.constant 16 : i32
        %parallel_loop3A_843 = arith.addi %parallel_loop3A_842, %parallel_loop3A_813 : i32
        %parallel_loop3A_844 = arith.index_cast %parallel_loop3A_843 : i32 to index
        %parallel_loop3A_845 = arith.index_cast %parallel_loop3A_831 : i32 to index
        %parallel_loop3A_846 = tpu.vector_load %arg7[%parallel_loop3A_844, %parallel_loop3A_845] {strides = array<i32>} : memref<256x128xf32, #tpu.memory_space<vmem>>, vector<16xf32>,
        tpu.vector_store %arg7[%parallel_loop3A_844, %parallel_loop3A_845], %parallel_loop3A_841 {strides = array<i32>} : memref<256x128xf32, #tpu.memory_space<vmem>>, vector<16xf32>,
      } {sc.loop_unroll_factor = 8 : i64, sc.parallel_access}
      %add3A_352 = arith.constant 0 : i32
      %add3A_353 = arith.addi %mul3A_2, %add3A_352 : i32
      %mul3A_354 = arith.constant 16 : i32
      %mul3A_355 = arith.muli %add3A_333, %mul3A_354 : i32
      %dma_start3A_356 = arith.constant 0 : i32
      %dma_start3A_357 = arith.constant 0 : i32
      %dma_start3A_358 = tpu.memref_slice %arg7[%dma_start3A_356, %dma_start3A_357] : memref<256x128xf32, #tpu.memory_space<vmem>> -> memref<16x128xf32, #tpu.memory_space<vmem>>
      %dma_start3A_359 = arith.constant 0 : i32
      %dma_start3A_360 = tpu.memref_slice %arg4[%add3A_353, %mul3A_355, %dma_start3A_359] : memref<64x1024x128xf32, #tpu.memory_space<hbm>> -> memref<1x16x128xf32, #tpu.memory_space<hbm>>
      %dma_start3A_361 = tpu.memref_squeeze %dma_start3A_360 : memref<1x16x128xf32, #tpu.memory_space<hbm>> -> memref<16x128xf32, #tpu.memory_space<hbm>>
      %dma_start3A_362 = arith.constant 0 : i32
      %dma_start3A_363 = tpu.memref_slice %arg4[%add3A_353, %mul3A_355, %dma_start3A_362] : memref<64x1024x128xf32, #tpu.memory_space<hbm>> -> memref<1x16x128xf32, #tpu.memory_space<hbm>>
      %dma_start3A_364 = tpu.memref_squeeze %dma_start3A_363 : memref<1x16x128xf32, #tpu.memory_space<hbm>> -> memref<16x128xf32, #tpu.memory_space<hbm>>
      %dma_start3A_365 = arith.constant 0 : i32
      %dma_start3A_366 = arith.constant 0 : i32
      %dma_start3A_367 = tpu.memref_slice %arg7[%dma_start3A_365, %dma_start3A_366] : memref<256x128xf32, #tpu.memory_space<vmem>> -> memref<16x128xf32, #tpu.memory_space<vmem>>
      tpu.enqueue_dma source(%dma_start3A_367 : memref<16x128xf32, #tpu.memory_space<vmem>>) target(%dma_start3A_364 : memref<16x128xf32, #tpu.memory_space<hbm>>) target_semaphore(%arg9 : memref<!tpu.dma_semaphore, #tpu.memory_space<semaphore_mem>>)
      %add3A_368 = arith.constant 1 : i32
      %add3A_369 = arith.addi %mul3A_2, %add3A_368 : i32
      %mul3A_370 = arith.constant 16 : i32
      %mul3A_371 = arith.muli %add3A_333, %mul3A_370 : i32
      %dma_start3A_372 = arith.constant 16 : i32
      %dma_start3A_373 = arith.constant 0 : i32
      %dma_start3A_374 = tpu.memref_slice %arg7[%dma_start3A_372, %dma_start3A_373] : memref<256x128xf32, #tpu.memory_space<vmem>> -> memref<16x128xf32, #tpu.memory_space<vmem>>
      %dma_start3A_375 = arith.constant 0 : i32
      %dma_start3A_376 = tpu.memref_slice %arg4[%add3A_369, %mul3A_371, %dma_start3A_375] : memref<64x1024x128xf32, #tpu.memory_space<hbm>> -> memref<1x16x128xf32, #tpu.memory_space<hbm>>
      %dma_start3A_377 = tpu.memref_squeeze %dma_start3A_376 : memref<1x16x128xf32, #tpu.memory_space<hbm>> -> memref<16x128xf32, #tpu.memory_space<hbm>>
      %dma_start3A_378 = arith.constant 0 : i32
      %dma_start3A_379 = tpu.memref_slice %arg4[%add3A_369, %mul3A_371, %dma_start3A_378] : memref<64x1024x128xf32, #tpu.memory_space<hbm>> -> memref<1x16x128xf32, #tpu.memory_space<hbm>>
      %dma_start3A_380 = tpu.memref_squeeze %dma_start3A_379 : memref<1x16x128xf32, #tpu.memory_space<hbm>> -> memref<16x128xf32, #tpu.memory_space<hbm>>
      %dma_start3A_381 = arith.constant 16 : i32
      %dma_start3A_382 = arith.constant 0 : i32
      %dma_start3A_383 = tpu.memref_slice %arg7[%dma_start3A_381, %dma_start3A_382] : memref<256x128xf32, #tpu.memory_space<vmem>> -> memref<16x128xf32, #tpu.memory_space<vmem>>
      tpu.enqueue_dma source(%dma_start3A_383 : memref<16x128xf32, #tpu.memory_space<vmem>>) target(%dma_start3A_380 : memref<16x128xf32, #tpu.memory_space<hbm>>) target_semaphore(%arg9 : memref<!tpu.dma_semaphore, #tpu.memory_space<semaphore_mem>>)
      %add3A_384 = arith.constant 1 : i32
      %add3A_385 = arith.addi %add3A_331, %add3A_384 : i32
      %mul3A_386 = arith.constant 2048 : i32
      %mul3A_387 = arith.muli %add3A_385, %mul3A_386 : i32
      %dma_wait3A_388 = arith.constant 2048 : i32
      %dma_wait3A_389 = tpu.memref_slice %arg6[%dma_wait3A_388] : memref<16384xi32, #tpu.memory_space<vmem>> -> memref<2048xi32, #tpu.memory_space<vmem>>
      %dma_wait3A_390 = tpu.memref_slice %arg3[%mul3A_387] : memref<131072xi32, #tpu.memory_space<hbm>> -> memref<2048xi32, #tpu.memory_space<hbm>>
      %dma_wait3A_391 = arith.constant 2048 : i32
      %dma_wait3A_392 = tpu.memref_slice %arg6[%dma_wait3A_391] : memref<16384xi32, #tpu.memory_space<vmem>> -> memref<2048xi32, #tpu.memory_space<vmem>>
      %dma_wait3A_393 = tpu.memref_slice %arg3[%mul3A_387] : memref<131072xi32, #tpu.memory_space<hbm>> -> memref<2048xi32, #tpu.memory_space<hbm>>
      tpu.wait_dma2 semaphore(%arg8 : memref<!tpu.dma_semaphore, #tpu.memory_space<semaphore_mem>>) src(%dma_wait3A_393 : memref<2048xi32, #tpu.memory_space<hbm>>) dst(%dma_wait3A_392 : memref<2048xi32, #tpu.memory_space<vmem>>)
      %add3A_394 = arith.constant 8 : i32
      %add3A_395 = arith.addi %add3A_385, %add3A_394 : i32
      %lt3A_396 = arith.constant 64 : i32
      %lt3A_397 = arith.cmpi slt, %add3A_395, %lt3A_396 : i32
      %convert_element_type3A_398 = arith.extui %lt3A_397 : i1 to i32
      %cond3A_399 = arith.constant 0 : i32
      %cond3A_400 = arith.cmpi ne, %convert_element_type3A_398, %cond3A_399 : i32
      scf.if %cond3A_400 {
        %add3A_783 = arith.constant 8 : i32
        %add3A_784 = arith.addi %add3A_385, %add3A_783 : i32
        %mul3A_785 = arith.constant 2048 : i32
        %mul3A_786 = arith.muli %add3A_784, %mul3A_785 : i32
        %dma_start3A_787 = arith.constant 2048 : i32
        %dma_start3A_788 = tpu.memref_slice %arg6[%dma_start3A_787] : memref<16384xi32, #tpu.memory_space<vmem>> -> memref<2048xi32, #tpu.memory_space<vmem>>
        %dma_start3A_789 = tpu.memref_slice %arg3[%mul3A_786] : memref<131072xi32, #tpu.memory_space<hbm>> -> memref<2048xi32, #tpu.memory_space<hbm>>
        %dma_start3A_790 = arith.constant 2048 : i32
        %dma_start3A_791 = tpu.memref_slice %arg6[%dma_start3A_790] : memref<16384xi32, #tpu.memory_space<vmem>> -> memref<2048xi32, #tpu.memory_space<vmem>>
        %dma_start3A_792 = tpu.memref_slice %arg3[%mul3A_786] : memref<131072xi32, #tpu.memory_space<hbm>> -> memref<2048xi32, #tpu.memory_space<hbm>>
        tpu.enqueue_dma source(%dma_start3A_792 : memref<2048xi32, #tpu.memory_space<hbm>>) target(%dma_start3A_791 : memref<2048xi32, #tpu.memory_space<vmem>>) target_semaphore(%arg8 : memref<!tpu.dma_semaphore, #tpu.memory_space<semaphore_mem>>)
      } else {
      }
      %ge3A_401 = arith.constant 8 : i32
      %ge3A_402 = arith.cmpi sge, %add3A_385, %ge3A_401 : i32
      %convert_element_type3A_403 = arith.extui %ge3A_402 : i1 to i32
      %cond3A_404 = arith.constant 0 : i32
      %cond3A_405 = arith.cmpi ne, %convert_element_type3A_403, %cond3A_404 : i32
      scf.if %cond3A_405 {
        %sub3A = arith.constant 8 : i32
        %sub3A_783 = arith.subi %add3A_385, %sub3A : i32
        %add3A_784 = arith.constant 0 : i32
        %add3A_785 = arith.addi %mul3A_2, %add3A_784 : i32
        %mul3A_786 = arith.constant 16 : i32
        %mul3A_787 = arith.muli %sub3A_783, %mul3A_786 : i32
        %dma_wait3A_788 = arith.constant 32 : i32
        %dma_wait3A_789 = arith.constant 0 : i32
        %dma_wait3A_790 = tpu.memref_slice %arg7[%dma_wait3A_788, %dma_wait3A_789] : memref<256x128xf32, #tpu.memory_space<vmem>> -> memref<16x128xf32, #tpu.memory_space<vmem>>
        %dma_wait3A_791 = arith.constant 0 : i32
        %dma_wait3A_792 = tpu.memref_slice %arg4[%add3A_785, %mul3A_787, %dma_wait3A_791] : memref<64x1024x128xf32, #tpu.memory_space<hbm>> -> memref<1x16x128xf32, #tpu.memory_space<hbm>>
        %dma_wait3A_793 = tpu.memref_squeeze %dma_wait3A_792 : memref<1x16x128xf32, #tpu.memory_space<hbm>> -> memref<16x128xf32, #tpu.memory_space<hbm>>
        %dma_wait3A_794 = arith.constant 0 : i32
        %dma_wait3A_795 = tpu.memref_slice %arg4[%add3A_785, %mul3A_787, %dma_wait3A_794] : memref<64x1024x128xf32, #tpu.memory_space<hbm>> -> memref<1x16x128xf32, #tpu.memory_space<hbm>>
        %dma_wait3A_796 = tpu.memref_squeeze %dma_wait3A_795 : memref<1x16x128xf32, #tpu.memory_space<hbm>> -> memref<16x128xf32, #tpu.memory_space<hbm>>
        %dma_wait3A_797 = arith.constant 32 : i32
        %dma_wait3A_798 = arith.constant 0 : i32
        %dma_wait3A_799 = tpu.memref_slice %arg7[%dma_wait3A_797, %dma_wait3A_798] : memref<256x128xf32, #tpu.memory_space<vmem>> -> memref<16x128xf32, #tpu.memory_space<vmem>>
        tpu.wait_dma2 semaphore(%arg9 : memref<!tpu.dma_semaphore, #tpu.memory_space<semaphore_mem>>) src(%dma_wait3A_799 : memref<16x128xf32, #tpu.memory_space<vmem>>) dst(%dma_wait3A_796 : memref<16x128xf32, #tpu.memory_space<hbm>>)
        %sub3A_800 = arith.constant 8 : i32
        %sub3A_801 = arith.subi %add3A_385, %sub3A_800 : i32
        %add3A_802 = arith.constant 1 : i32
        %add3A_803 = arith.addi %mul3A_2, %add3A_802 : i32
        %mul3A_804 = arith.constant 16 : i32
        %mul3A_805 = arith.muli %sub3A_801, %mul3A_804 : i32
        %dma_wait3A_806 = arith.constant 48 : i32
        %dma_wait3A_807 = arith.constant 0 : i32
        %dma_wait3A_808 = tpu.memref_slice %arg7[%dma_wait3A_806, %dma_wait3A_807] : memref<256x128xf32, #tpu.memory_space<vmem>> -> memref<16x128xf32, #tpu.memory_space<vmem>>
        %dma_wait3A_809 = arith.constant 0 : i32
        %dma_wait3A_810 = tpu.memref_slice %arg4[%add3A_803, %mul3A_805, %dma_wait3A_809] : memref<64x1024x128xf32, #tpu.memory_space<hbm>> -> memref<1x16x128xf32, #tpu.memory_space<hbm>>
        %dma_wait3A_811 = tpu.memref_squeeze %dma_wait3A_810 : memref<1x16x128xf32, #tpu.memory_space<hbm>> -> memref<16x128xf32, #tpu.memory_space<hbm>>
        %dma_wait3A_812 = arith.constant 0 : i32
        %dma_wait3A_813 = tpu.memref_slice %arg4[%add3A_803, %mul3A_805, %dma_wait3A_812] : memref<64x1024x128xf32, #tpu.memory_space<hbm>> -> memref<1x16x128xf32, #tpu.memory_space<hbm>>
        %dma_wait3A_814 = tpu.memref_squeeze %dma_wait3A_813 : memref<1x16x128xf32, #tpu.memory_space<hbm>> -> memref<16x128xf32, #tpu.memory_space<hbm>>
        %dma_wait3A_815 = arith.constant 48 : i32
        %dma_wait3A_816 = arith.constant 0 : i32
        %dma_wait3A_817 = tpu.memref_slice %arg7[%dma_wait3A_815, %dma_wait3A_816] : memref<256x128xf32, #tpu.memory_space<vmem>> -> memref<16x128xf32, #tpu.memory_space<vmem>>
        tpu.wait_dma2 semaphore(%arg9 : memref<!tpu.dma_semaphore, #tpu.memory_space<semaphore_mem>>) src(%dma_wait3A_817 : memref<16x128xf32, #tpu.memory_space<vmem>>) dst(%dma_wait3A_814 : memref<16x128xf32, #tpu.memory_space<hbm>>)
      } else {
      }
      %parallel_loop3A_406 = arith.constant 0 : i32
      %parallel_loop3A_407 = arith.constant 128 : i32
      %parallel_loop3A_408 = arith.constant 1 : i32
      scf.for %parallel_loop3A_783 = %parallel_loop3A_406 to %parallel_loop3A_407 step %parallel_loop3A_408  : i32 {
        %parallel_loop3A_784 = arith.constant 16 : i32
        %parallel_loop3A_785 = arith.muli %parallel_loop3A_783, %parallel_loop3A_784 : i32
        %parallel_loop3A_786 = arith.constant 2048 : i32
        %parallel_loop3A_787 = arith.addi %parallel_loop3A_786, %parallel_loop3A_785 : i32
        %parallel_loop3A_788 = arith.index_cast %parallel_loop3A_787 : i32 to index
        %parallel_loop3A_789 = tpu.vector_load %arg6[%parallel_loop3A_788] {strides = array<i32>} : memref<16384xi32, #tpu.memory_space<vmem>>, vector<16xi32>,
        %parallel_loop3A_790 = arith.constant 8 : i32
        %parallel_loop3A_791 = arith.divsi %parallel_loop3A_783, %parallel_loop3A_790 : i32
        %parallel_loop3A_792 = arith.constant 0 : i32
        %parallel_loop3A_793 = arith.cmpi sgt, %parallel_loop3A_783, %parallel_loop3A_792 : i32
        %parallel_loop3A_794 = arith.extui %parallel_loop3A_793 : i1 to i32
        %parallel_loop3A_795 = arith.constant 0 : i32
        %parallel_loop3A_796 = arith.cmpi slt, %parallel_loop3A_783, %parallel_loop3A_795 : i32
        %parallel_loop3A_797 = arith.extui %parallel_loop3A_796 : i1 to i32
        %parallel_loop3A_798 = arith.subi %parallel_loop3A_794, %parallel_loop3A_797 : i32
        %parallel_loop3A_799 = arith.constant 0 : i32
        %parallel_loop3A_800 = arith.cmpi sgt, %parallel_loop3A_790, %parallel_loop3A_799 : i32
        %parallel_loop3A_801 = arith.extui %parallel_loop3A_800 : i1 to i32
        %parallel_loop3A_802 = arith.constant 0 : i32
        %parallel_loop3A_803 = arith.cmpi slt, %parallel_loop3A_790, %parallel_loop3A_802 : i32
        %parallel_loop3A_804 = arith.extui %parallel_loop3A_803 : i1 to i32
        %parallel_loop3A_805 = arith.subi %parallel_loop3A_801, %parallel_loop3A_804 : i32
        %parallel_loop3A_806 = arith.cmpi ne, %parallel_loop3A_798, %parallel_loop3A_805 : i32
        %parallel_loop3A_807 = arith.remsi %parallel_loop3A_783, %parallel_loop3A_790 : i32
        %parallel_loop3A_808 = arith.constant 0 : i32
        %parallel_loop3A_809 = arith.cmpi ne, %parallel_loop3A_807, %parallel_loop3A_808 : i32
        %parallel_loop3A_810 = arith.andi %parallel_loop3A_806, %parallel_loop3A_809 : i1
        %parallel_loop3A_811 = arith.constant 1 : i32
        %parallel_loop3A_812 = arith.subi %parallel_loop3A_791, %parallel_loop3A_811 : i32
        %parallel_loop3A_813 = arith.select %parallel_loop3A_810, %parallel_loop3A_812, %parallel_loop3A_791 : i32
        %parallel_loop3A_814 = arith.constant 8 : i32
        %parallel_loop3A_815 = arith.constant 0 : i32
        %parallel_loop3A_816 = arith.cmpi eq, %parallel_loop3A_814, %parallel_loop3A_815 : i32
        %parallel_loop3A_817 = arith.constant 1 : i32
        %parallel_loop3A_818 = arith.select %parallel_loop3A_816, %parallel_loop3A_817, %parallel_loop3A_814 : i32
        %parallel_loop3A_819 = arith.remsi %parallel_loop3A_783, %parallel_loop3A_818 : i32
        %parallel_loop3A_820 = arith.constant 0 : i32
        %parallel_loop3A_821 = arith.cmpi ne, %parallel_loop3A_819, %parallel_loop3A_820 : i32
        %parallel_loop3A_822 = arith.constant 0 : i32
        %parallel_loop3A_823 = arith.cmpi slt, %parallel_loop3A_819, %parallel_loop3A_822 : i32
        %parallel_loop3A_824 = arith.constant 0 : i32
        %parallel_loop3A_825 = arith.cmpi slt, %parallel_loop3A_818, %parallel_loop3A_824 : i32
        %parallel_loop3A_826 = arith.xori %parallel_loop3A_823, %parallel_loop3A_825 : i1
        %parallel_loop3A_827 = arith.andi %parallel_loop3A_826, %parallel_loop3A_821 : i1
        %parallel_loop3A_828 = arith.addi %parallel_loop3A_819, %parallel_loop3A_818 : i32
        %parallel_loop3A_829 = arith.select %parallel_loop3A_827, %parallel_loop3A_828, %parallel_loop3A_819 : i32
        %parallel_loop3A_830 = arith.constant 16 : i32
        %parallel_loop3A_831 = arith.muli %parallel_loop3A_829, %parallel_loop3A_830 : i32
        %parallel_loop3A_832 = tpu.vector_load_idx %arg5[%parallel_loop3A_789] : memref<32768xf32, #tpu.memory_space<vmem>>[vector<16xi32>], vector<16xf32>,
        %parallel_loop3A_833 = arith.constant 32 : i32
        %parallel_loop3A_834 = arith.addi %parallel_loop3A_833, %parallel_loop3A_813 : i32
        %parallel_loop3A_835 = arith.index_cast %parallel_loop3A_834 : i32 to index
        %parallel_loop3A_836 = arith.index_cast %parallel_loop3A_831 : i32 to index
        %parallel_loop3A_837 = tpu.vector_load %arg7[%parallel_loop3A_835, %parallel_loop3A_836] {strides = array<i32>} : memref<256x128xf32, #tpu.memory_space<vmem>>, vector<16xf32>,
        tpu.vector_store %arg7[%parallel_loop3A_835, %parallel_loop3A_836], %parallel_loop3A_832 {strides = array<i32>} : memref<256x128xf32, #tpu.memory_space<vmem>>, vector<16xf32>,
        %parallel_loop3A_838 = arith.constant 16384 : i32
        %parallel_loop3A_839 = vector.broadcast %parallel_loop3A_838 : i32 to vector<16xi32>
        %parallel_loop3A_840 = arith.addi %parallel_loop3A_789, %parallel_loop3A_839 : vector<16xi32>
        %parallel_loop3A_841 = tpu.vector_load_idx %arg5[%parallel_loop3A_840] : memref<32768xf32, #tpu.memory_space<vmem>>[vector<16xi32>], vector<16xf32>,
        %parallel_loop3A_842 = arith.constant 48 : i32
        %parallel_loop3A_843 = arith.addi %parallel_loop3A_842, %parallel_loop3A_813 : i32
        %parallel_loop3A_844 = arith.index_cast %parallel_loop3A_843 : i32 to index
        %parallel_loop3A_845 = arith.index_cast %parallel_loop3A_831 : i32 to index
        %parallel_loop3A_846 = tpu.vector_load %arg7[%parallel_loop3A_844, %parallel_loop3A_845] {strides = array<i32>} : memref<256x128xf32, #tpu.memory_space<vmem>>, vector<16xf32>,
        tpu.vector_store %arg7[%parallel_loop3A_844, %parallel_loop3A_845], %parallel_loop3A_841 {strides = array<i32>} : memref<256x128xf32, #tpu.memory_space<vmem>>, vector<16xf32>,
      } {sc.loop_unroll_factor = 8 : i64, sc.parallel_access}
      %add3A_409 = arith.constant 0 : i32
      %add3A_410 = arith.addi %mul3A_2, %add3A_409 : i32
      %mul3A_411 = arith.constant 16 : i32
      %mul3A_412 = arith.muli %add3A_385, %mul3A_411 : i32
      %dma_start3A_413 = arith.constant 32 : i32
      %dma_start3A_414 = arith.constant 0 : i32
      %dma_start3A_415 = tpu.memref_slice %arg7[%dma_start3A_413, %dma_start3A_414] : memref<256x128xf32, #tpu.memory_space<vmem>> -> memref<16x128xf32, #tpu.memory_space<vmem>>
      %dma_start3A_416 = arith.constant 0 : i32
      %dma_start3A_417 = tpu.memref_slice %arg4[%add3A_410, %mul3A_412, %dma_start3A_416] : memref<64x1024x128xf32, #tpu.memory_space<hbm>> -> memref<1x16x128xf32, #tpu.memory_space<hbm>>
      %dma_start3A_418 = tpu.memref_squeeze %dma_start3A_417 : memref<1x16x128xf32, #tpu.memory_space<hbm>> -> memref<16x128xf32, #tpu.memory_space<hbm>>
      %dma_start3A_419 = arith.constant 0 : i32
      %dma_start3A_420 = tpu.memref_slice %arg4[%add3A_410, %mul3A_412, %dma_start3A_419] : memref<64x1024x128xf32, #tpu.memory_space<hbm>> -> memref<1x16x128xf32, #tpu.memory_space<hbm>>
      %dma_start3A_421 = tpu.memref_squeeze %dma_start3A_420 : memref<1x16x128xf32, #tpu.memory_space<hbm>> -> memref<16x128xf32, #tpu.memory_space<hbm>>
      %dma_start3A_422 = arith.constant 32 : i32
      %dma_start3A_423 = arith.constant 0 : i32
      %dma_start3A_424 = tpu.memref_slice %arg7[%dma_start3A_422, %dma_start3A_423] : memref<256x128xf32, #tpu.memory_space<vmem>> -> memref<16x128xf32, #tpu.memory_space<vmem>>
      tpu.enqueue_dma source(%dma_start3A_424 : memref<16x128xf32, #tpu.memory_space<vmem>>) target(%dma_start3A_421 : memref<16x128xf32, #tpu.memory_space<hbm>>) target_semaphore(%arg9 : memref<!tpu.dma_semaphore, #tpu.memory_space<semaphore_mem>>)
      %add3A_425 = arith.constant 1 : i32
      %add3A_426 = arith.addi %mul3A_2, %add3A_425 : i32
      %mul3A_427 = arith.constant 16 : i32
      %mul3A_428 = arith.muli %add3A_385, %mul3A_427 : i32
      %dma_start3A_429 = arith.constant 48 : i32
      %dma_start3A_430 = arith.constant 0 : i32
      %dma_start3A_431 = tpu.memref_slice %arg7[%dma_start3A_429, %dma_start3A_430] : memref<256x128xf32, #tpu.memory_space<vmem>> -> memref<16x128xf32, #tpu.memory_space<vmem>>
      %dma_start3A_432 = arith.constant 0 : i32
      %dma_start3A_433 = tpu.memref_slice %arg4[%add3A_426, %mul3A_428, %dma_start3A_432] : memref<64x1024x128xf32, #tpu.memory_space<hbm>> -> memref<1x16x128xf32, #tpu.memory_space<hbm>>
      %dma_start3A_434 = tpu.memref_squeeze %dma_start3A_433 : memref<1x16x128xf32, #tpu.memory_space<hbm>> -> memref<16x128xf32, #tpu.memory_space<hbm>>
      %dma_start3A_435 = arith.constant 0 : i32
      %dma_start3A_436 = tpu.memref_slice %arg4[%add3A_426, %mul3A_428, %dma_start3A_435] : memref<64x1024x128xf32, #tpu.memory_space<hbm>> -> memref<1x16x128xf32, #tpu.memory_space<hbm>>
      %dma_start3A_437 = tpu.memref_squeeze %dma_start3A_436 : memref<1x16x128xf32, #tpu.memory_space<hbm>> -> memref<16x128xf32, #tpu.memory_space<hbm>>
      %dma_start3A_438 = arith.constant 48 : i32
      %dma_start3A_439 = arith.constant 0 : i32
      %dma_start3A_440 = tpu.memref_slice %arg7[%dma_start3A_438, %dma_start3A_439] : memref<256x128xf32, #tpu.memory_space<vmem>> -> memref<16x128xf32, #tpu.memory_space<vmem>>
      tpu.enqueue_dma source(%dma_start3A_440 : memref<16x128xf32, #tpu.memory_space<vmem>>) target(%dma_start3A_437 : memref<16x128xf32, #tpu.memory_space<hbm>>) target_semaphore(%arg9 : memref<!tpu.dma_semaphore, #tpu.memory_space<semaphore_mem>>)
      %add3A_441 = arith.constant 2 : i32
      %add3A_442 = arith.addi %add3A_331, %add3A_441 : i32
      %mul3A_443 = arith.constant 2048 : i32
      %mul3A_444 = arith.muli %add3A_442, %mul3A_443 : i32
      %dma_wait3A_445 = arith.constant 4096 : i32
      %dma_wait3A_446 = tpu.memref_slice %arg6[%dma_wait3A_445] : memref<16384xi32, #tpu.memory_space<vmem>> -> memref<2048xi32, #tpu.memory_space<vmem>>
      %dma_wait3A_447 = tpu.memref_slice %arg3[%mul3A_444] : memref<131072xi32, #tpu.memory_space<hbm>> -> memref<2048xi32, #tpu.memory_space<hbm>>
      %dma_wait3A_448 = arith.constant 4096 : i32
      %dma_wait3A_449 = tpu.memref_slice %arg6[%dma_wait3A_448] : memref<16384xi32, #tpu.memory_space<vmem>> -> memref<2048xi32, #tpu.memory_space<vmem>>
      %dma_wait3A_450 = tpu.memref_slice %arg3[%mul3A_444] : memref<131072xi32, #tpu.memory_space<hbm>> -> memref<2048xi32, #tpu.memory_space<hbm>>
      tpu.wait_dma2 semaphore(%arg8 : memref<!tpu.dma_semaphore, #tpu.memory_space<semaphore_mem>>) src(%dma_wait3A_450 : memref<2048xi32, #tpu.memory_space<hbm>>) dst(%dma_wait3A_449 : memref<2048xi32, #tpu.memory_space<vmem>>)
      %add3A_451 = arith.constant 8 : i32
      %add3A_452 = arith.addi %add3A_442, %add3A_451 : i32
      %lt3A_453 = arith.constant 64 : i32
      %lt3A_454 = arith.cmpi slt, %add3A_452, %lt3A_453 : i32
      %convert_element_type3A_455 = arith.extui %lt3A_454 : i1 to i32
      %cond3A_456 = arith.constant 0 : i32
      %cond3A_457 = arith.cmpi ne, %convert_element_type3A_455, %cond3A_456 : i32
      scf.if %cond3A_457 {
        %add3A_783 = arith.constant 8 : i32
        %add3A_784 = arith.addi %add3A_442, %add3A_783 : i32
        %mul3A_785 = arith.constant 2048 : i32
        %mul3A_786 = arith.muli %add3A_784, %mul3A_785 : i32
        %dma_start3A_787 = arith.constant 4096 : i32
        %dma_start3A_788 = tpu.memref_slice %arg6[%dma_start3A_787] : memref<16384xi32, #tpu.memory_space<vmem>> -> memref<2048xi32, #tpu.memory_space<vmem>>
        %dma_start3A_789 = tpu.memref_slice %arg3[%mul3A_786] : memref<131072xi32, #tpu.memory_space<hbm>> -> memref<2048xi32, #tpu.memory_space<hbm>>
        %dma_start3A_790 = arith.constant 4096 : i32
        %dma_start3A_791 = tpu.memref_slice %arg6[%dma_start3A_790] : memref<16384xi32, #tpu.memory_space<vmem>> -> memref<2048xi32, #tpu.memory_space<vmem>>
        %dma_start3A_792 = tpu.memref_slice %arg3[%mul3A_786] : memref<131072xi32, #tpu.memory_space<hbm>> -> memref<2048xi32, #tpu.memory_space<hbm>>
        tpu.enqueue_dma source(%dma_start3A_792 : memref<2048xi32, #tpu.memory_space<hbm>>) target(%dma_start3A_791 : memref<2048xi32, #tpu.memory_space<vmem>>) target_semaphore(%arg8 : memref<!tpu.dma_semaphore, #tpu.memory_space<semaphore_mem>>)
      } else {
      }
      %ge3A_458 = arith.constant 8 : i32
      %ge3A_459 = arith.cmpi sge, %add3A_442, %ge3A_458 : i32
      %convert_element_type3A_460 = arith.extui %ge3A_459 : i1 to i32
      %cond3A_461 = arith.constant 0 : i32
      %cond3A_462 = arith.cmpi ne, %convert_element_type3A_460, %cond3A_461 : i32
      scf.if %cond3A_462 {
        %sub3A = arith.constant 8 : i32
        %sub3A_783 = arith.subi %add3A_442, %sub3A : i32
        %add3A_784 = arith.constant 0 : i32
        %add3A_785 = arith.addi %mul3A_2, %add3A_784 : i32
        %mul3A_786 = arith.constant 16 : i32
        %mul3A_787 = arith.muli %sub3A_783, %mul3A_786 : i32
        %dma_wait3A_788 = arith.constant 64 : i32
        %dma_wait3A_789 = arith.constant 0 : i32
        %dma_wait3A_790 = tpu.memref_slice %arg7[%dma_wait3A_788, %dma_wait3A_789] : memref<256x128xf32, #tpu.memory_space<vmem>> -> memref<16x128xf32, #tpu.memory_space<vmem>>
        %dma_wait3A_791 = arith.constant 0 : i32
        %dma_wait3A_792 = tpu.memref_slice %arg4[%add3A_785, %mul3A_787, %dma_wait3A_791] : memref<64x1024x128xf32, #tpu.memory_space<hbm>> -> memref<1x16x128xf32, #tpu.memory_space<hbm>>
        %dma_wait3A_793 = tpu.memref_squeeze %dma_wait3A_792 : memref<1x16x128xf32, #tpu.memory_space<hbm>> -> memref<16x128xf32, #tpu.memory_space<hbm>>
        %dma_wait3A_794 = arith.constant 0 : i32
        %dma_wait3A_795 = tpu.memref_slice %arg4[%add3A_785, %mul3A_787, %dma_wait3A_794] : memref<64x1024x128xf32, #tpu.memory_space<hbm>> -> memref<1x16x128xf32, #tpu.memory_space<hbm>>
        %dma_wait3A_796 = tpu.memref_squeeze %dma_wait3A_795 : memref<1x16x128xf32, #tpu.memory_space<hbm>> -> memref<16x128xf32, #tpu.memory_space<hbm>>
        %dma_wait3A_797 = arith.constant 64 : i32
        %dma_wait3A_798 = arith.constant 0 : i32
        %dma_wait3A_799 = tpu.memref_slice %arg7[%dma_wait3A_797, %dma_wait3A_798] : memref<256x128xf32, #tpu.memory_space<vmem>> -> memref<16x128xf32, #tpu.memory_space<vmem>>
        tpu.wait_dma2 semaphore(%arg9 : memref<!tpu.dma_semaphore, #tpu.memory_space<semaphore_mem>>) src(%dma_wait3A_799 : memref<16x128xf32, #tpu.memory_space<vmem>>) dst(%dma_wait3A_796 : memref<16x128xf32, #tpu.memory_space<hbm>>)
        %sub3A_800 = arith.constant 8 : i32
        %sub3A_801 = arith.subi %add3A_442, %sub3A_800 : i32
        %add3A_802 = arith.constant 1 : i32
        %add3A_803 = arith.addi %mul3A_2, %add3A_802 : i32
        %mul3A_804 = arith.constant 16 : i32
        %mul3A_805 = arith.muli %sub3A_801, %mul3A_804 : i32
        %dma_wait3A_806 = arith.constant 80 : i32
        %dma_wait3A_807 = arith.constant 0 : i32
        %dma_wait3A_808 = tpu.memref_slice %arg7[%dma_wait3A_806, %dma_wait3A_807] : memref<256x128xf32, #tpu.memory_space<vmem>> -> memref<16x128xf32, #tpu.memory_space<vmem>>
        %dma_wait3A_809 = arith.constant 0 : i32
        %dma_wait3A_810 = tpu.memref_slice %arg4[%add3A_803, %mul3A_805, %dma_wait3A_809] : memref<64x1024x128xf32, #tpu.memory_space<hbm>> -> memref<1x16x128xf32, #tpu.memory_space<hbm>>
        %dma_wait3A_811 = tpu.memref_squeeze %dma_wait3A_810 : memref<1x16x128xf32, #tpu.memory_space<hbm>> -> memref<16x128xf32, #tpu.memory_space<hbm>>
        %dma_wait3A_812 = arith.constant 0 : i32
        %dma_wait3A_813 = tpu.memref_slice %arg4[%add3A_803, %mul3A_805, %dma_wait3A_812] : memref<64x1024x128xf32, #tpu.memory_space<hbm>> -> memref<1x16x128xf32, #tpu.memory_space<hbm>>
        %dma_wait3A_814 = tpu.memref_squeeze %dma_wait3A_813 : memref<1x16x128xf32, #tpu.memory_space<hbm>> -> memref<16x128xf32, #tpu.memory_space<hbm>>
        %dma_wait3A_815 = arith.constant 80 : i32
        %dma_wait3A_816 = arith.constant 0 : i32
        %dma_wait3A_817 = tpu.memref_slice %arg7[%dma_wait3A_815, %dma_wait3A_816] : memref<256x128xf32, #tpu.memory_space<vmem>> -> memref<16x128xf32, #tpu.memory_space<vmem>>
        tpu.wait_dma2 semaphore(%arg9 : memref<!tpu.dma_semaphore, #tpu.memory_space<semaphore_mem>>) src(%dma_wait3A_817 : memref<16x128xf32, #tpu.memory_space<vmem>>) dst(%dma_wait3A_814 : memref<16x128xf32, #tpu.memory_space<hbm>>)
      } else {
      }
      %parallel_loop3A_463 = arith.constant 0 : i32
      %parallel_loop3A_464 = arith.constant 128 : i32
      %parallel_loop3A_465 = arith.constant 1 : i32
      scf.for %parallel_loop3A_783 = %parallel_loop3A_463 to %parallel_loop3A_464 step %parallel_loop3A_465  : i32 {
        %parallel_loop3A_784 = arith.constant 16 : i32
        %parallel_loop3A_785 = arith.muli %parallel_loop3A_783, %parallel_loop3A_784 : i32
        %parallel_loop3A_786 = arith.constant 4096 : i32
        %parallel_loop3A_787 = arith.addi %parallel_loop3A_786, %parallel_loop3A_785 : i32
        %parallel_loop3A_788 = arith.index_cast %parallel_loop3A_787 : i32 to index
        %parallel_loop3A_789 = tpu.vector_load %arg6[%parallel_loop3A_788] {strides = array<i32>} : memref<16384xi32, #tpu.memory_space<vmem>>, vector<16xi32>,
        %parallel_loop3A_790 = arith.constant 8 : i32
        %parallel_loop3A_791 = arith.divsi %parallel_loop3A_783, %parallel_loop3A_790 : i32
        %parallel_loop3A_792 = arith.constant 0 : i32
        %parallel_loop3A_793 = arith.cmpi sgt, %parallel_loop3A_783, %parallel_loop3A_792 : i32
        %parallel_loop3A_794 = arith.extui %parallel_loop3A_793 : i1 to i32
        %parallel_loop3A_795 = arith.constant 0 : i32
        %parallel_loop3A_796 = arith.cmpi slt, %parallel_loop3A_783, %parallel_loop3A_795 : i32
        %parallel_loop3A_797 = arith.extui %parallel_loop3A_796 : i1 to i32
        %parallel_loop3A_798 = arith.subi %parallel_loop3A_794, %parallel_loop3A_797 : i32
        %parallel_loop3A_799 = arith.constant 0 : i32
        %parallel_loop3A_800 = arith.cmpi sgt, %parallel_loop3A_790, %parallel_loop3A_799 : i32
        %parallel_loop3A_801 = arith.extui %parallel_loop3A_800 : i1 to i32
        %parallel_loop3A_802 = arith.constant 0 : i32
        %parallel_loop3A_803 = arith.cmpi slt, %parallel_loop3A_790, %parallel_loop3A_802 : i32
        %parallel_loop3A_804 = arith.extui %parallel_loop3A_803 : i1 to i32
        %parallel_loop3A_805 = arith.subi %parallel_loop3A_801, %parallel_loop3A_804 : i32
        %parallel_loop3A_806 = arith.cmpi ne, %parallel_loop3A_798, %parallel_loop3A_805 : i32
        %parallel_loop3A_807 = arith.remsi %parallel_loop3A_783, %parallel_loop3A_790 : i32
        %parallel_loop3A_808 = arith.constant 0 : i32
        %parallel_loop3A_809 = arith.cmpi ne, %parallel_loop3A_807, %parallel_loop3A_808 : i32
        %parallel_loop3A_810 = arith.andi %parallel_loop3A_806, %parallel_loop3A_809 : i1
        %parallel_loop3A_811 = arith.constant 1 : i32
        %parallel_loop3A_812 = arith.subi %parallel_loop3A_791, %parallel_loop3A_811 : i32
        %parallel_loop3A_813 = arith.select %parallel_loop3A_810, %parallel_loop3A_812, %parallel_loop3A_791 : i32
        %parallel_loop3A_814 = arith.constant 8 : i32
        %parallel_loop3A_815 = arith.constant 0 : i32
        %parallel_loop3A_816 = arith.cmpi eq, %parallel_loop3A_814, %parallel_loop3A_815 : i32
        %parallel_loop3A_817 = arith.constant 1 : i32
        %parallel_loop3A_818 = arith.select %parallel_loop3A_816, %parallel_loop3A_817, %parallel_loop3A_814 : i32
        %parallel_loop3A_819 = arith.remsi %parallel_loop3A_783, %parallel_loop3A_818 : i32
        %parallel_loop3A_820 = arith.constant 0 : i32
        %parallel_loop3A_821 = arith.cmpi ne, %parallel_loop3A_819, %parallel_loop3A_820 : i32
        %parallel_loop3A_822 = arith.constant 0 : i32
        %parallel_loop3A_823 = arith.cmpi slt, %parallel_loop3A_819, %parallel_loop3A_822 : i32
        %parallel_loop3A_824 = arith.constant 0 : i32
        %parallel_loop3A_825 = arith.cmpi slt, %parallel_loop3A_818, %parallel_loop3A_824 : i32
        %parallel_loop3A_826 = arith.xori %parallel_loop3A_823, %parallel_loop3A_825 : i1
        %parallel_loop3A_827 = arith.andi %parallel_loop3A_826, %parallel_loop3A_821 : i1
        %parallel_loop3A_828 = arith.addi %parallel_loop3A_819, %parallel_loop3A_818 : i32
        %parallel_loop3A_829 = arith.select %parallel_loop3A_827, %parallel_loop3A_828, %parallel_loop3A_819 : i32
        %parallel_loop3A_830 = arith.constant 16 : i32
        %parallel_loop3A_831 = arith.muli %parallel_loop3A_829, %parallel_loop3A_830 : i32
        %parallel_loop3A_832 = tpu.vector_load_idx %arg5[%parallel_loop3A_789] : memref<32768xf32, #tpu.memory_space<vmem>>[vector<16xi32>], vector<16xf32>,
        %parallel_loop3A_833 = arith.constant 64 : i32
        %parallel_loop3A_834 = arith.addi %parallel_loop3A_833, %parallel_loop3A_813 : i32
        %parallel_loop3A_835 = arith.index_cast %parallel_loop3A_834 : i32 to index
        %parallel_loop3A_836 = arith.index_cast %parallel_loop3A_831 : i32 to index
        %parallel_loop3A_837 = tpu.vector_load %arg7[%parallel_loop3A_835, %parallel_loop3A_836] {strides = array<i32>} : memref<256x128xf32, #tpu.memory_space<vmem>>, vector<16xf32>,
        tpu.vector_store %arg7[%parallel_loop3A_835, %parallel_loop3A_836], %parallel_loop3A_832 {strides = array<i32>} : memref<256x128xf32, #tpu.memory_space<vmem>>, vector<16xf32>,
        %parallel_loop3A_838 = arith.constant 16384 : i32
        %parallel_loop3A_839 = vector.broadcast %parallel_loop3A_838 : i32 to vector<16xi32>
        %parallel_loop3A_840 = arith.addi %parallel_loop3A_789, %parallel_loop3A_839 : vector<16xi32>
        %parallel_loop3A_841 = tpu.vector_load_idx %arg5[%parallel_loop3A_840] : memref<32768xf32, #tpu.memory_space<vmem>>[vector<16xi32>], vector<16xf32>,
        %parallel_loop3A_842 = arith.constant 80 : i32
        %parallel_loop3A_843 = arith.addi %parallel_loop3A_842, %parallel_loop3A_813 : i32
        %parallel_loop3A_844 = arith.index_cast %parallel_loop3A_843 : i32 to index
        %parallel_loop3A_845 = arith.index_cast %parallel_loop3A_831 : i32 to index
        %parallel_loop3A_846 = tpu.vector_load %arg7[%parallel_loop3A_844, %parallel_loop3A_845] {strides = array<i32>} : memref<256x128xf32, #tpu.memory_space<vmem>>, vector<16xf32>,
        tpu.vector_store %arg7[%parallel_loop3A_844, %parallel_loop3A_845], %parallel_loop3A_841 {strides = array<i32>} : memref<256x128xf32, #tpu.memory_space<vmem>>, vector<16xf32>,
      } {sc.loop_unroll_factor = 8 : i64, sc.parallel_access}
      %add3A_466 = arith.constant 0 : i32
      %add3A_467 = arith.addi %mul3A_2, %add3A_466 : i32
      %mul3A_468 = arith.constant 16 : i32
      %mul3A_469 = arith.muli %add3A_442, %mul3A_468 : i32
      %dma_start3A_470 = arith.constant 64 : i32
      %dma_start3A_471 = arith.constant 0 : i32
      %dma_start3A_472 = tpu.memref_slice %arg7[%dma_start3A_470, %dma_start3A_471] : memref<256x128xf32, #tpu.memory_space<vmem>> -> memref<16x128xf32, #tpu.memory_space<vmem>>
      %dma_start3A_473 = arith.constant 0 : i32
      %dma_start3A_474 = tpu.memref_slice %arg4[%add3A_467, %mul3A_469, %dma_start3A_473] : memref<64x1024x128xf32, #tpu.memory_space<hbm>> -> memref<1x16x128xf32, #tpu.memory_space<hbm>>
      %dma_start3A_475 = tpu.memref_squeeze %dma_start3A_474 : memref<1x16x128xf32, #tpu.memory_space<hbm>> -> memref<16x128xf32, #tpu.memory_space<hbm>>
      %dma_start3A_476 = arith.constant 0 : i32
      %dma_start3A_477 = tpu.memref_slice %arg4[%add3A_467, %mul3A_469, %dma_start3A_476] : memref<64x1024x128xf32, #tpu.memory_space<hbm>> -> memref<1x16x128xf32, #tpu.memory_space<hbm>>
      %dma_start3A_478 = tpu.memref_squeeze %dma_start3A_477 : memref<1x16x128xf32, #tpu.memory_space<hbm>> -> memref<16x128xf32, #tpu.memory_space<hbm>>
      %dma_start3A_479 = arith.constant 64 : i32
      %dma_start3A_480 = arith.constant 0 : i32
      %dma_start3A_481 = tpu.memref_slice %arg7[%dma_start3A_479, %dma_start3A_480] : memref<256x128xf32, #tpu.memory_space<vmem>> -> memref<16x128xf32, #tpu.memory_space<vmem>>
      tpu.enqueue_dma source(%dma_start3A_481 : memref<16x128xf32, #tpu.memory_space<vmem>>) target(%dma_start3A_478 : memref<16x128xf32, #tpu.memory_space<hbm>>) target_semaphore(%arg9 : memref<!tpu.dma_semaphore, #tpu.memory_space<semaphore_mem>>)
      %add3A_482 = arith.constant 1 : i32
      %add3A_483 = arith.addi %mul3A_2, %add3A_482 : i32
      %mul3A_484 = arith.constant 16 : i32
      %mul3A_485 = arith.muli %add3A_442, %mul3A_484 : i32
      %dma_start3A_486 = arith.constant 80 : i32
      %dma_start3A_487 = arith.constant 0 : i32
      %dma_start3A_488 = tpu.memref_slice %arg7[%dma_start3A_486, %dma_start3A_487] : memref<256x128xf32, #tpu.memory_space<vmem>> -> memref<16x128xf32, #tpu.memory_space<vmem>>
      %dma_start3A_489 = arith.constant 0 : i32
      %dma_start3A_490 = tpu.memref_slice %arg4[%add3A_483, %mul3A_485, %dma_start3A_489] : memref<64x1024x128xf32, #tpu.memory_space<hbm>> -> memref<1x16x128xf32, #tpu.memory_space<hbm>>
      %dma_start3A_491 = tpu.memref_squeeze %dma_start3A_490 : memref<1x16x128xf32, #tpu.memory_space<hbm>> -> memref<16x128xf32, #tpu.memory_space<hbm>>
      %dma_start3A_492 = arith.constant 0 : i32
      %dma_start3A_493 = tpu.memref_slice %arg4[%add3A_483, %mul3A_485, %dma_start3A_492] : memref<64x1024x128xf32, #tpu.memory_space<hbm>> -> memref<1x16x128xf32, #tpu.memory_space<hbm>>
      %dma_start3A_494 = tpu.memref_squeeze %dma_start3A_493 : memref<1x16x128xf32, #tpu.memory_space<hbm>> -> memref<16x128xf32, #tpu.memory_space<hbm>>
      %dma_start3A_495 = arith.constant 80 : i32
      %dma_start3A_496 = arith.constant 0 : i32
      %dma_start3A_497 = tpu.memref_slice %arg7[%dma_start3A_495, %dma_start3A_496] : memref<256x128xf32, #tpu.memory_space<vmem>> -> memref<16x128xf32, #tpu.memory_space<vmem>>
      tpu.enqueue_dma source(%dma_start3A_497 : memref<16x128xf32, #tpu.memory_space<vmem>>) target(%dma_start3A_494 : memref<16x128xf32, #tpu.memory_space<hbm>>) target_semaphore(%arg9 : memref<!tpu.dma_semaphore, #tpu.memory_space<semaphore_mem>>)
      %add3A_498 = arith.constant 3 : i32
      %add3A_499 = arith.addi %add3A_331, %add3A_498 : i32
      %mul3A_500 = arith.constant 2048 : i32
      %mul3A_501 = arith.muli %add3A_499, %mul3A_500 : i32
      %dma_wait3A_502 = arith.constant 6144 : i32
      %dma_wait3A_503 = tpu.memref_slice %arg6[%dma_wait3A_502] : memref<16384xi32, #tpu.memory_space<vmem>> -> memref<2048xi32, #tpu.memory_space<vmem>>
      %dma_wait3A_504 = tpu.memref_slice %arg3[%mul3A_501] : memref<131072xi32, #tpu.memory_space<hbm>> -> memref<2048xi32, #tpu.memory_space<hbm>>
      %dma_wait3A_505 = arith.constant 6144 : i32
      %dma_wait3A_506 = tpu.memref_slice %arg6[%dma_wait3A_505] : memref<16384xi32, #tpu.memory_space<vmem>> -> memref<2048xi32, #tpu.memory_space<vmem>>
      %dma_wait3A_507 = tpu.memref_slice %arg3[%mul3A_501] : memref<131072xi32, #tpu.memory_space<hbm>> -> memref<2048xi32, #tpu.memory_space<hbm>>
      tpu.wait_dma2 semaphore(%arg8 : memref<!tpu.dma_semaphore, #tpu.memory_space<semaphore_mem>>) src(%dma_wait3A_507 : memref<2048xi32, #tpu.memory_space<hbm>>) dst(%dma_wait3A_506 : memref<2048xi32, #tpu.memory_space<vmem>>)
      %add3A_508 = arith.constant 8 : i32
      %add3A_509 = arith.addi %add3A_499, %add3A_508 : i32
      %lt3A_510 = arith.constant 64 : i32
      %lt3A_511 = arith.cmpi slt, %add3A_509, %lt3A_510 : i32
      %convert_element_type3A_512 = arith.extui %lt3A_511 : i1 to i32
      %cond3A_513 = arith.constant 0 : i32
      %cond3A_514 = arith.cmpi ne, %convert_element_type3A_512, %cond3A_513 : i32
      scf.if %cond3A_514 {
        %add3A_783 = arith.constant 8 : i32
        %add3A_784 = arith.addi %add3A_499, %add3A_783 : i32
        %mul3A_785 = arith.constant 2048 : i32
        %mul3A_786 = arith.muli %add3A_784, %mul3A_785 : i32
        %dma_start3A_787 = arith.constant 6144 : i32
        %dma_start3A_788 = tpu.memref_slice %arg6[%dma_start3A_787] : memref<16384xi32, #tpu.memory_space<vmem>> -> memref<2048xi32, #tpu.memory_space<vmem>>
        %dma_start3A_789 = tpu.memref_slice %arg3[%mul3A_786] : memref<131072xi32, #tpu.memory_space<hbm>> -> memref<2048xi32, #tpu.memory_space<hbm>>
        %dma_start3A_790 = arith.constant 6144 : i32
        %dma_start3A_791 = tpu.memref_slice %arg6[%dma_start3A_790] : memref<16384xi32, #tpu.memory_space<vmem>> -> memref<2048xi32, #tpu.memory_space<vmem>>
        %dma_start3A_792 = tpu.memref_slice %arg3[%mul3A_786] : memref<131072xi32, #tpu.memory_space<hbm>> -> memref<2048xi32, #tpu.memory_space<hbm>>
        tpu.enqueue_dma source(%dma_start3A_792 : memref<2048xi32, #tpu.memory_space<hbm>>) target(%dma_start3A_791 : memref<2048xi32, #tpu.memory_space<vmem>>) target_semaphore(%arg8 : memref<!tpu.dma_semaphore, #tpu.memory_space<semaphore_mem>>)
      } else {
      }
      %ge3A_515 = arith.constant 8 : i32
      %ge3A_516 = arith.cmpi sge, %add3A_499, %ge3A_515 : i32
      %convert_element_type3A_517 = arith.extui %ge3A_516 : i1 to i32
      %cond3A_518 = arith.constant 0 : i32
      %cond3A_519 = arith.cmpi ne, %convert_element_type3A_517, %cond3A_518 : i32
      scf.if %cond3A_519 {
        %sub3A = arith.constant 8 : i32
        %sub3A_783 = arith.subi %add3A_499, %sub3A : i32
        %add3A_784 = arith.constant 0 : i32
        %add3A_785 = arith.addi %mul3A_2, %add3A_784 : i32
        %mul3A_786 = arith.constant 16 : i32
        %mul3A_787 = arith.muli %sub3A_783, %mul3A_786 : i32
        %dma_wait3A_788 = arith.constant 96 : i32
        %dma_wait3A_789 = arith.constant 0 : i32
        %dma_wait3A_790 = tpu.memref_slice %arg7[%dma_wait3A_788, %dma_wait3A_789] : memref<256x128xf32, #tpu.memory_space<vmem>> -> memref<16x128xf32, #tpu.memory_space<vmem>>
        %dma_wait3A_791 = arith.constant 0 : i32
        %dma_wait3A_792 = tpu.memref_slice %arg4[%add3A_785, %mul3A_787, %dma_wait3A_791] : memref<64x1024x128xf32, #tpu.memory_space<hbm>> -> memref<1x16x128xf32, #tpu.memory_space<hbm>>
        %dma_wait3A_793 = tpu.memref_squeeze %dma_wait3A_792 : memref<1x16x128xf32, #tpu.memory_space<hbm>> -> memref<16x128xf32, #tpu.memory_space<hbm>>
        %dma_wait3A_794 = arith.constant 0 : i32
        %dma_wait3A_795 = tpu.memref_slice %arg4[%add3A_785, %mul3A_787, %dma_wait3A_794] : memref<64x1024x128xf32, #tpu.memory_space<hbm>> -> memref<1x16x128xf32, #tpu.memory_space<hbm>>
        %dma_wait3A_796 = tpu.memref_squeeze %dma_wait3A_795 : memref<1x16x128xf32, #tpu.memory_space<hbm>> -> memref<16x128xf32, #tpu.memory_space<hbm>>
        %dma_wait3A_797 = arith.constant 96 : i32
        %dma_wait3A_798 = arith.constant 0 : i32
        %dma_wait3A_799 = tpu.memref_slice %arg7[%dma_wait3A_797, %dma_wait3A_798] : memref<256x128xf32, #tpu.memory_space<vmem>> -> memref<16x128xf32, #tpu.memory_space<vmem>>
        tpu.wait_dma2 semaphore(%arg9 : memref<!tpu.dma_semaphore, #tpu.memory_space<semaphore_mem>>) src(%dma_wait3A_799 : memref<16x128xf32, #tpu.memory_space<vmem>>) dst(%dma_wait3A_796 : memref<16x128xf32, #tpu.memory_space<hbm>>)
        %sub3A_800 = arith.constant 8 : i32
        %sub3A_801 = arith.subi %add3A_499, %sub3A_800 : i32
        %add3A_802 = arith.constant 1 : i32
        %add3A_803 = arith.addi %mul3A_2, %add3A_802 : i32
        %mul3A_804 = arith.constant 16 : i32
        %mul3A_805 = arith.muli %sub3A_801, %mul3A_804 : i32
        %dma_wait3A_806 = arith.constant 112 : i32
        %dma_wait3A_807 = arith.constant 0 : i32
        %dma_wait3A_808 = tpu.memref_slice %arg7[%dma_wait3A_806, %dma_wait3A_807] : memref<256x128xf32, #tpu.memory_space<vmem>> -> memref<16x128xf32, #tpu.memory_space<vmem>>
        %dma_wait3A_809 = arith.constant 0 : i32
        %dma_wait3A_810 = tpu.memref_slice %arg4[%add3A_803, %mul3A_805, %dma_wait3A_809] : memref<64x1024x128xf32, #tpu.memory_space<hbm>> -> memref<1x16x128xf32, #tpu.memory_space<hbm>>
        %dma_wait3A_811 = tpu.memref_squeeze %dma_wait3A_810 : memref<1x16x128xf32, #tpu.memory_space<hbm>> -> memref<16x128xf32, #tpu.memory_space<hbm>>
        %dma_wait3A_812 = arith.constant 0 : i32
        %dma_wait3A_813 = tpu.memref_slice %arg4[%add3A_803, %mul3A_805, %dma_wait3A_812] : memref<64x1024x128xf32, #tpu.memory_space<hbm>> -> memref<1x16x128xf32, #tpu.memory_space<hbm>>
        %dma_wait3A_814 = tpu.memref_squeeze %dma_wait3A_813 : memref<1x16x128xf32, #tpu.memory_space<hbm>> -> memref<16x128xf32, #tpu.memory_space<hbm>>
        %dma_wait3A_815 = arith.constant 112 : i32
        %dma_wait3A_816 = arith.constant 0 : i32
        %dma_wait3A_817 = tpu.memref_slice %arg7[%dma_wait3A_815, %dma_wait3A_816] : memref<256x128xf32, #tpu.memory_space<vmem>> -> memref<16x128xf32, #tpu.memory_space<vmem>>
        tpu.wait_dma2 semaphore(%arg9 : memref<!tpu.dma_semaphore, #tpu.memory_space<semaphore_mem>>) src(%dma_wait3A_817 : memref<16x128xf32, #tpu.memory_space<vmem>>) dst(%dma_wait3A_814 : memref<16x128xf32, #tpu.memory_space<hbm>>)
      } else {
      }
      %parallel_loop3A_520 = arith.constant 0 : i32
      %parallel_loop3A_521 = arith.constant 128 : i32
      %parallel_loop3A_522 = arith.constant 1 : i32
      scf.for %parallel_loop3A_783 = %parallel_loop3A_520 to %parallel_loop3A_521 step %parallel_loop3A_522  : i32 {
        %parallel_loop3A_784 = arith.constant 16 : i32
        %parallel_loop3A_785 = arith.muli %parallel_loop3A_783, %parallel_loop3A_784 : i32
        %parallel_loop3A_786 = arith.constant 6144 : i32
        %parallel_loop3A_787 = arith.addi %parallel_loop3A_786, %parallel_loop3A_785 : i32
        %parallel_loop3A_788 = arith.index_cast %parallel_loop3A_787 : i32 to index
        %parallel_loop3A_789 = tpu.vector_load %arg6[%parallel_loop3A_788] {strides = array<i32>} : memref<16384xi32, #tpu.memory_space<vmem>>, vector<16xi32>,
        %parallel_loop3A_790 = arith.constant 8 : i32
        %parallel_loop3A_791 = arith.divsi %parallel_loop3A_783, %parallel_loop3A_790 : i32
        %parallel_loop3A_792 = arith.constant 0 : i32
        %parallel_loop3A_793 = arith.cmpi sgt, %parallel_loop3A_783, %parallel_loop3A_792 : i32
        %parallel_loop3A_794 = arith.extui %parallel_loop3A_793 : i1 to i32
        %parallel_loop3A_795 = arith.constant 0 : i32
        %parallel_loop3A_796 = arith.cmpi slt, %parallel_loop3A_783, %parallel_loop3A_795 : i32
        %parallel_loop3A_797 = arith.extui %parallel_loop3A_796 : i1 to i32
        %parallel_loop3A_798 = arith.subi %parallel_loop3A_794, %parallel_loop3A_797 : i32
        %parallel_loop3A_799 = arith.constant 0 : i32
        %parallel_loop3A_800 = arith.cmpi sgt, %parallel_loop3A_790, %parallel_loop3A_799 : i32
        %parallel_loop3A_801 = arith.extui %parallel_loop3A_800 : i1 to i32
        %parallel_loop3A_802 = arith.constant 0 : i32
        %parallel_loop3A_803 = arith.cmpi slt, %parallel_loop3A_790, %parallel_loop3A_802 : i32
        %parallel_loop3A_804 = arith.extui %parallel_loop3A_803 : i1 to i32
        %parallel_loop3A_805 = arith.subi %parallel_loop3A_801, %parallel_loop3A_804 : i32
        %parallel_loop3A_806 = arith.cmpi ne, %parallel_loop3A_798, %parallel_loop3A_805 : i32
        %parallel_loop3A_807 = arith.remsi %parallel_loop3A_783, %parallel_loop3A_790 : i32
        %parallel_loop3A_808 = arith.constant 0 : i32
        %parallel_loop3A_809 = arith.cmpi ne, %parallel_loop3A_807, %parallel_loop3A_808 : i32
        %parallel_loop3A_810 = arith.andi %parallel_loop3A_806, %parallel_loop3A_809 : i1
        %parallel_loop3A_811 = arith.constant 1 : i32
        %parallel_loop3A_812 = arith.subi %parallel_loop3A_791, %parallel_loop3A_811 : i32
        %parallel_loop3A_813 = arith.select %parallel_loop3A_810, %parallel_loop3A_812, %parallel_loop3A_791 : i32
        %parallel_loop3A_814 = arith.constant 8 : i32
        %parallel_loop3A_815 = arith.constant 0 : i32
        %parallel_loop3A_816 = arith.cmpi eq, %parallel_loop3A_814, %parallel_loop3A_815 : i32
        %parallel_loop3A_817 = arith.constant 1 : i32
        %parallel_loop3A_818 = arith.select %parallel_loop3A_816, %parallel_loop3A_817, %parallel_loop3A_814 : i32
        %parallel_loop3A_819 = arith.remsi %parallel_loop3A_783, %parallel_loop3A_818 : i32
        %parallel_loop3A_820 = arith.constant 0 : i32
        %parallel_loop3A_821 = arith.cmpi ne, %parallel_loop3A_819, %parallel_loop3A_820 : i32
        %parallel_loop3A_822 = arith.constant 0 : i32
        %parallel_loop3A_823 = arith.cmpi slt, %parallel_loop3A_819, %parallel_loop3A_822 : i32
        %parallel_loop3A_824 = arith.constant 0 : i32
        %parallel_loop3A_825 = arith.cmpi slt, %parallel_loop3A_818, %parallel_loop3A_824 : i32
        %parallel_loop3A_826 = arith.xori %parallel_loop3A_823, %parallel_loop3A_825 : i1
        %parallel_loop3A_827 = arith.andi %parallel_loop3A_826, %parallel_loop3A_821 : i1
        %parallel_loop3A_828 = arith.addi %parallel_loop3A_819, %parallel_loop3A_818 : i32
        %parallel_loop3A_829 = arith.select %parallel_loop3A_827, %parallel_loop3A_828, %parallel_loop3A_819 : i32
        %parallel_loop3A_830 = arith.constant 16 : i32
        %parallel_loop3A_831 = arith.muli %parallel_loop3A_829, %parallel_loop3A_830 : i32
        %parallel_loop3A_832 = tpu.vector_load_idx %arg5[%parallel_loop3A_789] : memref<32768xf32, #tpu.memory_space<vmem>>[vector<16xi32>], vector<16xf32>,
        %parallel_loop3A_833 = arith.constant 96 : i32
        %parallel_loop3A_834 = arith.addi %parallel_loop3A_833, %parallel_loop3A_813 : i32
        %parallel_loop3A_835 = arith.index_cast %parallel_loop3A_834 : i32 to index
        %parallel_loop3A_836 = arith.index_cast %parallel_loop3A_831 : i32 to index
        %parallel_loop3A_837 = tpu.vector_load %arg7[%parallel_loop3A_835, %parallel_loop3A_836] {strides = array<i32>} : memref<256x128xf32, #tpu.memory_space<vmem>>, vector<16xf32>,
        tpu.vector_store %arg7[%parallel_loop3A_835, %parallel_loop3A_836], %parallel_loop3A_832 {strides = array<i32>} : memref<256x128xf32, #tpu.memory_space<vmem>>, vector<16xf32>,
        %parallel_loop3A_838 = arith.constant 16384 : i32
        %parallel_loop3A_839 = vector.broadcast %parallel_loop3A_838 : i32 to vector<16xi32>
        %parallel_loop3A_840 = arith.addi %parallel_loop3A_789, %parallel_loop3A_839 : vector<16xi32>
        %parallel_loop3A_841 = tpu.vector_load_idx %arg5[%parallel_loop3A_840] : memref<32768xf32, #tpu.memory_space<vmem>>[vector<16xi32>], vector<16xf32>,
        %parallel_loop3A_842 = arith.constant 112 : i32
        %parallel_loop3A_843 = arith.addi %parallel_loop3A_842, %parallel_loop3A_813 : i32
        %parallel_loop3A_844 = arith.index_cast %parallel_loop3A_843 : i32 to index
        %parallel_loop3A_845 = arith.index_cast %parallel_loop3A_831 : i32 to index
        %parallel_loop3A_846 = tpu.vector_load %arg7[%parallel_loop3A_844, %parallel_loop3A_845] {strides = array<i32>} : memref<256x128xf32, #tpu.memory_space<vmem>>, vector<16xf32>,
        tpu.vector_store %arg7[%parallel_loop3A_844, %parallel_loop3A_845], %parallel_loop3A_841 {strides = array<i32>} : memref<256x128xf32, #tpu.memory_space<vmem>>, vector<16xf32>,
      } {sc.loop_unroll_factor = 8 : i64, sc.parallel_access}
      %add3A_523 = arith.constant 0 : i32
      %add3A_524 = arith.addi %mul3A_2, %add3A_523 : i32
      %mul3A_525 = arith.constant 16 : i32
      %mul3A_526 = arith.muli %add3A_499, %mul3A_525 : i32
      %dma_start3A_527 = arith.constant 96 : i32
      %dma_start3A_528 = arith.constant 0 : i32
      %dma_start3A_529 = tpu.memref_slice %arg7[%dma_start3A_527, %dma_start3A_528] : memref<256x128xf32, #tpu.memory_space<vmem>> -> memref<16x128xf32, #tpu.memory_space<vmem>>
      %dma_start3A_530 = arith.constant 0 : i32
      %dma_start3A_531 = tpu.memref_slice %arg4[%add3A_524, %mul3A_526, %dma_start3A_530] : memref<64x1024x128xf32, #tpu.memory_space<hbm>> -> memref<1x16x128xf32, #tpu.memory_space<hbm>>
      %dma_start3A_532 = tpu.memref_squeeze %dma_start3A_531 : memref<1x16x128xf32, #tpu.memory_space<hbm>> -> memref<16x128xf32, #tpu.memory_space<hbm>>
      %dma_start3A_533 = arith.constant 0 : i32
      %dma_start3A_534 = tpu.memref_slice %arg4[%add3A_524, %mul3A_526, %dma_start3A_533] : memref<64x1024x128xf32, #tpu.memory_space<hbm>> -> memref<1x16x128xf32, #tpu.memory_space<hbm>>
      %dma_start3A_535 = tpu.memref_squeeze %dma_start3A_534 : memref<1x16x128xf32, #tpu.memory_space<hbm>> -> memref<16x128xf32, #tpu.memory_space<hbm>>
      %dma_start3A_536 = arith.constant 96 : i32
      %dma_start3A_537 = arith.constant 0 : i32
      %dma_start3A_538 = tpu.memref_slice %arg7[%dma_start3A_536, %dma_start3A_537] : memref<256x128xf32, #tpu.memory_space<vmem>> -> memref<16x128xf32, #tpu.memory_space<vmem>>
      tpu.enqueue_dma source(%dma_start3A_538 : memref<16x128xf32, #tpu.memory_space<vmem>>) target(%dma_start3A_535 : memref<16x128xf32, #tpu.memory_space<hbm>>) target_semaphore(%arg9 : memref<!tpu.dma_semaphore, #tpu.memory_space<semaphore_mem>>)
      %add3A_539 = arith.constant 1 : i32
      %add3A_540 = arith.addi %mul3A_2, %add3A_539 : i32
      %mul3A_541 = arith.constant 16 : i32
      %mul3A_542 = arith.muli %add3A_499, %mul3A_541 : i32
      %dma_start3A_543 = arith.constant 112 : i32
      %dma_start3A_544 = arith.constant 0 : i32
      %dma_start3A_545 = tpu.memref_slice %arg7[%dma_start3A_543, %dma_start3A_544] : memref<256x128xf32, #tpu.memory_space<vmem>> -> memref<16x128xf32, #tpu.memory_space<vmem>>
      %dma_start3A_546 = arith.constant 0 : i32
      %dma_start3A_547 = tpu.memref_slice %arg4[%add3A_540, %mul3A_542, %dma_start3A_546] : memref<64x1024x128xf32, #tpu.memory_space<hbm>> -> memref<1x16x128xf32, #tpu.memory_space<hbm>>
      %dma_start3A_548 = tpu.memref_squeeze %dma_start3A_547 : memref<1x16x128xf32, #tpu.memory_space<hbm>> -> memref<16x128xf32, #tpu.memory_space<hbm>>
      %dma_start3A_549 = arith.constant 0 : i32
      %dma_start3A_550 = tpu.memref_slice %arg4[%add3A_540, %mul3A_542, %dma_start3A_549] : memref<64x1024x128xf32, #tpu.memory_space<hbm>> -> memref<1x16x128xf32, #tpu.memory_space<hbm>>
      %dma_start3A_551 = tpu.memref_squeeze %dma_start3A_550 : memref<1x16x128xf32, #tpu.memory_space<hbm>> -> memref<16x128xf32, #tpu.memory_space<hbm>>
      %dma_start3A_552 = arith.constant 112 : i32
      %dma_start3A_553 = arith.constant 0 : i32
      %dma_start3A_554 = tpu.memref_slice %arg7[%dma_start3A_552, %dma_start3A_553] : memref<256x128xf32, #tpu.memory_space<vmem>> -> memref<16x128xf32, #tpu.memory_space<vmem>>
      tpu.enqueue_dma source(%dma_start3A_554 : memref<16x128xf32, #tpu.memory_space<vmem>>) target(%dma_start3A_551 : memref<16x128xf32, #tpu.memory_space<hbm>>) target_semaphore(%arg9 : memref<!tpu.dma_semaphore, #tpu.memory_space<semaphore_mem>>)
      %add3A_555 = arith.constant 4 : i32
      %add3A_556 = arith.addi %add3A_331, %add3A_555 : i32
      %mul3A_557 = arith.constant 2048 : i32
      %mul3A_558 = arith.muli %add3A_556, %mul3A_557 : i32
      %dma_wait3A_559 = arith.constant 8192 : i32
      %dma_wait3A_560 = tpu.memref_slice %arg6[%dma_wait3A_559] : memref<16384xi32, #tpu.memory_space<vmem>> -> memref<2048xi32, #tpu.memory_space<vmem>>
      %dma_wait3A_561 = tpu.memref_slice %arg3[%mul3A_558] : memref<131072xi32, #tpu.memory_space<hbm>> -> memref<2048xi32, #tpu.memory_space<hbm>>
      %dma_wait3A_562 = arith.constant 8192 : i32
      %dma_wait3A_563 = tpu.memref_slice %arg6[%dma_wait3A_562] : memref<16384xi32, #tpu.memory_space<vmem>> -> memref<2048xi32, #tpu.memory_space<vmem>>
      %dma_wait3A_564 = tpu.memref_slice %arg3[%mul3A_558] : memref<131072xi32, #tpu.memory_space<hbm>> -> memref<2048xi32, #tpu.memory_space<hbm>>
      tpu.wait_dma2 semaphore(%arg8 : memref<!tpu.dma_semaphore, #tpu.memory_space<semaphore_mem>>) src(%dma_wait3A_564 : memref<2048xi32, #tpu.memory_space<hbm>>) dst(%dma_wait3A_563 : memref<2048xi32, #tpu.memory_space<vmem>>)
      %add3A_565 = arith.constant 8 : i32
      %add3A_566 = arith.addi %add3A_556, %add3A_565 : i32
      %lt3A_567 = arith.constant 64 : i32
      %lt3A_568 = arith.cmpi slt, %add3A_566, %lt3A_567 : i32
      %convert_element_type3A_569 = arith.extui %lt3A_568 : i1 to i32
      %cond3A_570 = arith.constant 0 : i32
      %cond3A_571 = arith.cmpi ne, %convert_element_type3A_569, %cond3A_570 : i32
      scf.if %cond3A_571 {
        %add3A_783 = arith.constant 8 : i32
        %add3A_784 = arith.addi %add3A_556, %add3A_783 : i32
        %mul3A_785 = arith.constant 2048 : i32
        %mul3A_786 = arith.muli %add3A_784, %mul3A_785 : i32
        %dma_start3A_787 = arith.constant 8192 : i32
        %dma_start3A_788 = tpu.memref_slice %arg6[%dma_start3A_787] : memref<16384xi32, #tpu.memory_space<vmem>> -> memref<2048xi32, #tpu.memory_space<vmem>>
        %dma_start3A_789 = tpu.memref_slice %arg3[%mul3A_786] : memref<131072xi32, #tpu.memory_space<hbm>> -> memref<2048xi32, #tpu.memory_space<hbm>>
        %dma_start3A_790 = arith.constant 8192 : i32
        %dma_start3A_791 = tpu.memref_slice %arg6[%dma_start3A_790] : memref<16384xi32, #tpu.memory_space<vmem>> -> memref<2048xi32, #tpu.memory_space<vmem>>
        %dma_start3A_792 = tpu.memref_slice %arg3[%mul3A_786] : memref<131072xi32, #tpu.memory_space<hbm>> -> memref<2048xi32, #tpu.memory_space<hbm>>
        tpu.enqueue_dma source(%dma_start3A_792 : memref<2048xi32, #tpu.memory_space<hbm>>) target(%dma_start3A_791 : memref<2048xi32, #tpu.memory_space<vmem>>) target_semaphore(%arg8 : memref<!tpu.dma_semaphore, #tpu.memory_space<semaphore_mem>>)
      } else {
      }
      %ge3A_572 = arith.constant 8 : i32
      %ge3A_573 = arith.cmpi sge, %add3A_556, %ge3A_572 : i32
      %convert_element_type3A_574 = arith.extui %ge3A_573 : i1 to i32
      %cond3A_575 = arith.constant 0 : i32
      %cond3A_576 = arith.cmpi ne, %convert_element_type3A_574, %cond3A_575 : i32
      scf.if %cond3A_576 {
        %sub3A = arith.constant 8 : i32
        %sub3A_783 = arith.subi %add3A_556, %sub3A : i32
        %add3A_784 = arith.constant 0 : i32
        %add3A_785 = arith.addi %mul3A_2, %add3A_784 : i32
        %mul3A_786 = arith.constant 16 : i32
        %mul3A_787 = arith.muli %sub3A_783, %mul3A_786 : i32
        %dma_wait3A_788 = arith.constant 128 : i32
        %dma_wait3A_789 = arith.constant 0 : i32
        %dma_wait3A_790 = tpu.memref_slice %arg7[%dma_wait3A_788, %dma_wait3A_789] : memref<256x128xf32, #tpu.memory_space<vmem>> -> memref<16x128xf32, #tpu.memory_space<vmem>>
        %dma_wait3A_791 = arith.constant 0 : i32
        %dma_wait3A_792 = tpu.memref_slice %arg4[%add3A_785, %mul3A_787, %dma_wait3A_791] : memref<64x1024x128xf32, #tpu.memory_space<hbm>> -> memref<1x16x128xf32, #tpu.memory_space<hbm>>
        %dma_wait3A_793 = tpu.memref_squeeze %dma_wait3A_792 : memref<1x16x128xf32, #tpu.memory_space<hbm>> -> memref<16x128xf32, #tpu.memory_space<hbm>>
        %dma_wait3A_794 = arith.constant 0 : i32
        %dma_wait3A_795 = tpu.memref_slice %arg4[%add3A_785, %mul3A_787, %dma_wait3A_794] : memref<64x1024x128xf32, #tpu.memory_space<hbm>> -> memref<1x16x128xf32, #tpu.memory_space<hbm>>
        %dma_wait3A_796 = tpu.memref_squeeze %dma_wait3A_795 : memref<1x16x128xf32, #tpu.memory_space<hbm>> -> memref<16x128xf32, #tpu.memory_space<hbm>>
        %dma_wait3A_797 = arith.constant 128 : i32
        %dma_wait3A_798 = arith.constant 0 : i32
        %dma_wait3A_799 = tpu.memref_slice %arg7[%dma_wait3A_797, %dma_wait3A_798] : memref<256x128xf32, #tpu.memory_space<vmem>> -> memref<16x128xf32, #tpu.memory_space<vmem>>
        tpu.wait_dma2 semaphore(%arg9 : memref<!tpu.dma_semaphore, #tpu.memory_space<semaphore_mem>>) src(%dma_wait3A_799 : memref<16x128xf32, #tpu.memory_space<vmem>>) dst(%dma_wait3A_796 : memref<16x128xf32, #tpu.memory_space<hbm>>)
        %sub3A_800 = arith.constant 8 : i32
        %sub3A_801 = arith.subi %add3A_556, %sub3A_800 : i32
        %add3A_802 = arith.constant 1 : i32
        %add3A_803 = arith.addi %mul3A_2, %add3A_802 : i32
        %mul3A_804 = arith.constant 16 : i32
        %mul3A_805 = arith.muli %sub3A_801, %mul3A_804 : i32
        %dma_wait3A_806 = arith.constant 144 : i32
        %dma_wait3A_807 = arith.constant 0 : i32
        %dma_wait3A_808 = tpu.memref_slice %arg7[%dma_wait3A_806, %dma_wait3A_807] : memref<256x128xf32, #tpu.memory_space<vmem>> -> memref<16x128xf32, #tpu.memory_space<vmem>>
        %dma_wait3A_809 = arith.constant 0 : i32
        %dma_wait3A_810 = tpu.memref_slice %arg4[%add3A_803, %mul3A_805, %dma_wait3A_809] : memref<64x1024x128xf32, #tpu.memory_space<hbm>> -> memref<1x16x128xf32, #tpu.memory_space<hbm>>
        %dma_wait3A_811 = tpu.memref_squeeze %dma_wait3A_810 : memref<1x16x128xf32, #tpu.memory_space<hbm>> -> memref<16x128xf32, #tpu.memory_space<hbm>>
        %dma_wait3A_812 = arith.constant 0 : i32
        %dma_wait3A_813 = tpu.memref_slice %arg4[%add3A_803, %mul3A_805, %dma_wait3A_812] : memref<64x1024x128xf32, #tpu.memory_space<hbm>> -> memref<1x16x128xf32, #tpu.memory_space<hbm>>
        %dma_wait3A_814 = tpu.memref_squeeze %dma_wait3A_813 : memref<1x16x128xf32, #tpu.memory_space<hbm>> -> memref<16x128xf32, #tpu.memory_space<hbm>>
        %dma_wait3A_815 = arith.constant 144 : i32
        %dma_wait3A_816 = arith.constant 0 : i32
        %dma_wait3A_817 = tpu.memref_slice %arg7[%dma_wait3A_815, %dma_wait3A_816] : memref<256x128xf32, #tpu.memory_space<vmem>> -> memref<16x128xf32, #tpu.memory_space<vmem>>
        tpu.wait_dma2 semaphore(%arg9 : memref<!tpu.dma_semaphore, #tpu.memory_space<semaphore_mem>>) src(%dma_wait3A_817 : memref<16x128xf32, #tpu.memory_space<vmem>>) dst(%dma_wait3A_814 : memref<16x128xf32, #tpu.memory_space<hbm>>)
      } else {
      }
      %parallel_loop3A_577 = arith.constant 0 : i32
      %parallel_loop3A_578 = arith.constant 128 : i32
      %parallel_loop3A_579 = arith.constant 1 : i32
      scf.for %parallel_loop3A_783 = %parallel_loop3A_577 to %parallel_loop3A_578 step %parallel_loop3A_579  : i32 {
        %parallel_loop3A_784 = arith.constant 16 : i32
        %parallel_loop3A_785 = arith.muli %parallel_loop3A_783, %parallel_loop3A_784 : i32
        %parallel_loop3A_786 = arith.constant 8192 : i32
        %parallel_loop3A_787 = arith.addi %parallel_loop3A_786, %parallel_loop3A_785 : i32
        %parallel_loop3A_788 = arith.index_cast %parallel_loop3A_787 : i32 to index
        %parallel_loop3A_789 = tpu.vector_load %arg6[%parallel_loop3A_788] {strides = array<i32>} : memref<16384xi32, #tpu.memory_space<vmem>>, vector<16xi32>,
        %parallel_loop3A_790 = arith.constant 8 : i32
        %parallel_loop3A_791 = arith.divsi %parallel_loop3A_783, %parallel_loop3A_790 : i32
        %parallel_loop3A_792 = arith.constant 0 : i32
        %parallel_loop3A_793 = arith.cmpi sgt, %parallel_loop3A_783, %parallel_loop3A_792 : i32
        %parallel_loop3A_794 = arith.extui %parallel_loop3A_793 : i1 to i32
        %parallel_loop3A_795 = arith.constant 0 : i32
        %parallel_loop3A_796 = arith.cmpi slt, %parallel_loop3A_783, %parallel_loop3A_795 : i32
        %parallel_loop3A_797 = arith.extui %parallel_loop3A_796 : i1 to i32
        %parallel_loop3A_798 = arith.subi %parallel_loop3A_794, %parallel_loop3A_797 : i32
        %parallel_loop3A_799 = arith.constant 0 : i32
        %parallel_loop3A_800 = arith.cmpi sgt, %parallel_loop3A_790, %parallel_loop3A_799 : i32
        %parallel_loop3A_801 = arith.extui %parallel_loop3A_800 : i1 to i32
        %parallel_loop3A_802 = arith.constant 0 : i32
        %parallel_loop3A_803 = arith.cmpi slt, %parallel_loop3A_790, %parallel_loop3A_802 : i32
        %parallel_loop3A_804 = arith.extui %parallel_loop3A_803 : i1 to i32
        %parallel_loop3A_805 = arith.subi %parallel_loop3A_801, %parallel_loop3A_804 : i32
        %parallel_loop3A_806 = arith.cmpi ne, %parallel_loop3A_798, %parallel_loop3A_805 : i32
        %parallel_loop3A_807 = arith.remsi %parallel_loop3A_783, %parallel_loop3A_790 : i32
        %parallel_loop3A_808 = arith.constant 0 : i32
        %parallel_loop3A_809 = arith.cmpi ne, %parallel_loop3A_807, %parallel_loop3A_808 : i32
        %parallel_loop3A_810 = arith.andi %parallel_loop3A_806, %parallel_loop3A_809 : i1
        %parallel_loop3A_811 = arith.constant 1 : i32
        %parallel_loop3A_812 = arith.subi %parallel_loop3A_791, %parallel_loop3A_811 : i32
        %parallel_loop3A_813 = arith.select %parallel_loop3A_810, %parallel_loop3A_812, %parallel_loop3A_791 : i32
        %parallel_loop3A_814 = arith.constant 8 : i32
        %parallel_loop3A_815 = arith.constant 0 : i32
        %parallel_loop3A_816 = arith.cmpi eq, %parallel_loop3A_814, %parallel_loop3A_815 : i32
        %parallel_loop3A_817 = arith.constant 1 : i32
        %parallel_loop3A_818 = arith.select %parallel_loop3A_816, %parallel_loop3A_817, %parallel_loop3A_814 : i32
        %parallel_loop3A_819 = arith.remsi %parallel_loop3A_783, %parallel_loop3A_818 : i32
        %parallel_loop3A_820 = arith.constant 0 : i32
        %parallel_loop3A_821 = arith.cmpi ne, %parallel_loop3A_819, %parallel_loop3A_820 : i32
        %parallel_loop3A_822 = arith.constant 0 : i32
        %parallel_loop3A_823 = arith.cmpi slt, %parallel_loop3A_819, %parallel_loop3A_822 : i32
        %parallel_loop3A_824 = arith.constant 0 : i32
        %parallel_loop3A_825 = arith.cmpi slt, %parallel_loop3A_818, %parallel_loop3A_824 : i32
        %parallel_loop3A_826 = arith.xori %parallel_loop3A_823, %parallel_loop3A_825 : i1
        %parallel_loop3A_827 = arith.andi %parallel_loop3A_826, %parallel_loop3A_821 : i1
        %parallel_loop3A_828 = arith.addi %parallel_loop3A_819, %parallel_loop3A_818 : i32
        %parallel_loop3A_829 = arith.select %parallel_loop3A_827, %parallel_loop3A_828, %parallel_loop3A_819 : i32
        %parallel_loop3A_830 = arith.constant 16 : i32
        %parallel_loop3A_831 = arith.muli %parallel_loop3A_829, %parallel_loop3A_830 : i32
        %parallel_loop3A_832 = tpu.vector_load_idx %arg5[%parallel_loop3A_789] : memref<32768xf32, #tpu.memory_space<vmem>>[vector<16xi32>], vector<16xf32>,
        %parallel_loop3A_833 = arith.constant 128 : i32
        %parallel_loop3A_834 = arith.addi %parallel_loop3A_833, %parallel_loop3A_813 : i32
        %parallel_loop3A_835 = arith.index_cast %parallel_loop3A_834 : i32 to index
        %parallel_loop3A_836 = arith.index_cast %parallel_loop3A_831 : i32 to index
        %parallel_loop3A_837 = tpu.vector_load %arg7[%parallel_loop3A_835, %parallel_loop3A_836] {strides = array<i32>} : memref<256x128xf32, #tpu.memory_space<vmem>>, vector<16xf32>,
        tpu.vector_store %arg7[%parallel_loop3A_835, %parallel_loop3A_836], %parallel_loop3A_832 {strides = array<i32>} : memref<256x128xf32, #tpu.memory_space<vmem>>, vector<16xf32>,
        %parallel_loop3A_838 = arith.constant 16384 : i32
        %parallel_loop3A_839 = vector.broadcast %parallel_loop3A_838 : i32 to vector<16xi32>
        %parallel_loop3A_840 = arith.addi %parallel_loop3A_789, %parallel_loop3A_839 : vector<16xi32>
        %parallel_loop3A_841 = tpu.vector_load_idx %arg5[%parallel_loop3A_840] : memref<32768xf32, #tpu.memory_space<vmem>>[vector<16xi32>], vector<16xf32>,
        %parallel_loop3A_842 = arith.constant 144 : i32
        %parallel_loop3A_843 = arith.addi %parallel_loop3A_842, %parallel_loop3A_813 : i32
        %parallel_loop3A_844 = arith.index_cast %parallel_loop3A_843 : i32 to index
        %parallel_loop3A_845 = arith.index_cast %parallel_loop3A_831 : i32 to index
        %parallel_loop3A_846 = tpu.vector_load %arg7[%parallel_loop3A_844, %parallel_loop3A_845] {strides = array<i32>} : memref<256x128xf32, #tpu.memory_space<vmem>>, vector<16xf32>,
        tpu.vector_store %arg7[%parallel_loop3A_844, %parallel_loop3A_845], %parallel_loop3A_841 {strides = array<i32>} : memref<256x128xf32, #tpu.memory_space<vmem>>, vector<16xf32>,
      } {sc.loop_unroll_factor = 8 : i64, sc.parallel_access}
      %add3A_580 = arith.constant 0 : i32
      %add3A_581 = arith.addi %mul3A_2, %add3A_580 : i32
      %mul3A_582 = arith.constant 16 : i32
      %mul3A_583 = arith.muli %add3A_556, %mul3A_582 : i32
      %dma_start3A_584 = arith.constant 128 : i32
      %dma_start3A_585 = arith.constant 0 : i32
      %dma_start3A_586 = tpu.memref_slice %arg7[%dma_start3A_584, %dma_start3A_585] : memref<256x128xf32, #tpu.memory_space<vmem>> -> memref<16x128xf32, #tpu.memory_space<vmem>>
      %dma_start3A_587 = arith.constant 0 : i32
      %dma_start3A_588 = tpu.memref_slice %arg4[%add3A_581, %mul3A_583, %dma_start3A_587] : memref<64x1024x128xf32, #tpu.memory_space<hbm>> -> memref<1x16x128xf32, #tpu.memory_space<hbm>>
      %dma_start3A_589 = tpu.memref_squeeze %dma_start3A_588 : memref<1x16x128xf32, #tpu.memory_space<hbm>> -> memref<16x128xf32, #tpu.memory_space<hbm>>
      %dma_start3A_590 = arith.constant 0 : i32
      %dma_start3A_591 = tpu.memref_slice %arg4[%add3A_581, %mul3A_583, %dma_start3A_590] : memref<64x1024x128xf32, #tpu.memory_space<hbm>> -> memref<1x16x128xf32, #tpu.memory_space<hbm>>
      %dma_start3A_592 = tpu.memref_squeeze %dma_start3A_591 : memref<1x16x128xf32, #tpu.memory_space<hbm>> -> memref<16x128xf32, #tpu.memory_space<hbm>>
      %dma_start3A_593 = arith.constant 128 : i32
      %dma_start3A_594 = arith.constant 0 : i32
      %dma_start3A_595 = tpu.memref_slice %arg7[%dma_start3A_593, %dma_start3A_594] : memref<256x128xf32, #tpu.memory_space<vmem>> -> memref<16x128xf32, #tpu.memory_space<vmem>>
      tpu.enqueue_dma source(%dma_start3A_595 : memref<16x128xf32, #tpu.memory_space<vmem>>) target(%dma_start3A_592 : memref<16x128xf32, #tpu.memory_space<hbm>>) target_semaphore(%arg9 : memref<!tpu.dma_semaphore, #tpu.memory_space<semaphore_mem>>)
      %add3A_596 = arith.constant 1 : i32
      %add3A_597 = arith.addi %mul3A_2, %add3A_596 : i32
      %mul3A_598 = arith.constant 16 : i32
      %mul3A_599 = arith.muli %add3A_556, %mul3A_598 : i32
      %dma_start3A_600 = arith.constant 144 : i32
      %dma_start3A_601 = arith.constant 0 : i32
      %dma_start3A_602 = tpu.memref_slice %arg7[%dma_start3A_600, %dma_start3A_601] : memref<256x128xf32, #tpu.memory_space<vmem>> -> memref<16x128xf32, #tpu.memory_space<vmem>>
      %dma_start3A_603 = arith.constant 0 : i32
      %dma_start3A_604 = tpu.memref_slice %arg4[%add3A_597, %mul3A_599, %dma_start3A_603] : memref<64x1024x128xf32, #tpu.memory_space<hbm>> -> memref<1x16x128xf32, #tpu.memory_space<hbm>>
      %dma_start3A_605 = tpu.memref_squeeze %dma_start3A_604 : memref<1x16x128xf32, #tpu.memory_space<hbm>> -> memref<16x128xf32, #tpu.memory_space<hbm>>
      %dma_start3A_606 = arith.constant 0 : i32
      %dma_start3A_607 = tpu.memref_slice %arg4[%add3A_597, %mul3A_599, %dma_start3A_606] : memref<64x1024x128xf32, #tpu.memory_space<hbm>> -> memref<1x16x128xf32, #tpu.memory_space<hbm>>
      %dma_start3A_608 = tpu.memref_squeeze %dma_start3A_607 : memref<1x16x128xf32, #tpu.memory_space<hbm>> -> memref<16x128xf32, #tpu.memory_space<hbm>>
      %dma_start3A_609 = arith.constant 144 : i32
      %dma_start3A_610 = arith.constant 0 : i32
      %dma_start3A_611 = tpu.memref_slice %arg7[%dma_start3A_609, %dma_start3A_610] : memref<256x128xf32, #tpu.memory_space<vmem>> -> memref<16x128xf32, #tpu.memory_space<vmem>>
      tpu.enqueue_dma source(%dma_start3A_611 : memref<16x128xf32, #tpu.memory_space<vmem>>) target(%dma_start3A_608 : memref<16x128xf32, #tpu.memory_space<hbm>>) target_semaphore(%arg9 : memref<!tpu.dma_semaphore, #tpu.memory_space<semaphore_mem>>)
      %add3A_612 = arith.constant 5 : i32
      %add3A_613 = arith.addi %add3A_331, %add3A_612 : i32
      %mul3A_614 = arith.constant 2048 : i32
      %mul3A_615 = arith.muli %add3A_613, %mul3A_614 : i32
      %dma_wait3A_616 = arith.constant 10240 : i32
      %dma_wait3A_617 = tpu.memref_slice %arg6[%dma_wait3A_616] : memref<16384xi32, #tpu.memory_space<vmem>> -> memref<2048xi32, #tpu.memory_space<vmem>>
      %dma_wait3A_618 = tpu.memref_slice %arg3[%mul3A_615] : memref<131072xi32, #tpu.memory_space<hbm>> -> memref<2048xi32, #tpu.memory_space<hbm>>
      %dma_wait3A_619 = arith.constant 10240 : i32
      %dma_wait3A_620 = tpu.memref_slice %arg6[%dma_wait3A_619] : memref<16384xi32, #tpu.memory_space<vmem>> -> memref<2048xi32, #tpu.memory_space<vmem>>
      %dma_wait3A_621 = tpu.memref_slice %arg3[%mul3A_615] : memref<131072xi32, #tpu.memory_space<hbm>> -> memref<2048xi32, #tpu.memory_space<hbm>>
      tpu.wait_dma2 semaphore(%arg8 : memref<!tpu.dma_semaphore, #tpu.memory_space<semaphore_mem>>) src(%dma_wait3A_621 : memref<2048xi32, #tpu.memory_space<hbm>>) dst(%dma_wait3A_620 : memref<2048xi32, #tpu.memory_space<vmem>>)
      %add3A_622 = arith.constant 8 : i32
      %add3A_623 = arith.addi %add3A_613, %add3A_622 : i32
      %lt3A_624 = arith.constant 64 : i32
      %lt3A_625 = arith.cmpi slt, %add3A_623, %lt3A_624 : i32
      %convert_element_type3A_626 = arith.extui %lt3A_625 : i1 to i32
      %cond3A_627 = arith.constant 0 : i32
      %cond3A_628 = arith.cmpi ne, %convert_element_type3A_626, %cond3A_627 : i32
      scf.if %cond3A_628 {
        %add3A_783 = arith.constant 8 : i32
        %add3A_784 = arith.addi %add3A_613, %add3A_783 : i32
        %mul3A_785 = arith.constant 2048 : i32
        %mul3A_786 = arith.muli %add3A_784, %mul3A_785 : i32
        %dma_start3A_787 = arith.constant 10240 : i32
        %dma_start3A_788 = tpu.memref_slice %arg6[%dma_start3A_787] : memref<16384xi32, #tpu.memory_space<vmem>> -> memref<2048xi32, #tpu.memory_space<vmem>>
        %dma_start3A_789 = tpu.memref_slice %arg3[%mul3A_786] : memref<131072xi32, #tpu.memory_space<hbm>> -> memref<2048xi32, #tpu.memory_space<hbm>>
        %dma_start3A_790 = arith.constant 10240 : i32
        %dma_start3A_791 = tpu.memref_slice %arg6[%dma_start3A_790] : memref<16384xi32, #tpu.memory_space<vmem>> -> memref<2048xi32, #tpu.memory_space<vmem>>
        %dma_start3A_792 = tpu.memref_slice %arg3[%mul3A_786] : memref<131072xi32, #tpu.memory_space<hbm>> -> memref<2048xi32, #tpu.memory_space<hbm>>
        tpu.enqueue_dma source(%dma_start3A_792 : memref<2048xi32, #tpu.memory_space<hbm>>) target(%dma_start3A_791 : memref<2048xi32, #tpu.memory_space<vmem>>) target_semaphore(%arg8 : memref<!tpu.dma_semaphore, #tpu.memory_space<semaphore_mem>>)
      } else {
      }
      %ge3A_629 = arith.constant 8 : i32
      %ge3A_630 = arith.cmpi sge, %add3A_613, %ge3A_629 : i32
      %convert_element_type3A_631 = arith.extui %ge3A_630 : i1 to i32
      %cond3A_632 = arith.constant 0 : i32
      %cond3A_633 = arith.cmpi ne, %convert_element_type3A_631, %cond3A_632 : i32
      scf.if %cond3A_633 {
        %sub3A = arith.constant 8 : i32
        %sub3A_783 = arith.subi %add3A_613, %sub3A : i32
        %add3A_784 = arith.constant 0 : i32
        %add3A_785 = arith.addi %mul3A_2, %add3A_784 : i32
        %mul3A_786 = arith.constant 16 : i32
        %mul3A_787 = arith.muli %sub3A_783, %mul3A_786 : i32
        %dma_wait3A_788 = arith.constant 160 : i32
        %dma_wait3A_789 = arith.constant 0 : i32
        %dma_wait3A_790 = tpu.memref_slice %arg7[%dma_wait3A_788, %dma_wait3A_789] : memref<256x128xf32, #tpu.memory_space<vmem>> -> memref<16x128xf32, #tpu.memory_space<vmem>>
        %dma_wait3A_791 = arith.constant 0 : i32
        %dma_wait3A_792 = tpu.memref_slice %arg4[%add3A_785, %mul3A_787, %dma_wait3A_791] : memref<64x1024x128xf32, #tpu.memory_space<hbm>> -> memref<1x16x128xf32, #tpu.memory_space<hbm>>
        %dma_wait3A_793 = tpu.memref_squeeze %dma_wait3A_792 : memref<1x16x128xf32, #tpu.memory_space<hbm>> -> memref<16x128xf32, #tpu.memory_space<hbm>>
        %dma_wait3A_794 = arith.constant 0 : i32
        %dma_wait3A_795 = tpu.memref_slice %arg4[%add3A_785, %mul3A_787, %dma_wait3A_794] : memref<64x1024x128xf32, #tpu.memory_space<hbm>> -> memref<1x16x128xf32, #tpu.memory_space<hbm>>
        %dma_wait3A_796 = tpu.memref_squeeze %dma_wait3A_795 : memref<1x16x128xf32, #tpu.memory_space<hbm>> -> memref<16x128xf32, #tpu.memory_space<hbm>>
        %dma_wait3A_797 = arith.constant 160 : i32
        %dma_wait3A_798 = arith.constant 0 : i32
        %dma_wait3A_799 = tpu.memref_slice %arg7[%dma_wait3A_797, %dma_wait3A_798] : memref<256x128xf32, #tpu.memory_space<vmem>> -> memref<16x128xf32, #tpu.memory_space<vmem>>
        tpu.wait_dma2 semaphore(%arg9 : memref<!tpu.dma_semaphore, #tpu.memory_space<semaphore_mem>>) src(%dma_wait3A_799 : memref<16x128xf32, #tpu.memory_space<vmem>>) dst(%dma_wait3A_796 : memref<16x128xf32, #tpu.memory_space<hbm>>)
        %sub3A_800 = arith.constant 8 : i32
        %sub3A_801 = arith.subi %add3A_613, %sub3A_800 : i32
        %add3A_802 = arith.constant 1 : i32
        %add3A_803 = arith.addi %mul3A_2, %add3A_802 : i32
        %mul3A_804 = arith.constant 16 : i32
        %mul3A_805 = arith.muli %sub3A_801, %mul3A_804 : i32
        %dma_wait3A_806 = arith.constant 176 : i32
        %dma_wait3A_807 = arith.constant 0 : i32
        %dma_wait3A_808 = tpu.memref_slice %arg7[%dma_wait3A_806, %dma_wait3A_807] : memref<256x128xf32, #tpu.memory_space<vmem>> -> memref<16x128xf32, #tpu.memory_space<vmem>>
        %dma_wait3A_809 = arith.constant 0 : i32
        %dma_wait3A_810 = tpu.memref_slice %arg4[%add3A_803, %mul3A_805, %dma_wait3A_809] : memref<64x1024x128xf32, #tpu.memory_space<hbm>> -> memref<1x16x128xf32, #tpu.memory_space<hbm>>
        %dma_wait3A_811 = tpu.memref_squeeze %dma_wait3A_810 : memref<1x16x128xf32, #tpu.memory_space<hbm>> -> memref<16x128xf32, #tpu.memory_space<hbm>>
        %dma_wait3A_812 = arith.constant 0 : i32
        %dma_wait3A_813 = tpu.memref_slice %arg4[%add3A_803, %mul3A_805, %dma_wait3A_812] : memref<64x1024x128xf32, #tpu.memory_space<hbm>> -> memref<1x16x128xf32, #tpu.memory_space<hbm>>
        %dma_wait3A_814 = tpu.memref_squeeze %dma_wait3A_813 : memref<1x16x128xf32, #tpu.memory_space<hbm>> -> memref<16x128xf32, #tpu.memory_space<hbm>>
        %dma_wait3A_815 = arith.constant 176 : i32
        %dma_wait3A_816 = arith.constant 0 : i32
        %dma_wait3A_817 = tpu.memref_slice %arg7[%dma_wait3A_815, %dma_wait3A_816] : memref<256x128xf32, #tpu.memory_space<vmem>> -> memref<16x128xf32, #tpu.memory_space<vmem>>
        tpu.wait_dma2 semaphore(%arg9 : memref<!tpu.dma_semaphore, #tpu.memory_space<semaphore_mem>>) src(%dma_wait3A_817 : memref<16x128xf32, #tpu.memory_space<vmem>>) dst(%dma_wait3A_814 : memref<16x128xf32, #tpu.memory_space<hbm>>)
      } else {
      }
      %parallel_loop3A_634 = arith.constant 0 : i32
      %parallel_loop3A_635 = arith.constant 128 : i32
      %parallel_loop3A_636 = arith.constant 1 : i32
      scf.for %parallel_loop3A_783 = %parallel_loop3A_634 to %parallel_loop3A_635 step %parallel_loop3A_636  : i32 {
        %parallel_loop3A_784 = arith.constant 16 : i32
        %parallel_loop3A_785 = arith.muli %parallel_loop3A_783, %parallel_loop3A_784 : i32
        %parallel_loop3A_786 = arith.constant 10240 : i32
        %parallel_loop3A_787 = arith.addi %parallel_loop3A_786, %parallel_loop3A_785 : i32
        %parallel_loop3A_788 = arith.index_cast %parallel_loop3A_787 : i32 to index
        %parallel_loop3A_789 = tpu.vector_load %arg6[%parallel_loop3A_788] {strides = array<i32>} : memref<16384xi32, #tpu.memory_space<vmem>>, vector<16xi32>,
        %parallel_loop3A_790 = arith.constant 8 : i32
        %parallel_loop3A_791 = arith.divsi %parallel_loop3A_783, %parallel_loop3A_790 : i32
        %parallel_loop3A_792 = arith.constant 0 : i32
        %parallel_loop3A_793 = arith.cmpi sgt, %parallel_loop3A_783, %parallel_loop3A_792 : i32
        %parallel_loop3A_794 = arith.extui %parallel_loop3A_793 : i1 to i32
        %parallel_loop3A_795 = arith.constant 0 : i32
        %parallel_loop3A_796 = arith.cmpi slt, %parallel_loop3A_783, %parallel_loop3A_795 : i32
        %parallel_loop3A_797 = arith.extui %parallel_loop3A_796 : i1 to i32
        %parallel_loop3A_798 = arith.subi %parallel_loop3A_794, %parallel_loop3A_797 : i32
        %parallel_loop3A_799 = arith.constant 0 : i32
        %parallel_loop3A_800 = arith.cmpi sgt, %parallel_loop3A_790, %parallel_loop3A_799 : i32
        %parallel_loop3A_801 = arith.extui %parallel_loop3A_800 : i1 to i32
        %parallel_loop3A_802 = arith.constant 0 : i32
        %parallel_loop3A_803 = arith.cmpi slt, %parallel_loop3A_790, %parallel_loop3A_802 : i32
        %parallel_loop3A_804 = arith.extui %parallel_loop3A_803 : i1 to i32
        %parallel_loop3A_805 = arith.subi %parallel_loop3A_801, %parallel_loop3A_804 : i32
        %parallel_loop3A_806 = arith.cmpi ne, %parallel_loop3A_798, %parallel_loop3A_805 : i32
        %parallel_loop3A_807 = arith.remsi %parallel_loop3A_783, %parallel_loop3A_790 : i32
        %parallel_loop3A_808 = arith.constant 0 : i32
        %parallel_loop3A_809 = arith.cmpi ne, %parallel_loop3A_807, %parallel_loop3A_808 : i32
        %parallel_loop3A_810 = arith.andi %parallel_loop3A_806, %parallel_loop3A_809 : i1
        %parallel_loop3A_811 = arith.constant 1 : i32
        %parallel_loop3A_812 = arith.subi %parallel_loop3A_791, %parallel_loop3A_811 : i32
        %parallel_loop3A_813 = arith.select %parallel_loop3A_810, %parallel_loop3A_812, %parallel_loop3A_791 : i32
        %parallel_loop3A_814 = arith.constant 8 : i32
        %parallel_loop3A_815 = arith.constant 0 : i32
        %parallel_loop3A_816 = arith.cmpi eq, %parallel_loop3A_814, %parallel_loop3A_815 : i32
        %parallel_loop3A_817 = arith.constant 1 : i32
        %parallel_loop3A_818 = arith.select %parallel_loop3A_816, %parallel_loop3A_817, %parallel_loop3A_814 : i32
        %parallel_loop3A_819 = arith.remsi %parallel_loop3A_783, %parallel_loop3A_818 : i32
        %parallel_loop3A_820 = arith.constant 0 : i32
        %parallel_loop3A_821 = arith.cmpi ne, %parallel_loop3A_819, %parallel_loop3A_820 : i32
        %parallel_loop3A_822 = arith.constant 0 : i32
        %parallel_loop3A_823 = arith.cmpi slt, %parallel_loop3A_819, %parallel_loop3A_822 : i32
        %parallel_loop3A_824 = arith.constant 0 : i32
        %parallel_loop3A_825 = arith.cmpi slt, %parallel_loop3A_818, %parallel_loop3A_824 : i32
        %parallel_loop3A_826 = arith.xori %parallel_loop3A_823, %parallel_loop3A_825 : i1
        %parallel_loop3A_827 = arith.andi %parallel_loop3A_826, %parallel_loop3A_821 : i1
        %parallel_loop3A_828 = arith.addi %parallel_loop3A_819, %parallel_loop3A_818 : i32
        %parallel_loop3A_829 = arith.select %parallel_loop3A_827, %parallel_loop3A_828, %parallel_loop3A_819 : i32
        %parallel_loop3A_830 = arith.constant 16 : i32
        %parallel_loop3A_831 = arith.muli %parallel_loop3A_829, %parallel_loop3A_830 : i32
        %parallel_loop3A_832 = tpu.vector_load_idx %arg5[%parallel_loop3A_789] : memref<32768xf32, #tpu.memory_space<vmem>>[vector<16xi32>], vector<16xf32>,
        %parallel_loop3A_833 = arith.constant 160 : i32
        %parallel_loop3A_834 = arith.addi %parallel_loop3A_833, %parallel_loop3A_813 : i32
        %parallel_loop3A_835 = arith.index_cast %parallel_loop3A_834 : i32 to index
        %parallel_loop3A_836 = arith.index_cast %parallel_loop3A_831 : i32 to index
        %parallel_loop3A_837 = tpu.vector_load %arg7[%parallel_loop3A_835, %parallel_loop3A_836] {strides = array<i32>} : memref<256x128xf32, #tpu.memory_space<vmem>>, vector<16xf32>,
        tpu.vector_store %arg7[%parallel_loop3A_835, %parallel_loop3A_836], %parallel_loop3A_832 {strides = array<i32>} : memref<256x128xf32, #tpu.memory_space<vmem>>, vector<16xf32>,
        %parallel_loop3A_838 = arith.constant 16384 : i32
        %parallel_loop3A_839 = vector.broadcast %parallel_loop3A_838 : i32 to vector<16xi32>
        %parallel_loop3A_840 = arith.addi %parallel_loop3A_789, %parallel_loop3A_839 : vector<16xi32>
        %parallel_loop3A_841 = tpu.vector_load_idx %arg5[%parallel_loop3A_840] : memref<32768xf32, #tpu.memory_space<vmem>>[vector<16xi32>], vector<16xf32>,
        %parallel_loop3A_842 = arith.constant 176 : i32
        %parallel_loop3A_843 = arith.addi %parallel_loop3A_842, %parallel_loop3A_813 : i32
        %parallel_loop3A_844 = arith.index_cast %parallel_loop3A_843 : i32 to index
        %parallel_loop3A_845 = arith.index_cast %parallel_loop3A_831 : i32 to index
        %parallel_loop3A_846 = tpu.vector_load %arg7[%parallel_loop3A_844, %parallel_loop3A_845] {strides = array<i32>} : memref<256x128xf32, #tpu.memory_space<vmem>>, vector<16xf32>,
        tpu.vector_store %arg7[%parallel_loop3A_844, %parallel_loop3A_845], %parallel_loop3A_841 {strides = array<i32>} : memref<256x128xf32, #tpu.memory_space<vmem>>, vector<16xf32>,
      } {sc.loop_unroll_factor = 8 : i64, sc.parallel_access}
      %add3A_637 = arith.constant 0 : i32
      %add3A_638 = arith.addi %mul3A_2, %add3A_637 : i32
      %mul3A_639 = arith.constant 16 : i32
      %mul3A_640 = arith.muli %add3A_613, %mul3A_639 : i32
      %dma_start3A_641 = arith.constant 160 : i32
      %dma_start3A_642 = arith.constant 0 : i32
      %dma_start3A_643 = tpu.memref_slice %arg7[%dma_start3A_641, %dma_start3A_642] : memref<256x128xf32, #tpu.memory_space<vmem>> -> memref<16x128xf32, #tpu.memory_space<vmem>>
      %dma_start3A_644 = arith.constant 0 : i32
      %dma_start3A_645 = tpu.memref_slice %arg4[%add3A_638, %mul3A_640, %dma_start3A_644] : memref<64x1024x128xf32, #tpu.memory_space<hbm>> -> memref<1x16x128xf32, #tpu.memory_space<hbm>>
      %dma_start3A_646 = tpu.memref_squeeze %dma_start3A_645 : memref<1x16x128xf32, #tpu.memory_space<hbm>> -> memref<16x128xf32, #tpu.memory_space<hbm>>
      %dma_start3A_647 = arith.constant 0 : i32
      %dma_start3A_648 = tpu.memref_slice %arg4[%add3A_638, %mul3A_640, %dma_start3A_647] : memref<64x1024x128xf32, #tpu.memory_space<hbm>> -> memref<1x16x128xf32, #tpu.memory_space<hbm>>
      %dma_start3A_649 = tpu.memref_squeeze %dma_start3A_648 : memref<1x16x128xf32, #tpu.memory_space<hbm>> -> memref<16x128xf32, #tpu.memory_space<hbm>>
      %dma_start3A_650 = arith.constant 160 : i32
      %dma_start3A_651 = arith.constant 0 : i32
      %dma_start3A_652 = tpu.memref_slice %arg7[%dma_start3A_650, %dma_start3A_651] : memref<256x128xf32, #tpu.memory_space<vmem>> -> memref<16x128xf32, #tpu.memory_space<vmem>>
      tpu.enqueue_dma source(%dma_start3A_652 : memref<16x128xf32, #tpu.memory_space<vmem>>) target(%dma_start3A_649 : memref<16x128xf32, #tpu.memory_space<hbm>>) target_semaphore(%arg9 : memref<!tpu.dma_semaphore, #tpu.memory_space<semaphore_mem>>)
      %add3A_653 = arith.constant 1 : i32
      %add3A_654 = arith.addi %mul3A_2, %add3A_653 : i32
      %mul3A_655 = arith.constant 16 : i32
      %mul3A_656 = arith.muli %add3A_613, %mul3A_655 : i32
      %dma_start3A_657 = arith.constant 176 : i32
      %dma_start3A_658 = arith.constant 0 : i32
      %dma_start3A_659 = tpu.memref_slice %arg7[%dma_start3A_657, %dma_start3A_658] : memref<256x128xf32, #tpu.memory_space<vmem>> -> memref<16x128xf32, #tpu.memory_space<vmem>>
      %dma_start3A_660 = arith.constant 0 : i32
      %dma_start3A_661 = tpu.memref_slice %arg4[%add3A_654, %mul3A_656, %dma_start3A_660] : memref<64x1024x128xf32, #tpu.memory_space<hbm>> -> memref<1x16x128xf32, #tpu.memory_space<hbm>>
      %dma_start3A_662 = tpu.memref_squeeze %dma_start3A_661 : memref<1x16x128xf32, #tpu.memory_space<hbm>> -> memref<16x128xf32, #tpu.memory_space<hbm>>
      %dma_start3A_663 = arith.constant 0 : i32
      %dma_start3A_664 = tpu.memref_slice %arg4[%add3A_654, %mul3A_656, %dma_start3A_663] : memref<64x1024x128xf32, #tpu.memory_space<hbm>> -> memref<1x16x128xf32, #tpu.memory_space<hbm>>
      %dma_start3A_665 = tpu.memref_squeeze %dma_start3A_664 : memref<1x16x128xf32, #tpu.memory_space<hbm>> -> memref<16x128xf32, #tpu.memory_space<hbm>>
      %dma_start3A_666 = arith.constant 176 : i32
      %dma_start3A_667 = arith.constant 0 : i32
      %dma_start3A_668 = tpu.memref_slice %arg7[%dma_start3A_666, %dma_start3A_667] : memref<256x128xf32, #tpu.memory_space<vmem>> -> memref<16x128xf32, #tpu.memory_space<vmem>>
      tpu.enqueue_dma source(%dma_start3A_668 : memref<16x128xf32, #tpu.memory_space<vmem>>) target(%dma_start3A_665 : memref<16x128xf32, #tpu.memory_space<hbm>>) target_semaphore(%arg9 : memref<!tpu.dma_semaphore, #tpu.memory_space<semaphore_mem>>)
      %add3A_669 = arith.constant 6 : i32
      %add3A_670 = arith.addi %add3A_331, %add3A_669 : i32
      %mul3A_671 = arith.constant 2048 : i32
      %mul3A_672 = arith.muli %add3A_670, %mul3A_671 : i32
      %dma_wait3A_673 = arith.constant 12288 : i32
      %dma_wait3A_674 = tpu.memref_slice %arg6[%dma_wait3A_673] : memref<16384xi32, #tpu.memory_space<vmem>> -> memref<2048xi32, #tpu.memory_space<vmem>>
      %dma_wait3A_675 = tpu.memref_slice %arg3[%mul3A_672] : memref<131072xi32, #tpu.memory_space<hbm>> -> memref<2048xi32, #tpu.memory_space<hbm>>
      %dma_wait3A_676 = arith.constant 12288 : i32
      %dma_wait3A_677 = tpu.memref_slice %arg6[%dma_wait3A_676] : memref<16384xi32, #tpu.memory_space<vmem>> -> memref<2048xi32, #tpu.memory_space<vmem>>
      %dma_wait3A_678 = tpu.memref_slice %arg3[%mul3A_672] : memref<131072xi32, #tpu.memory_space<hbm>> -> memref<2048xi32, #tpu.memory_space<hbm>>
      tpu.wait_dma2 semaphore(%arg8 : memref<!tpu.dma_semaphore, #tpu.memory_space<semaphore_mem>>) src(%dma_wait3A_678 : memref<2048xi32, #tpu.memory_space<hbm>>) dst(%dma_wait3A_677 : memref<2048xi32, #tpu.memory_space<vmem>>)
      %add3A_679 = arith.constant 8 : i32
      %add3A_680 = arith.addi %add3A_670, %add3A_679 : i32
      %lt3A_681 = arith.constant 64 : i32
      %lt3A_682 = arith.cmpi slt, %add3A_680, %lt3A_681 : i32
      %convert_element_type3A_683 = arith.extui %lt3A_682 : i1 to i32
      %cond3A_684 = arith.constant 0 : i32
      %cond3A_685 = arith.cmpi ne, %convert_element_type3A_683, %cond3A_684 : i32
      scf.if %cond3A_685 {
        %add3A_783 = arith.constant 8 : i32
        %add3A_784 = arith.addi %add3A_670, %add3A_783 : i32
        %mul3A_785 = arith.constant 2048 : i32
        %mul3A_786 = arith.muli %add3A_784, %mul3A_785 : i32
        %dma_start3A_787 = arith.constant 12288 : i32
        %dma_start3A_788 = tpu.memref_slice %arg6[%dma_start3A_787] : memref<16384xi32, #tpu.memory_space<vmem>> -> memref<2048xi32, #tpu.memory_space<vmem>>
        %dma_start3A_789 = tpu.memref_slice %arg3[%mul3A_786] : memref<131072xi32, #tpu.memory_space<hbm>> -> memref<2048xi32, #tpu.memory_space<hbm>>
        %dma_start3A_790 = arith.constant 12288 : i32
        %dma_start3A_791 = tpu.memref_slice %arg6[%dma_start3A_790] : memref<16384xi32, #tpu.memory_space<vmem>> -> memref<2048xi32, #tpu.memory_space<vmem>>
        %dma_start3A_792 = tpu.memref_slice %arg3[%mul3A_786] : memref<131072xi32, #tpu.memory_space<hbm>> -> memref<2048xi32, #tpu.memory_space<hbm>>
        tpu.enqueue_dma source(%dma_start3A_792 : memref<2048xi32, #tpu.memory_space<hbm>>) target(%dma_start3A_791 : memref<2048xi32, #tpu.memory_space<vmem>>) target_semaphore(%arg8 : memref<!tpu.dma_semaphore, #tpu.memory_space<semaphore_mem>>)
      } else {
      }
      %ge3A_686 = arith.constant 8 : i32
      %ge3A_687 = arith.cmpi sge, %add3A_670, %ge3A_686 : i32
      %convert_element_type3A_688 = arith.extui %ge3A_687 : i1 to i32
      %cond3A_689 = arith.constant 0 : i32
      %cond3A_690 = arith.cmpi ne, %convert_element_type3A_688, %cond3A_689 : i32
      scf.if %cond3A_690 {
        %sub3A = arith.constant 8 : i32
        %sub3A_783 = arith.subi %add3A_670, %sub3A : i32
        %add3A_784 = arith.constant 0 : i32
        %add3A_785 = arith.addi %mul3A_2, %add3A_784 : i32
        %mul3A_786 = arith.constant 16 : i32
        %mul3A_787 = arith.muli %sub3A_783, %mul3A_786 : i32
        %dma_wait3A_788 = arith.constant 192 : i32
        %dma_wait3A_789 = arith.constant 0 : i32
        %dma_wait3A_790 = tpu.memref_slice %arg7[%dma_wait3A_788, %dma_wait3A_789] : memref<256x128xf32, #tpu.memory_space<vmem>> -> memref<16x128xf32, #tpu.memory_space<vmem>>
        %dma_wait3A_791 = arith.constant 0 : i32
        %dma_wait3A_792 = tpu.memref_slice %arg4[%add3A_785, %mul3A_787, %dma_wait3A_791] : memref<64x1024x128xf32, #tpu.memory_space<hbm>> -> memref<1x16x128xf32, #tpu.memory_space<hbm>>
        %dma_wait3A_793 = tpu.memref_squeeze %dma_wait3A_792 : memref<1x16x128xf32, #tpu.memory_space<hbm>> -> memref<16x128xf32, #tpu.memory_space<hbm>>
        %dma_wait3A_794 = arith.constant 0 : i32
        %dma_wait3A_795 = tpu.memref_slice %arg4[%add3A_785, %mul3A_787, %dma_wait3A_794] : memref<64x1024x128xf32, #tpu.memory_space<hbm>> -> memref<1x16x128xf32, #tpu.memory_space<hbm>>
        %dma_wait3A_796 = tpu.memref_squeeze %dma_wait3A_795 : memref<1x16x128xf32, #tpu.memory_space<hbm>> -> memref<16x128xf32, #tpu.memory_space<hbm>>
        %dma_wait3A_797 = arith.constant 192 : i32
        %dma_wait3A_798 = arith.constant 0 : i32
        %dma_wait3A_799 = tpu.memref_slice %arg7[%dma_wait3A_797, %dma_wait3A_798] : memref<256x128xf32, #tpu.memory_space<vmem>> -> memref<16x128xf32, #tpu.memory_space<vmem>>
        tpu.wait_dma2 semaphore(%arg9 : memref<!tpu.dma_semaphore, #tpu.memory_space<semaphore_mem>>) src(%dma_wait3A_799 : memref<16x128xf32, #tpu.memory_space<vmem>>) dst(%dma_wait3A_796 : memref<16x128xf32, #tpu.memory_space<hbm>>)
        %sub3A_800 = arith.constant 8 : i32
        %sub3A_801 = arith.subi %add3A_670, %sub3A_800 : i32
        %add3A_802 = arith.constant 1 : i32
        %add3A_803 = arith.addi %mul3A_2, %add3A_802 : i32
        %mul3A_804 = arith.constant 16 : i32
        %mul3A_805 = arith.muli %sub3A_801, %mul3A_804 : i32
        %dma_wait3A_806 = arith.constant 208 : i32
        %dma_wait3A_807 = arith.constant 0 : i32
        %dma_wait3A_808 = tpu.memref_slice %arg7[%dma_wait3A_806, %dma_wait3A_807] : memref<256x128xf32, #tpu.memory_space<vmem>> -> memref<16x128xf32, #tpu.memory_space<vmem>>
        %dma_wait3A_809 = arith.constant 0 : i32
        %dma_wait3A_810 = tpu.memref_slice %arg4[%add3A_803, %mul3A_805, %dma_wait3A_809] : memref<64x1024x128xf32, #tpu.memory_space<hbm>> -> memref<1x16x128xf32, #tpu.memory_space<hbm>>
        %dma_wait3A_811 = tpu.memref_squeeze %dma_wait3A_810 : memref<1x16x128xf32, #tpu.memory_space<hbm>> -> memref<16x128xf32, #tpu.memory_space<hbm>>
        %dma_wait3A_812 = arith.constant 0 : i32
        %dma_wait3A_813 = tpu.memref_slice %arg4[%add3A_803, %mul3A_805, %dma_wait3A_812] : memref<64x1024x128xf32, #tpu.memory_space<hbm>> -> memref<1x16x128xf32, #tpu.memory_space<hbm>>
        %dma_wait3A_814 = tpu.memref_squeeze %dma_wait3A_813 : memref<1x16x128xf32, #tpu.memory_space<hbm>> -> memref<16x128xf32, #tpu.memory_space<hbm>>
        %dma_wait3A_815 = arith.constant 208 : i32
        %dma_wait3A_816 = arith.constant 0 : i32
        %dma_wait3A_817 = tpu.memref_slice %arg7[%dma_wait3A_815, %dma_wait3A_816] : memref<256x128xf32, #tpu.memory_space<vmem>> -> memref<16x128xf32, #tpu.memory_space<vmem>>
        tpu.wait_dma2 semaphore(%arg9 : memref<!tpu.dma_semaphore, #tpu.memory_space<semaphore_mem>>) src(%dma_wait3A_817 : memref<16x128xf32, #tpu.memory_space<vmem>>) dst(%dma_wait3A_814 : memref<16x128xf32, #tpu.memory_space<hbm>>)
      } else {
      }
      %parallel_loop3A_691 = arith.constant 0 : i32
      %parallel_loop3A_692 = arith.constant 128 : i32
      %parallel_loop3A_693 = arith.constant 1 : i32
      scf.for %parallel_loop3A_783 = %parallel_loop3A_691 to %parallel_loop3A_692 step %parallel_loop3A_693  : i32 {
        %parallel_loop3A_784 = arith.constant 16 : i32
        %parallel_loop3A_785 = arith.muli %parallel_loop3A_783, %parallel_loop3A_784 : i32
        %parallel_loop3A_786 = arith.constant 12288 : i32
        %parallel_loop3A_787 = arith.addi %parallel_loop3A_786, %parallel_loop3A_785 : i32
        %parallel_loop3A_788 = arith.index_cast %parallel_loop3A_787 : i32 to index
        %parallel_loop3A_789 = tpu.vector_load %arg6[%parallel_loop3A_788] {strides = array<i32>} : memref<16384xi32, #tpu.memory_space<vmem>>, vector<16xi32>,
        %parallel_loop3A_790 = arith.constant 8 : i32
        %parallel_loop3A_791 = arith.divsi %parallel_loop3A_783, %parallel_loop3A_790 : i32
        %parallel_loop3A_792 = arith.constant 0 : i32
        %parallel_loop3A_793 = arith.cmpi sgt, %parallel_loop3A_783, %parallel_loop3A_792 : i32
        %parallel_loop3A_794 = arith.extui %parallel_loop3A_793 : i1 to i32
        %parallel_loop3A_795 = arith.constant 0 : i32
        %parallel_loop3A_796 = arith.cmpi slt, %parallel_loop3A_783, %parallel_loop3A_795 : i32
        %parallel_loop3A_797 = arith.extui %parallel_loop3A_796 : i1 to i32
        %parallel_loop3A_798 = arith.subi %parallel_loop3A_794, %parallel_loop3A_797 : i32
        %parallel_loop3A_799 = arith.constant 0 : i32
        %parallel_loop3A_800 = arith.cmpi sgt, %parallel_loop3A_790, %parallel_loop3A_799 : i32
        %parallel_loop3A_801 = arith.extui %parallel_loop3A_800 : i1 to i32
        %parallel_loop3A_802 = arith.constant 0 : i32
        %parallel_loop3A_803 = arith.cmpi slt, %parallel_loop3A_790, %parallel_loop3A_802 : i32
        %parallel_loop3A_804 = arith.extui %parallel_loop3A_803 : i1 to i32
        %parallel_loop3A_805 = arith.subi %parallel_loop3A_801, %parallel_loop3A_804 : i32
        %parallel_loop3A_806 = arith.cmpi ne, %parallel_loop3A_798, %parallel_loop3A_805 : i32
        %parallel_loop3A_807 = arith.remsi %parallel_loop3A_783, %parallel_loop3A_790 : i32
        %parallel_loop3A_808 = arith.constant 0 : i32
        %parallel_loop3A_809 = arith.cmpi ne, %parallel_loop3A_807, %parallel_loop3A_808 : i32
        %parallel_loop3A_810 = arith.andi %parallel_loop3A_806, %parallel_loop3A_809 : i1
        %parallel_loop3A_811 = arith.constant 1 : i32
        %parallel_loop3A_812 = arith.subi %parallel_loop3A_791, %parallel_loop3A_811 : i32
        %parallel_loop3A_813 = arith.select %parallel_loop3A_810, %parallel_loop3A_812, %parallel_loop3A_791 : i32
        %parallel_loop3A_814 = arith.constant 8 : i32
        %parallel_loop3A_815 = arith.constant 0 : i32
        %parallel_loop3A_816 = arith.cmpi eq, %parallel_loop3A_814, %parallel_loop3A_815 : i32
        %parallel_loop3A_817 = arith.constant 1 : i32
        %parallel_loop3A_818 = arith.select %parallel_loop3A_816, %parallel_loop3A_817, %parallel_loop3A_814 : i32
        %parallel_loop3A_819 = arith.remsi %parallel_loop3A_783, %parallel_loop3A_818 : i32
        %parallel_loop3A_820 = arith.constant 0 : i32
        %parallel_loop3A_821 = arith.cmpi ne, %parallel_loop3A_819, %parallel_loop3A_820 : i32
        %parallel_loop3A_822 = arith.constant 0 : i32
        %parallel_loop3A_823 = arith.cmpi slt, %parallel_loop3A_819, %parallel_loop3A_822 : i32
        %parallel_loop3A_824 = arith.constant 0 : i32
        %parallel_loop3A_825 = arith.cmpi slt, %parallel_loop3A_818, %parallel_loop3A_824 : i32
        %parallel_loop3A_826 = arith.xori %parallel_loop3A_823, %parallel_loop3A_825 : i1
        %parallel_loop3A_827 = arith.andi %parallel_loop3A_826, %parallel_loop3A_821 : i1
        %parallel_loop3A_828 = arith.addi %parallel_loop3A_819, %parallel_loop3A_818 : i32
        %parallel_loop3A_829 = arith.select %parallel_loop3A_827, %parallel_loop3A_828, %parallel_loop3A_819 : i32
        %parallel_loop3A_830 = arith.constant 16 : i32
        %parallel_loop3A_831 = arith.muli %parallel_loop3A_829, %parallel_loop3A_830 : i32
        %parallel_loop3A_832 = tpu.vector_load_idx %arg5[%parallel_loop3A_789] : memref<32768xf32, #tpu.memory_space<vmem>>[vector<16xi32>], vector<16xf32>,
        %parallel_loop3A_833 = arith.constant 192 : i32
        %parallel_loop3A_834 = arith.addi %parallel_loop3A_833, %parallel_loop3A_813 : i32
        %parallel_loop3A_835 = arith.index_cast %parallel_loop3A_834 : i32 to index
        %parallel_loop3A_836 = arith.index_cast %parallel_loop3A_831 : i32 to index
        %parallel_loop3A_837 = tpu.vector_load %arg7[%parallel_loop3A_835, %parallel_loop3A_836] {strides = array<i32>} : memref<256x128xf32, #tpu.memory_space<vmem>>, vector<16xf32>,
        tpu.vector_store %arg7[%parallel_loop3A_835, %parallel_loop3A_836], %parallel_loop3A_832 {strides = array<i32>} : memref<256x128xf32, #tpu.memory_space<vmem>>, vector<16xf32>,
        %parallel_loop3A_838 = arith.constant 16384 : i32
        %parallel_loop3A_839 = vector.broadcast %parallel_loop3A_838 : i32 to vector<16xi32>
        %parallel_loop3A_840 = arith.addi %parallel_loop3A_789, %parallel_loop3A_839 : vector<16xi32>
        %parallel_loop3A_841 = tpu.vector_load_idx %arg5[%parallel_loop3A_840] : memref<32768xf32, #tpu.memory_space<vmem>>[vector<16xi32>], vector<16xf32>,
        %parallel_loop3A_842 = arith.constant 208 : i32
        %parallel_loop3A_843 = arith.addi %parallel_loop3A_842, %parallel_loop3A_813 : i32
        %parallel_loop3A_844 = arith.index_cast %parallel_loop3A_843 : i32 to index
        %parallel_loop3A_845 = arith.index_cast %parallel_loop3A_831 : i32 to index
        %parallel_loop3A_846 = tpu.vector_load %arg7[%parallel_loop3A_844, %parallel_loop3A_845] {strides = array<i32>} : memref<256x128xf32, #tpu.memory_space<vmem>>, vector<16xf32>,
        tpu.vector_store %arg7[%parallel_loop3A_844, %parallel_loop3A_845], %parallel_loop3A_841 {strides = array<i32>} : memref<256x128xf32, #tpu.memory_space<vmem>>, vector<16xf32>,
      } {sc.loop_unroll_factor = 8 : i64, sc.parallel_access}
      %add3A_694 = arith.constant 0 : i32
      %add3A_695 = arith.addi %mul3A_2, %add3A_694 : i32
      %mul3A_696 = arith.constant 16 : i32
      %mul3A_697 = arith.muli %add3A_670, %mul3A_696 : i32
      %dma_start3A_698 = arith.constant 192 : i32
      %dma_start3A_699 = arith.constant 0 : i32
      %dma_start3A_700 = tpu.memref_slice %arg7[%dma_start3A_698, %dma_start3A_699] : memref<256x128xf32, #tpu.memory_space<vmem>> -> memref<16x128xf32, #tpu.memory_space<vmem>>
      %dma_start3A_701 = arith.constant 0 : i32
      %dma_start3A_702 = tpu.memref_slice %arg4[%add3A_695, %mul3A_697, %dma_start3A_701] : memref<64x1024x128xf32, #tpu.memory_space<hbm>> -> memref<1x16x128xf32, #tpu.memory_space<hbm>>
      %dma_start3A_703 = tpu.memref_squeeze %dma_start3A_702 : memref<1x16x128xf32, #tpu.memory_space<hbm>> -> memref<16x128xf32, #tpu.memory_space<hbm>>
      %dma_start3A_704 = arith.constant 0 : i32
      %dma_start3A_705 = tpu.memref_slice %arg4[%add3A_695, %mul3A_697, %dma_start3A_704] : memref<64x1024x128xf32, #tpu.memory_space<hbm>> -> memref<1x16x128xf32, #tpu.memory_space<hbm>>
      %dma_start3A_706 = tpu.memref_squeeze %dma_start3A_705 : memref<1x16x128xf32, #tpu.memory_space<hbm>> -> memref<16x128xf32, #tpu.memory_space<hbm>>
      %dma_start3A_707 = arith.constant 192 : i32
      %dma_start3A_708 = arith.constant 0 : i32
      %dma_start3A_709 = tpu.memref_slice %arg7[%dma_start3A_707, %dma_start3A_708] : memref<256x128xf32, #tpu.memory_space<vmem>> -> memref<16x128xf32, #tpu.memory_space<vmem>>
      tpu.enqueue_dma source(%dma_start3A_709 : memref<16x128xf32, #tpu.memory_space<vmem>>) target(%dma_start3A_706 : memref<16x128xf32, #tpu.memory_space<hbm>>) target_semaphore(%arg9 : memref<!tpu.dma_semaphore, #tpu.memory_space<semaphore_mem>>)
      %add3A_710 = arith.constant 1 : i32
      %add3A_711 = arith.addi %mul3A_2, %add3A_710 : i32
      %mul3A_712 = arith.constant 16 : i32
      %mul3A_713 = arith.muli %add3A_670, %mul3A_712 : i32
      %dma_start3A_714 = arith.constant 208 : i32
      %dma_start3A_715 = arith.constant 0 : i32
      %dma_start3A_716 = tpu.memref_slice %arg7[%dma_start3A_714, %dma_start3A_715] : memref<256x128xf32, #tpu.memory_space<vmem>> -> memref<16x128xf32, #tpu.memory_space<vmem>>
      %dma_start3A_717 = arith.constant 0 : i32
      %dma_start3A_718 = tpu.memref_slice %arg4[%add3A_711, %mul3A_713, %dma_start3A_717] : memref<64x1024x128xf32, #tpu.memory_space<hbm>> -> memref<1x16x128xf32, #tpu.memory_space<hbm>>
      %dma_start3A_719 = tpu.memref_squeeze %dma_start3A_718 : memref<1x16x128xf32, #tpu.memory_space<hbm>> -> memref<16x128xf32, #tpu.memory_space<hbm>>
      %dma_start3A_720 = arith.constant 0 : i32
      %dma_start3A_721 = tpu.memref_slice %arg4[%add3A_711, %mul3A_713, %dma_start3A_720] : memref<64x1024x128xf32, #tpu.memory_space<hbm>> -> memref<1x16x128xf32, #tpu.memory_space<hbm>>
      %dma_start3A_722 = tpu.memref_squeeze %dma_start3A_721 : memref<1x16x128xf32, #tpu.memory_space<hbm>> -> memref<16x128xf32, #tpu.memory_space<hbm>>
      %dma_start3A_723 = arith.constant 208 : i32
      %dma_start3A_724 = arith.constant 0 : i32
      %dma_start3A_725 = tpu.memref_slice %arg7[%dma_start3A_723, %dma_start3A_724] : memref<256x128xf32, #tpu.memory_space<vmem>> -> memref<16x128xf32, #tpu.memory_space<vmem>>
      tpu.enqueue_dma source(%dma_start3A_725 : memref<16x128xf32, #tpu.memory_space<vmem>>) target(%dma_start3A_722 : memref<16x128xf32, #tpu.memory_space<hbm>>) target_semaphore(%arg9 : memref<!tpu.dma_semaphore, #tpu.memory_space<semaphore_mem>>)
      %add3A_726 = arith.constant 7 : i32
      %add3A_727 = arith.addi %add3A_331, %add3A_726 : i32
      %mul3A_728 = arith.constant 2048 : i32
      %mul3A_729 = arith.muli %add3A_727, %mul3A_728 : i32
      %dma_wait3A_730 = arith.constant 14336 : i32
      %dma_wait3A_731 = tpu.memref_slice %arg6[%dma_wait3A_730] : memref<16384xi32, #tpu.memory_space<vmem>> -> memref<2048xi32, #tpu.memory_space<vmem>>
      %dma_wait3A_732 = tpu.memref_slice %arg3[%mul3A_729] : memref<131072xi32, #tpu.memory_space<hbm>> -> memref<2048xi32, #tpu.memory_space<hbm>>
      %dma_wait3A_733 = arith.constant 14336 : i32
      %dma_wait3A_734 = tpu.memref_slice %arg6[%dma_wait3A_733] : memref<16384xi32, #tpu.memory_space<vmem>> -> memref<2048xi32, #tpu.memory_space<vmem>>
      %dma_wait3A_735 = tpu.memref_slice %arg3[%mul3A_729] : memref<131072xi32, #tpu.memory_space<hbm>> -> memref<2048xi32, #tpu.memory_space<hbm>>
      tpu.wait_dma2 semaphore(%arg8 : memref<!tpu.dma_semaphore, #tpu.memory_space<semaphore_mem>>) src(%dma_wait3A_735 : memref<2048xi32, #tpu.memory_space<hbm>>) dst(%dma_wait3A_734 : memref<2048xi32, #tpu.memory_space<vmem>>)
      %add3A_736 = arith.constant 8 : i32
      %add3A_737 = arith.addi %add3A_727, %add3A_736 : i32
      %lt3A_738 = arith.constant 64 : i32
      %lt3A_739 = arith.cmpi slt, %add3A_737, %lt3A_738 : i32
      %convert_element_type3A_740 = arith.extui %lt3A_739 : i1 to i32
      %cond3A_741 = arith.constant 0 : i32
      %cond3A_742 = arith.cmpi ne, %convert_element_type3A_740, %cond3A_741 : i32
      scf.if %cond3A_742 {
        %add3A_783 = arith.constant 8 : i32
        %add3A_784 = arith.addi %add3A_727, %add3A_783 : i32
        %mul3A_785 = arith.constant 2048 : i32
        %mul3A_786 = arith.muli %add3A_784, %mul3A_785 : i32
        %dma_start3A_787 = arith.constant 14336 : i32
        %dma_start3A_788 = tpu.memref_slice %arg6[%dma_start3A_787] : memref<16384xi32, #tpu.memory_space<vmem>> -> memref<2048xi32, #tpu.memory_space<vmem>>
        %dma_start3A_789 = tpu.memref_slice %arg3[%mul3A_786] : memref<131072xi32, #tpu.memory_space<hbm>> -> memref<2048xi32, #tpu.memory_space<hbm>>
        %dma_start3A_790 = arith.constant 14336 : i32
        %dma_start3A_791 = tpu.memref_slice %arg6[%dma_start3A_790] : memref<16384xi32, #tpu.memory_space<vmem>> -> memref<2048xi32, #tpu.memory_space<vmem>>
        %dma_start3A_792 = tpu.memref_slice %arg3[%mul3A_786] : memref<131072xi32, #tpu.memory_space<hbm>> -> memref<2048xi32, #tpu.memory_space<hbm>>
        tpu.enqueue_dma source(%dma_start3A_792 : memref<2048xi32, #tpu.memory_space<hbm>>) target(%dma_start3A_791 : memref<2048xi32, #tpu.memory_space<vmem>>) target_semaphore(%arg8 : memref<!tpu.dma_semaphore, #tpu.memory_space<semaphore_mem>>)
      } else {
      }
      %ge3A_743 = arith.constant 8 : i32
      %ge3A_744 = arith.cmpi sge, %add3A_727, %ge3A_743 : i32
      %convert_element_type3A_745 = arith.extui %ge3A_744 : i1 to i32
      %cond3A_746 = arith.constant 0 : i32
      %cond3A_747 = arith.cmpi ne, %convert_element_type3A_745, %cond3A_746 : i32
      scf.if %cond3A_747 {
        %sub3A = arith.constant 8 : i32
        %sub3A_783 = arith.subi %add3A_727, %sub3A : i32
        %add3A_784 = arith.constant 0 : i32
        %add3A_785 = arith.addi %mul3A_2, %add3A_784 : i32
        %mul3A_786 = arith.constant 16 : i32
        %mul3A_787 = arith.muli %sub3A_783, %mul3A_786 : i32
        %dma_wait3A_788 = arith.constant 224 : i32
        %dma_wait3A_789 = arith.constant 0 : i32
        %dma_wait3A_790 = tpu.memref_slice %arg7[%dma_wait3A_788, %dma_wait3A_789] : memref<256x128xf32, #tpu.memory_space<vmem>> -> memref<16x128xf32, #tpu.memory_space<vmem>>
        %dma_wait3A_791 = arith.constant 0 : i32
        %dma_wait3A_792 = tpu.memref_slice %arg4[%add3A_785, %mul3A_787, %dma_wait3A_791] : memref<64x1024x128xf32, #tpu.memory_space<hbm>> -> memref<1x16x128xf32, #tpu.memory_space<hbm>>
        %dma_wait3A_793 = tpu.memref_squeeze %dma_wait3A_792 : memref<1x16x128xf32, #tpu.memory_space<hbm>> -> memref<16x128xf32, #tpu.memory_space<hbm>>
        %dma_wait3A_794 = arith.constant 0 : i32
        %dma_wait3A_795 = tpu.memref_slice %arg4[%add3A_785, %mul3A_787, %dma_wait3A_794] : memref<64x1024x128xf32, #tpu.memory_space<hbm>> -> memref<1x16x128xf32, #tpu.memory_space<hbm>>
        %dma_wait3A_796 = tpu.memref_squeeze %dma_wait3A_795 : memref<1x16x128xf32, #tpu.memory_space<hbm>> -> memref<16x128xf32, #tpu.memory_space<hbm>>
        %dma_wait3A_797 = arith.constant 224 : i32
        %dma_wait3A_798 = arith.constant 0 : i32
        %dma_wait3A_799 = tpu.memref_slice %arg7[%dma_wait3A_797, %dma_wait3A_798] : memref<256x128xf32, #tpu.memory_space<vmem>> -> memref<16x128xf32, #tpu.memory_space<vmem>>
        tpu.wait_dma2 semaphore(%arg9 : memref<!tpu.dma_semaphore, #tpu.memory_space<semaphore_mem>>) src(%dma_wait3A_799 : memref<16x128xf32, #tpu.memory_space<vmem>>) dst(%dma_wait3A_796 : memref<16x128xf32, #tpu.memory_space<hbm>>)
        %sub3A_800 = arith.constant 8 : i32
        %sub3A_801 = arith.subi %add3A_727, %sub3A_800 : i32
        %add3A_802 = arith.constant 1 : i32
        %add3A_803 = arith.addi %mul3A_2, %add3A_802 : i32
        %mul3A_804 = arith.constant 16 : i32
        %mul3A_805 = arith.muli %sub3A_801, %mul3A_804 : i32
        %dma_wait3A_806 = arith.constant 240 : i32
        %dma_wait3A_807 = arith.constant 0 : i32
        %dma_wait3A_808 = tpu.memref_slice %arg7[%dma_wait3A_806, %dma_wait3A_807] : memref<256x128xf32, #tpu.memory_space<vmem>> -> memref<16x128xf32, #tpu.memory_space<vmem>>
        %dma_wait3A_809 = arith.constant 0 : i32
        %dma_wait3A_810 = tpu.memref_slice %arg4[%add3A_803, %mul3A_805, %dma_wait3A_809] : memref<64x1024x128xf32, #tpu.memory_space<hbm>> -> memref<1x16x128xf32, #tpu.memory_space<hbm>>
        %dma_wait3A_811 = tpu.memref_squeeze %dma_wait3A_810 : memref<1x16x128xf32, #tpu.memory_space<hbm>> -> memref<16x128xf32, #tpu.memory_space<hbm>>
        %dma_wait3A_812 = arith.constant 0 : i32
        %dma_wait3A_813 = tpu.memref_slice %arg4[%add3A_803, %mul3A_805, %dma_wait3A_812] : memref<64x1024x128xf32, #tpu.memory_space<hbm>> -> memref<1x16x128xf32, #tpu.memory_space<hbm>>
        %dma_wait3A_814 = tpu.memref_squeeze %dma_wait3A_813 : memref<1x16x128xf32, #tpu.memory_space<hbm>> -> memref<16x128xf32, #tpu.memory_space<hbm>>
        %dma_wait3A_815 = arith.constant 240 : i32
        %dma_wait3A_816 = arith.constant 0 : i32
        %dma_wait3A_817 = tpu.memref_slice %arg7[%dma_wait3A_815, %dma_wait3A_816] : memref<256x128xf32, #tpu.memory_space<vmem>> -> memref<16x128xf32, #tpu.memory_space<vmem>>
        tpu.wait_dma2 semaphore(%arg9 : memref<!tpu.dma_semaphore, #tpu.memory_space<semaphore_mem>>) src(%dma_wait3A_817 : memref<16x128xf32, #tpu.memory_space<vmem>>) dst(%dma_wait3A_814 : memref<16x128xf32, #tpu.memory_space<hbm>>)
      } else {
      }
      %parallel_loop3A_748 = arith.constant 0 : i32
      %parallel_loop3A_749 = arith.constant 128 : i32
      %parallel_loop3A_750 = arith.constant 1 : i32
      scf.for %parallel_loop3A_783 = %parallel_loop3A_748 to %parallel_loop3A_749 step %parallel_loop3A_750  : i32 {
        %parallel_loop3A_784 = arith.constant 16 : i32
        %parallel_loop3A_785 = arith.muli %parallel_loop3A_783, %parallel_loop3A_784 : i32
        %parallel_loop3A_786 = arith.constant 14336 : i32
        %parallel_loop3A_787 = arith.addi %parallel_loop3A_786, %parallel_loop3A_785 : i32
        %parallel_loop3A_788 = arith.index_cast %parallel_loop3A_787 : i32 to index
        %parallel_loop3A_789 = tpu.vector_load %arg6[%parallel_loop3A_788] {strides = array<i32>} : memref<16384xi32, #tpu.memory_space<vmem>>, vector<16xi32>,
        %parallel_loop3A_790 = arith.constant 8 : i32
        %parallel_loop3A_791 = arith.divsi %parallel_loop3A_783, %parallel_loop3A_790 : i32
        %parallel_loop3A_792 = arith.constant 0 : i32
        %parallel_loop3A_793 = arith.cmpi sgt, %parallel_loop3A_783, %parallel_loop3A_792 : i32
        %parallel_loop3A_794 = arith.extui %parallel_loop3A_793 : i1 to i32
        %parallel_loop3A_795 = arith.constant 0 : i32
        %parallel_loop3A_796 = arith.cmpi slt, %parallel_loop3A_783, %parallel_loop3A_795 : i32
        %parallel_loop3A_797 = arith.extui %parallel_loop3A_796 : i1 to i32
        %parallel_loop3A_798 = arith.subi %parallel_loop3A_794, %parallel_loop3A_797 : i32
        %parallel_loop3A_799 = arith.constant 0 : i32
        %parallel_loop3A_800 = arith.cmpi sgt, %parallel_loop3A_790, %parallel_loop3A_799 : i32
        %parallel_loop3A_801 = arith.extui %parallel_loop3A_800 : i1 to i32
        %parallel_loop3A_802 = arith.constant 0 : i32
        %parallel_loop3A_803 = arith.cmpi slt, %parallel_loop3A_790, %parallel_loop3A_802 : i32
        %parallel_loop3A_804 = arith.extui %parallel_loop3A_803 : i1 to i32
        %parallel_loop3A_805 = arith.subi %parallel_loop3A_801, %parallel_loop3A_804 : i32
        %parallel_loop3A_806 = arith.cmpi ne, %parallel_loop3A_798, %parallel_loop3A_805 : i32
        %parallel_loop3A_807 = arith.remsi %parallel_loop3A_783, %parallel_loop3A_790 : i32
        %parallel_loop3A_808 = arith.constant 0 : i32
        %parallel_loop3A_809 = arith.cmpi ne, %parallel_loop3A_807, %parallel_loop3A_808 : i32
        %parallel_loop3A_810 = arith.andi %parallel_loop3A_806, %parallel_loop3A_809 : i1
        %parallel_loop3A_811 = arith.constant 1 : i32
        %parallel_loop3A_812 = arith.subi %parallel_loop3A_791, %parallel_loop3A_811 : i32
        %parallel_loop3A_813 = arith.select %parallel_loop3A_810, %parallel_loop3A_812, %parallel_loop3A_791 : i32
        %parallel_loop3A_814 = arith.constant 8 : i32
        %parallel_loop3A_815 = arith.constant 0 : i32
        %parallel_loop3A_816 = arith.cmpi eq, %parallel_loop3A_814, %parallel_loop3A_815 : i32
        %parallel_loop3A_817 = arith.constant 1 : i32
        %parallel_loop3A_818 = arith.select %parallel_loop3A_816, %parallel_loop3A_817, %parallel_loop3A_814 : i32
        %parallel_loop3A_819 = arith.remsi %parallel_loop3A_783, %parallel_loop3A_818 : i32
        %parallel_loop3A_820 = arith.constant 0 : i32
        %parallel_loop3A_821 = arith.cmpi ne, %parallel_loop3A_819, %parallel_loop3A_820 : i32
        %parallel_loop3A_822 = arith.constant 0 : i32
        %parallel_loop3A_823 = arith.cmpi slt, %parallel_loop3A_819, %parallel_loop3A_822 : i32
        %parallel_loop3A_824 = arith.constant 0 : i32
        %parallel_loop3A_825 = arith.cmpi slt, %parallel_loop3A_818, %parallel_loop3A_824 : i32
        %parallel_loop3A_826 = arith.xori %parallel_loop3A_823, %parallel_loop3A_825 : i1
        %parallel_loop3A_827 = arith.andi %parallel_loop3A_826, %parallel_loop3A_821 : i1
        %parallel_loop3A_828 = arith.addi %parallel_loop3A_819, %parallel_loop3A_818 : i32
        %parallel_loop3A_829 = arith.select %parallel_loop3A_827, %parallel_loop3A_828, %parallel_loop3A_819 : i32
        %parallel_loop3A_830 = arith.constant 16 : i32
        %parallel_loop3A_831 = arith.muli %parallel_loop3A_829, %parallel_loop3A_830 : i32
        %parallel_loop3A_832 = tpu.vector_load_idx %arg5[%parallel_loop3A_789] : memref<32768xf32, #tpu.memory_space<vmem>>[vector<16xi32>], vector<16xf32>,
        %parallel_loop3A_833 = arith.constant 224 : i32
        %parallel_loop3A_834 = arith.addi %parallel_loop3A_833, %parallel_loop3A_813 : i32
        %parallel_loop3A_835 = arith.index_cast %parallel_loop3A_834 : i32 to index
        %parallel_loop3A_836 = arith.index_cast %parallel_loop3A_831 : i32 to index
        %parallel_loop3A_837 = tpu.vector_load %arg7[%parallel_loop3A_835, %parallel_loop3A_836] {strides = array<i32>} : memref<256x128xf32, #tpu.memory_space<vmem>>, vector<16xf32>,
        tpu.vector_store %arg7[%parallel_loop3A_835, %parallel_loop3A_836], %parallel_loop3A_832 {strides = array<i32>} : memref<256x128xf32, #tpu.memory_space<vmem>>, vector<16xf32>,
        %parallel_loop3A_838 = arith.constant 16384 : i32
        %parallel_loop3A_839 = vector.broadcast %parallel_loop3A_838 : i32 to vector<16xi32>
        %parallel_loop3A_840 = arith.addi %parallel_loop3A_789, %parallel_loop3A_839 : vector<16xi32>
        %parallel_loop3A_841 = tpu.vector_load_idx %arg5[%parallel_loop3A_840] : memref<32768xf32, #tpu.memory_space<vmem>>[vector<16xi32>], vector<16xf32>,
        %parallel_loop3A_842 = arith.constant 240 : i32
        %parallel_loop3A_843 = arith.addi %parallel_loop3A_842, %parallel_loop3A_813 : i32
        %parallel_loop3A_844 = arith.index_cast %parallel_loop3A_843 : i32 to index
        %parallel_loop3A_845 = arith.index_cast %parallel_loop3A_831 : i32 to index
        %parallel_loop3A_846 = tpu.vector_load %arg7[%parallel_loop3A_844, %parallel_loop3A_845] {strides = array<i32>} : memref<256x128xf32, #tpu.memory_space<vmem>>, vector<16xf32>,
        tpu.vector_store %arg7[%parallel_loop3A_844, %parallel_loop3A_845], %parallel_loop3A_841 {strides = array<i32>} : memref<256x128xf32, #tpu.memory_space<vmem>>, vector<16xf32>,
      } {sc.loop_unroll_factor = 8 : i64, sc.parallel_access}
      %add3A_751 = arith.constant 0 : i32
      %add3A_752 = arith.addi %mul3A_2, %add3A_751 : i32
      %mul3A_753 = arith.constant 16 : i32
      %mul3A_754 = arith.muli %add3A_727, %mul3A_753 : i32
      %dma_start3A_755 = arith.constant 224 : i32
      %dma_start3A_756 = arith.constant 0 : i32
      %dma_start3A_757 = tpu.memref_slice %arg7[%dma_start3A_755, %dma_start3A_756] : memref<256x128xf32, #tpu.memory_space<vmem>> -> memref<16x128xf32, #tpu.memory_space<vmem>>
      %dma_start3A_758 = arith.constant 0 : i32
      %dma_start3A_759 = tpu.memref_slice %arg4[%add3A_752, %mul3A_754, %dma_start3A_758] : memref<64x1024x128xf32, #tpu.memory_space<hbm>> -> memref<1x16x128xf32, #tpu.memory_space<hbm>>
      %dma_start3A_760 = tpu.memref_squeeze %dma_start3A_759 : memref<1x16x128xf32, #tpu.memory_space<hbm>> -> memref<16x128xf32, #tpu.memory_space<hbm>>
      %dma_start3A_761 = arith.constant 0 : i32
      %dma_start3A_762 = tpu.memref_slice %arg4[%add3A_752, %mul3A_754, %dma_start3A_761] : memref<64x1024x128xf32, #tpu.memory_space<hbm>> -> memref<1x16x128xf32, #tpu.memory_space<hbm>>
      %dma_start3A_763 = tpu.memref_squeeze %dma_start3A_762 : memref<1x16x128xf32, #tpu.memory_space<hbm>> -> memref<16x128xf32, #tpu.memory_space<hbm>>
      %dma_start3A_764 = arith.constant 224 : i32
      %dma_start3A_765 = arith.constant 0 : i32
      %dma_start3A_766 = tpu.memref_slice %arg7[%dma_start3A_764, %dma_start3A_765] : memref<256x128xf32, #tpu.memory_space<vmem>> -> memref<16x128xf32, #tpu.memory_space<vmem>>
      tpu.enqueue_dma source(%dma_start3A_766 : memref<16x128xf32, #tpu.memory_space<vmem>>) target(%dma_start3A_763 : memref<16x128xf32, #tpu.memory_space<hbm>>) target_semaphore(%arg9 : memref<!tpu.dma_semaphore, #tpu.memory_space<semaphore_mem>>)
      %add3A_767 = arith.constant 1 : i32
      %add3A_768 = arith.addi %mul3A_2, %add3A_767 : i32
      %mul3A_769 = arith.constant 16 : i32
      %mul3A_770 = arith.muli %add3A_727, %mul3A_769 : i32
      %dma_start3A_771 = arith.constant 240 : i32
      %dma_start3A_772 = arith.constant 0 : i32
      %dma_start3A_773 = tpu.memref_slice %arg7[%dma_start3A_771, %dma_start3A_772] : memref<256x128xf32, #tpu.memory_space<vmem>> -> memref<16x128xf32, #tpu.memory_space<vmem>>
      %dma_start3A_774 = arith.constant 0 : i32
      %dma_start3A_775 = tpu.memref_slice %arg4[%add3A_768, %mul3A_770, %dma_start3A_774] : memref<64x1024x128xf32, #tpu.memory_space<hbm>> -> memref<1x16x128xf32, #tpu.memory_space<hbm>>
      %dma_start3A_776 = tpu.memref_squeeze %dma_start3A_775 : memref<1x16x128xf32, #tpu.memory_space<hbm>> -> memref<16x128xf32, #tpu.memory_space<hbm>>
      %dma_start3A_777 = arith.constant 0 : i32
      %dma_start3A_778 = tpu.memref_slice %arg4[%add3A_768, %mul3A_770, %dma_start3A_777] : memref<64x1024x128xf32, #tpu.memory_space<hbm>> -> memref<1x16x128xf32, #tpu.memory_space<hbm>>
      %dma_start3A_779 = tpu.memref_squeeze %dma_start3A_778 : memref<1x16x128xf32, #tpu.memory_space<hbm>> -> memref<16x128xf32, #tpu.memory_space<hbm>>
      %dma_start3A_780 = arith.constant 240 : i32
      %dma_start3A_781 = arith.constant 0 : i32
      %dma_start3A_782 = tpu.memref_slice %arg7[%dma_start3A_780, %dma_start3A_781] : memref<256x128xf32, #tpu.memory_space<vmem>> -> memref<16x128xf32, #tpu.memory_space<vmem>>
      tpu.enqueue_dma source(%dma_start3A_782 : memref<16x128xf32, #tpu.memory_space<vmem>>) target(%dma_start3A_779 : memref<16x128xf32, #tpu.memory_space<hbm>>) target_semaphore(%arg9 : memref<!tpu.dma_semaphore, #tpu.memory_space<semaphore_mem>>)
    }
    %scan3A_71 = arith.constant 8 : i32
    %add3A_72 = arith.constant 0 : i32
    %add3A_73 = arith.addi %mul3A_2, %add3A_72 : i32
    %dma_wait3A = arith.constant 0 : i32
    %dma_wait3A_74 = arith.constant 0 : i32
    %dma_wait3A_75 = tpu.memref_slice %arg7[%dma_wait3A, %dma_wait3A_74] : memref<256x128xf32, #tpu.memory_space<vmem>> -> memref<16x128xf32, #tpu.memory_space<vmem>>
    %dma_wait3A_76 = arith.constant 896 : i32
    %dma_wait3A_77 = arith.constant 0 : i32
    %dma_wait3A_78 = tpu.memref_slice %arg4[%add3A_73, %dma_wait3A_76, %dma_wait3A_77] : memref<64x1024x128xf32, #tpu.memory_space<hbm>> -> memref<1x16x128xf32, #tpu.memory_space<hbm>>
    %dma_wait3A_79 = tpu.memref_squeeze %dma_wait3A_78 : memref<1x16x128xf32, #tpu.memory_space<hbm>> -> memref<16x128xf32, #tpu.memory_space<hbm>>
    %dma_wait3A_80 = arith.constant 896 : i32
    %dma_wait3A_81 = arith.constant 0 : i32
    %dma_wait3A_82 = tpu.memref_slice %arg4[%add3A_73, %dma_wait3A_80, %dma_wait3A_81] : memref<64x1024x128xf32, #tpu.memory_space<hbm>> -> memref<1x16x128xf32, #tpu.memory_space<hbm>>
    %dma_wait3A_83 = tpu.memref_squeeze %dma_wait3A_82 : memref<1x16x128xf32, #tpu.memory_space<hbm>> -> memref<16x128xf32, #tpu.memory_space<hbm>>
    %dma_wait3A_84 = arith.constant 0 : i32
    %dma_wait3A_85 = arith.constant 0 : i32
    %dma_wait3A_86 = tpu.memref_slice %arg7[%dma_wait3A_84, %dma_wait3A_85] : memref<256x128xf32, #tpu.memory_space<vmem>> -> memref<16x128xf32, #tpu.memory_space<vmem>>
    tpu.wait_dma2 semaphore(%arg9 : memref<!tpu.dma_semaphore, #tpu.memory_space<semaphore_mem>>) src(%dma_wait3A_86 : memref<16x128xf32, #tpu.memory_space<vmem>>) dst(%dma_wait3A_83 : memref<16x128xf32, #tpu.memory_space<hbm>>)
    %add3A_87 = arith.constant 1 : i32
    %add3A_88 = arith.addi %mul3A_2, %add3A_87 : i32
    %dma_wait3A_89 = arith.constant 16 : i32
    %dma_wait3A_90 = arith.constant 0 : i32
    %dma_wait3A_91 = tpu.memref_slice %arg7[%dma_wait3A_89, %dma_wait3A_90] : memref<256x128xf32, #tpu.memory_space<vmem>> -> memref<16x128xf32, #tpu.memory_space<vmem>>
    %dma_wait3A_92 = arith.constant 896 : i32
    %dma_wait3A_93 = arith.constant 0 : i32
    %dma_wait3A_94 = tpu.memref_slice %arg4[%add3A_88, %dma_wait3A_92, %dma_wait3A_93] : memref<64x1024x128xf32, #tpu.memory_space<hbm>> -> memref<1x16x128xf32, #tpu.memory_space<hbm>>
    %dma_wait3A_95 = tpu.memref_squeeze %dma_wait3A_94 : memref<1x16x128xf32, #tpu.memory_space<hbm>> -> memref<16x128xf32, #tpu.memory_space<hbm>>
    %dma_wait3A_96 = arith.constant 896 : i32
    %dma_wait3A_97 = arith.constant 0 : i32
    %dma_wait3A_98 = tpu.memref_slice %arg4[%add3A_88, %dma_wait3A_96, %dma_wait3A_97] : memref<64x1024x128xf32, #tpu.memory_space<hbm>> -> memref<1x16x128xf32, #tpu.memory_space<hbm>>
    %dma_wait3A_99 = tpu.memref_squeeze %dma_wait3A_98 : memref<1x16x128xf32, #tpu.memory_space<hbm>> -> memref<16x128xf32, #tpu.memory_space<hbm>>
    %dma_wait3A_100 = arith.constant 16 : i32
    %dma_wait3A_101 = arith.constant 0 : i32
    %dma_wait3A_102 = tpu.memref_slice %arg7[%dma_wait3A_100, %dma_wait3A_101] : memref<256x128xf32, #tpu.memory_space<vmem>> -> memref<16x128xf32, #tpu.memory_space<vmem>>
    tpu.wait_dma2 semaphore(%arg9 : memref<!tpu.dma_semaphore, #tpu.memory_space<semaphore_mem>>) src(%dma_wait3A_102 : memref<16x128xf32, #tpu.memory_space<vmem>>) dst(%dma_wait3A_99 : memref<16x128xf32, #tpu.memory_space<hbm>>)
    %add3A_103 = arith.constant 0 : i32
    %add3A_104 = arith.addi %mul3A_2, %add3A_103 : i32
    %dma_wait3A_105 = arith.constant 32 : i32
    %dma_wait3A_106 = arith.constant 0 : i32
    %dma_wait3A_107 = tpu.memref_slice %arg7[%dma_wait3A_105, %dma_wait3A_106] : memref<256x128xf32, #tpu.memory_space<vmem>> -> memref<16x128xf32, #tpu.memory_space<vmem>>
    %dma_wait3A_108 = arith.constant 912 : i32
    %dma_wait3A_109 = arith.constant 0 : i32
    %dma_wait3A_110 = tpu.memref_slice %arg4[%add3A_104, %dma_wait3A_108, %dma_wait3A_109] : memref<64x1024x128xf32, #tpu.memory_space<hbm>> -> memref<1x16x128xf32, #tpu.memory_space<hbm>>
    %dma_wait3A_111 = tpu.memref_squeeze %dma_wait3A_110 : memref<1x16x128xf32, #tpu.memory_space<hbm>> -> memref<16x128xf32, #tpu.memory_space<hbm>>
    %dma_wait3A_112 = arith.constant 912 : i32
    %dma_wait3A_113 = arith.constant 0 : i32
    %dma_wait3A_114 = tpu.memref_slice %arg4[%add3A_104, %dma_wait3A_112, %dma_wait3A_113] : memref<64x1024x128xf32, #tpu.memory_space<hbm>> -> memref<1x16x128xf32, #tpu.memory_space<hbm>>
    %dma_wait3A_115 = tpu.memref_squeeze %dma_wait3A_114 : memref<1x16x128xf32, #tpu.memory_space<hbm>> -> memref<16x128xf32, #tpu.memory_space<hbm>>
    %dma_wait3A_116 = arith.constant 32 : i32
    %dma_wait3A_117 = arith.constant 0 : i32
    %dma_wait3A_118 = tpu.memref_slice %arg7[%dma_wait3A_116, %dma_wait3A_117] : memref<256x128xf32, #tpu.memory_space<vmem>> -> memref<16x128xf32, #tpu.memory_space<vmem>>
    tpu.wait_dma2 semaphore(%arg9 : memref<!tpu.dma_semaphore, #tpu.memory_space<semaphore_mem>>) src(%dma_wait3A_118 : memref<16x128xf32, #tpu.memory_space<vmem>>) dst(%dma_wait3A_115 : memref<16x128xf32, #tpu.memory_space<hbm>>)
    %add3A_119 = arith.constant 1 : i32
    %add3A_120 = arith.addi %mul3A_2, %add3A_119 : i32
    %dma_wait3A_121 = arith.constant 48 : i32
    %dma_wait3A_122 = arith.constant 0 : i32
    %dma_wait3A_123 = tpu.memref_slice %arg7[%dma_wait3A_121, %dma_wait3A_122] : memref<256x128xf32, #tpu.memory_space<vmem>> -> memref<16x128xf32, #tpu.memory_space<vmem>>
    %dma_wait3A_124 = arith.constant 912 : i32
    %dma_wait3A_125 = arith.constant 0 : i32
    %dma_wait3A_126 = tpu.memref_slice %arg4[%add3A_120, %dma_wait3A_124, %dma_wait3A_125] : memref<64x1024x128xf32, #tpu.memory_space<hbm>> -> memref<1x16x128xf32, #tpu.memory_space<hbm>>
    %dma_wait3A_127 = tpu.memref_squeeze %dma_wait3A_126 : memref<1x16x128xf32, #tpu.memory_space<hbm>> -> memref<16x128xf32, #tpu.memory_space<hbm>>
    %dma_wait3A_128 = arith.constant 912 : i32
    %dma_wait3A_129 = arith.constant 0 : i32
    %dma_wait3A_130 = tpu.memref_slice %arg4[%add3A_120, %dma_wait3A_128, %dma_wait3A_129] : memref<64x1024x128xf32, #tpu.memory_space<hbm>> -> memref<1x16x128xf32, #tpu.memory_space<hbm>>
    %dma_wait3A_131 = tpu.memref_squeeze %dma_wait3A_130 : memref<1x16x128xf32, #tpu.memory_space<hbm>> -> memref<16x128xf32, #tpu.memory_space<hbm>>
    %dma_wait3A_132 = arith.constant 48 : i32
    %dma_wait3A_133 = arith.constant 0 : i32
    %dma_wait3A_134 = tpu.memref_slice %arg7[%dma_wait3A_132, %dma_wait3A_133] : memref<256x128xf32, #tpu.memory_space<vmem>> -> memref<16x128xf32, #tpu.memory_space<vmem>>
    tpu.wait_dma2 semaphore(%arg9 : memref<!tpu.dma_semaphore, #tpu.memory_space<semaphore_mem>>) src(%dma_wait3A_134 : memref<16x128xf32, #tpu.memory_space<vmem>>) dst(%dma_wait3A_131 : memref<16x128xf32, #tpu.memory_space<hbm>>)
    %add3A_135 = arith.constant 0 : i32
    %add3A_136 = arith.addi %mul3A_2, %add3A_135 : i32
    %dma_wait3A_137 = arith.constant 64 : i32
    %dma_wait3A_138 = arith.constant 0 : i32
    %dma_wait3A_139 = tpu.memref_slice %arg7[%dma_wait3A_137, %dma_wait3A_138] : memref<256x128xf32, #tpu.memory_space<vmem>> -> memref<16x128xf32, #tpu.memory_space<vmem>>
    %dma_wait3A_140 = arith.constant 928 : i32
    %dma_wait3A_141 = arith.constant 0 : i32
    %dma_wait3A_142 = tpu.memref_slice %arg4[%add3A_136, %dma_wait3A_140, %dma_wait3A_141] : memref<64x1024x128xf32, #tpu.memory_space<hbm>> -> memref<1x16x128xf32, #tpu.memory_space<hbm>>
    %dma_wait3A_143 = tpu.memref_squeeze %dma_wait3A_142 : memref<1x16x128xf32, #tpu.memory_space<hbm>> -> memref<16x128xf32, #tpu.memory_space<hbm>>
    %dma_wait3A_144 = arith.constant 928 : i32
    %dma_wait3A_145 = arith.constant 0 : i32
    %dma_wait3A_146 = tpu.memref_slice %arg4[%add3A_136, %dma_wait3A_144, %dma_wait3A_145] : memref<64x1024x128xf32, #tpu.memory_space<hbm>> -> memref<1x16x128xf32, #tpu.memory_space<hbm>>
    %dma_wait3A_147 = tpu.memref_squeeze %dma_wait3A_146 : memref<1x16x128xf32, #tpu.memory_space<hbm>> -> memref<16x128xf32, #tpu.memory_space<hbm>>
    %dma_wait3A_148 = arith.constant 64 : i32
    %dma_wait3A_149 = arith.constant 0 : i32
    %dma_wait3A_150 = tpu.memref_slice %arg7[%dma_wait3A_148, %dma_wait3A_149] : memref<256x128xf32, #tpu.memory_space<vmem>> -> memref<16x128xf32, #tpu.memory_space<vmem>>
    tpu.wait_dma2 semaphore(%arg9 : memref<!tpu.dma_semaphore, #tpu.memory_space<semaphore_mem>>) src(%dma_wait3A_150 : memref<16x128xf32, #tpu.memory_space<vmem>>) dst(%dma_wait3A_147 : memref<16x128xf32, #tpu.memory_space<hbm>>)
    %add3A_151 = arith.constant 1 : i32
    %add3A_152 = arith.addi %mul3A_2, %add3A_151 : i32
    %dma_wait3A_153 = arith.constant 80 : i32
    %dma_wait3A_154 = arith.constant 0 : i32
    %dma_wait3A_155 = tpu.memref_slice %arg7[%dma_wait3A_153, %dma_wait3A_154] : memref<256x128xf32, #tpu.memory_space<vmem>> -> memref<16x128xf32, #tpu.memory_space<vmem>>
    %dma_wait3A_156 = arith.constant 928 : i32
    %dma_wait3A_157 = arith.constant 0 : i32
    %dma_wait3A_158 = tpu.memref_slice %arg4[%add3A_152, %dma_wait3A_156, %dma_wait3A_157] : memref<64x1024x128xf32, #tpu.memory_space<hbm>> -> memref<1x16x128xf32, #tpu.memory_space<hbm>>
    %dma_wait3A_159 = tpu.memref_squeeze %dma_wait3A_158 : memref<1x16x128xf32, #tpu.memory_space<hbm>> -> memref<16x128xf32, #tpu.memory_space<hbm>>
    %dma_wait3A_160 = arith.constant 928 : i32
    %dma_wait3A_161 = arith.constant 0 : i32
    %dma_wait3A_162 = tpu.memref_slice %arg4[%add3A_152, %dma_wait3A_160, %dma_wait3A_161] : memref<64x1024x128xf32, #tpu.memory_space<hbm>> -> memref<1x16x128xf32, #tpu.memory_space<hbm>>
    %dma_wait3A_163 = tpu.memref_squeeze %dma_wait3A_162 : memref<1x16x128xf32, #tpu.memory_space<hbm>> -> memref<16x128xf32, #tpu.memory_space<hbm>>
    %dma_wait3A_164 = arith.constant 80 : i32
    %dma_wait3A_165 = arith.constant 0 : i32
    %dma_wait3A_166 = tpu.memref_slice %arg7[%dma_wait3A_164, %dma_wait3A_165] : memref<256x128xf32, #tpu.memory_space<vmem>> -> memref<16x128xf32, #tpu.memory_space<vmem>>
    tpu.wait_dma2 semaphore(%arg9 : memref<!tpu.dma_semaphore, #tpu.memory_space<semaphore_mem>>) src(%dma_wait3A_166 : memref<16x128xf32, #tpu.memory_space<vmem>>) dst(%dma_wait3A_163 : memref<16x128xf32, #tpu.memory_space<hbm>>)
    %add3A_167 = arith.constant 0 : i32
    %add3A_168 = arith.addi %mul3A_2, %add3A_167 : i32
    %dma_wait3A_169 = arith.constant 96 : i32
    %dma_wait3A_170 = arith.constant 0 : i32
    %dma_wait3A_171 = tpu.memref_slice %arg7[%dma_wait3A_169, %dma_wait3A_170] : memref<256x128xf32, #tpu.memory_space<vmem>> -> memref<16x128xf32, #tpu.memory_space<vmem>>
    %dma_wait3A_172 = arith.constant 944 : i32
    %dma_wait3A_173 = arith.constant 0 : i32
    %dma_wait3A_174 = tpu.memref_slice %arg4[%add3A_168, %dma_wait3A_172, %dma_wait3A_173] : memref<64x1024x128xf32, #tpu.memory_space<hbm>> -> memref<1x16x128xf32, #tpu.memory_space<hbm>>
    %dma_wait3A_175 = tpu.memref_squeeze %dma_wait3A_174 : memref<1x16x128xf32, #tpu.memory_space<hbm>> -> memref<16x128xf32, #tpu.memory_space<hbm>>
    %dma_wait3A_176 = arith.constant 944 : i32
    %dma_wait3A_177 = arith.constant 0 : i32
    %dma_wait3A_178 = tpu.memref_slice %arg4[%add3A_168, %dma_wait3A_176, %dma_wait3A_177] : memref<64x1024x128xf32, #tpu.memory_space<hbm>> -> memref<1x16x128xf32, #tpu.memory_space<hbm>>
    %dma_wait3A_179 = tpu.memref_squeeze %dma_wait3A_178 : memref<1x16x128xf32, #tpu.memory_space<hbm>> -> memref<16x128xf32, #tpu.memory_space<hbm>>
    %dma_wait3A_180 = arith.constant 96 : i32
    %dma_wait3A_181 = arith.constant 0 : i32
    %dma_wait3A_182 = tpu.memref_slice %arg7[%dma_wait3A_180, %dma_wait3A_181] : memref<256x128xf32, #tpu.memory_space<vmem>> -> memref<16x128xf32, #tpu.memory_space<vmem>>
    tpu.wait_dma2 semaphore(%arg9 : memref<!tpu.dma_semaphore, #tpu.memory_space<semaphore_mem>>) src(%dma_wait3A_182 : memref<16x128xf32, #tpu.memory_space<vmem>>) dst(%dma_wait3A_179 : memref<16x128xf32, #tpu.memory_space<hbm>>)
    %add3A_183 = arith.constant 1 : i32
    %add3A_184 = arith.addi %mul3A_2, %add3A_183 : i32
    %dma_wait3A_185 = arith.constant 112 : i32
    %dma_wait3A_186 = arith.constant 0 : i32
    %dma_wait3A_187 = tpu.memref_slice %arg7[%dma_wait3A_185, %dma_wait3A_186] : memref<256x128xf32, #tpu.memory_space<vmem>> -> memref<16x128xf32, #tpu.memory_space<vmem>>
    %dma_wait3A_188 = arith.constant 944 : i32
    %dma_wait3A_189 = arith.constant 0 : i32
    %dma_wait3A_190 = tpu.memref_slice %arg4[%add3A_184, %dma_wait3A_188, %dma_wait3A_189] : memref<64x1024x128xf32, #tpu.memory_space<hbm>> -> memref<1x16x128xf32, #tpu.memory_space<hbm>>
    %dma_wait3A_191 = tpu.memref_squeeze %dma_wait3A_190 : memref<1x16x128xf32, #tpu.memory_space<hbm>> -> memref<16x128xf32, #tpu.memory_space<hbm>>
    %dma_wait3A_192 = arith.constant 944 : i32
    %dma_wait3A_193 = arith.constant 0 : i32
    %dma_wait3A_194 = tpu.memref_slice %arg4[%add3A_184, %dma_wait3A_192, %dma_wait3A_193] : memref<64x1024x128xf32, #tpu.memory_space<hbm>> -> memref<1x16x128xf32, #tpu.memory_space<hbm>>
    %dma_wait3A_195 = tpu.memref_squeeze %dma_wait3A_194 : memref<1x16x128xf32, #tpu.memory_space<hbm>> -> memref<16x128xf32, #tpu.memory_space<hbm>>
    %dma_wait3A_196 = arith.constant 112 : i32
    %dma_wait3A_197 = arith.constant 0 : i32
    %dma_wait3A_198 = tpu.memref_slice %arg7[%dma_wait3A_196, %dma_wait3A_197] : memref<256x128xf32, #tpu.memory_space<vmem>> -> memref<16x128xf32, #tpu.memory_space<vmem>>
    tpu.wait_dma2 semaphore(%arg9 : memref<!tpu.dma_semaphore, #tpu.memory_space<semaphore_mem>>) src(%dma_wait3A_198 : memref<16x128xf32, #tpu.memory_space<vmem>>) dst(%dma_wait3A_195 : memref<16x128xf32, #tpu.memory_space<hbm>>)
    %add3A_199 = arith.constant 0 : i32
    %add3A_200 = arith.addi %mul3A_2, %add3A_199 : i32
    %dma_wait3A_201 = arith.constant 128 : i32
    %dma_wait3A_202 = arith.constant 0 : i32
    %dma_wait3A_203 = tpu.memref_slice %arg7[%dma_wait3A_201, %dma_wait3A_202] : memref<256x128xf32, #tpu.memory_space<vmem>> -> memref<16x128xf32, #tpu.memory_space<vmem>>
    %dma_wait3A_204 = arith.constant 960 : i32
    %dma_wait3A_205 = arith.constant 0 : i32
    %dma_wait3A_206 = tpu.memref_slice %arg4[%add3A_200, %dma_wait3A_204, %dma_wait3A_205] : memref<64x1024x128xf32, #tpu.memory_space<hbm>> -> memref<1x16x128xf32, #tpu.memory_space<hbm>>
    %dma_wait3A_207 = tpu.memref_squeeze %dma_wait3A_206 : memref<1x16x128xf32, #tpu.memory_space<hbm>> -> memref<16x128xf32, #tpu.memory_space<hbm>>
    %dma_wait3A_208 = arith.constant 960 : i32
    %dma_wait3A_209 = arith.constant 0 : i32
    %dma_wait3A_210 = tpu.memref_slice %arg4[%add3A_200, %dma_wait3A_208, %dma_wait3A_209] : memref<64x1024x128xf32, #tpu.memory_space<hbm>> -> memref<1x16x128xf32, #tpu.memory_space<hbm>>
    %dma_wait3A_211 = tpu.memref_squeeze %dma_wait3A_210 : memref<1x16x128xf32, #tpu.memory_space<hbm>> -> memref<16x128xf32, #tpu.memory_space<hbm>>
    %dma_wait3A_212 = arith.constant 128 : i32
    %dma_wait3A_213 = arith.constant 0 : i32
    %dma_wait3A_214 = tpu.memref_slice %arg7[%dma_wait3A_212, %dma_wait3A_213] : memref<256x128xf32, #tpu.memory_space<vmem>> -> memref<16x128xf32, #tpu.memory_space<vmem>>
    tpu.wait_dma2 semaphore(%arg9 : memref<!tpu.dma_semaphore, #tpu.memory_space<semaphore_mem>>) src(%dma_wait3A_214 : memref<16x128xf32, #tpu.memory_space<vmem>>) dst(%dma_wait3A_211 : memref<16x128xf32, #tpu.memory_space<hbm>>)
    %add3A_215 = arith.constant 1 : i32
    %add3A_216 = arith.addi %mul3A_2, %add3A_215 : i32
    %dma_wait3A_217 = arith.constant 144 : i32
    %dma_wait3A_218 = arith.constant 0 : i32
    %dma_wait3A_219 = tpu.memref_slice %arg7[%dma_wait3A_217, %dma_wait3A_218] : memref<256x128xf32, #tpu.memory_space<vmem>> -> memref<16x128xf32, #tpu.memory_space<vmem>>
    %dma_wait3A_220 = arith.constant 960 : i32
    %dma_wait3A_221 = arith.constant 0 : i32
    %dma_wait3A_222 = tpu.memref_slice %arg4[%add3A_216, %dma_wait3A_220, %dma_wait3A_221] : memref<64x1024x128xf32, #tpu.memory_space<hbm>> -> memref<1x16x128xf32, #tpu.memory_space<hbm>>
    %dma_wait3A_223 = tpu.memref_squeeze %dma_wait3A_222 : memref<1x16x128xf32, #tpu.memory_space<hbm>> -> memref<16x128xf32, #tpu.memory_space<hbm>>
    %dma_wait3A_224 = arith.constant 960 : i32
    %dma_wait3A_225 = arith.constant 0 : i32
    %dma_wait3A_226 = tpu.memref_slice %arg4[%add3A_216, %dma_wait3A_224, %dma_wait3A_225] : memref<64x1024x128xf32, #tpu.memory_space<hbm>> -> memref<1x16x128xf32, #tpu.memory_space<hbm>>
    %dma_wait3A_227 = tpu.memref_squeeze %dma_wait3A_226 : memref<1x16x128xf32, #tpu.memory_space<hbm>> -> memref<16x128xf32, #tpu.memory_space<hbm>>
    %dma_wait3A_228 = arith.constant 144 : i32
    %dma_wait3A_229 = arith.constant 0 : i32
    %dma_wait3A_230 = tpu.memref_slice %arg7[%dma_wait3A_228, %dma_wait3A_229] : memref<256x128xf32, #tpu.memory_space<vmem>> -> memref<16x128xf32, #tpu.memory_space<vmem>>
    tpu.wait_dma2 semaphore(%arg9 : memref<!tpu.dma_semaphore, #tpu.memory_space<semaphore_mem>>) src(%dma_wait3A_230 : memref<16x128xf32, #tpu.memory_space<vmem>>) dst(%dma_wait3A_227 : memref<16x128xf32, #tpu.memory_space<hbm>>)
    %add3A_231 = arith.constant 0 : i32
    %add3A_232 = arith.addi %mul3A_2, %add3A_231 : i32
    %dma_wait3A_233 = arith.constant 160 : i32
    %dma_wait3A_234 = arith.constant 0 : i32
    %dma_wait3A_235 = tpu.memref_slice %arg7[%dma_wait3A_233, %dma_wait3A_234] : memref<256x128xf32, #tpu.memory_space<vmem>> -> memref<16x128xf32, #tpu.memory_space<vmem>>
    %dma_wait3A_236 = arith.constant 976 : i32
    %dma_wait3A_237 = arith.constant 0 : i32
    %dma_wait3A_238 = tpu.memref_slice %arg4[%add3A_232, %dma_wait3A_236, %dma_wait3A_237] : memref<64x1024x128xf32, #tpu.memory_space<hbm>> -> memref<1x16x128xf32, #tpu.memory_space<hbm>>
    %dma_wait3A_239 = tpu.memref_squeeze %dma_wait3A_238 : memref<1x16x128xf32, #tpu.memory_space<hbm>> -> memref<16x128xf32, #tpu.memory_space<hbm>>
    %dma_wait3A_240 = arith.constant 976 : i32
    %dma_wait3A_241 = arith.constant 0 : i32
    %dma_wait3A_242 = tpu.memref_slice %arg4[%add3A_232, %dma_wait3A_240, %dma_wait3A_241] : memref<64x1024x128xf32, #tpu.memory_space<hbm>> -> memref<1x16x128xf32, #tpu.memory_space<hbm>>
    %dma_wait3A_243 = tpu.memref_squeeze %dma_wait3A_242 : memref<1x16x128xf32, #tpu.memory_space<hbm>> -> memref<16x128xf32, #tpu.memory_space<hbm>>
    %dma_wait3A_244 = arith.constant 160 : i32
    %dma_wait3A_245 = arith.constant 0 : i32
    %dma_wait3A_246 = tpu.memref_slice %arg7[%dma_wait3A_244, %dma_wait3A_245] : memref<256x128xf32, #tpu.memory_space<vmem>> -> memref<16x128xf32, #tpu.memory_space<vmem>>
    tpu.wait_dma2 semaphore(%arg9 : memref<!tpu.dma_semaphore, #tpu.memory_space<semaphore_mem>>) src(%dma_wait3A_246 : memref<16x128xf32, #tpu.memory_space<vmem>>) dst(%dma_wait3A_243 : memref<16x128xf32, #tpu.memory_space<hbm>>)
    %add3A_247 = arith.constant 1 : i32
    %add3A_248 = arith.addi %mul3A_2, %add3A_247 : i32
    %dma_wait3A_249 = arith.constant 176 : i32
    %dma_wait3A_250 = arith.constant 0 : i32
    %dma_wait3A_251 = tpu.memref_slice %arg7[%dma_wait3A_249, %dma_wait3A_250] : memref<256x128xf32, #tpu.memory_space<vmem>> -> memref<16x128xf32, #tpu.memory_space<vmem>>
    %dma_wait3A_252 = arith.constant 976 : i32
    %dma_wait3A_253 = arith.constant 0 : i32
    %dma_wait3A_254 = tpu.memref_slice %arg4[%add3A_248, %dma_wait3A_252, %dma_wait3A_253] : memref<64x1024x128xf32, #tpu.memory_space<hbm>> -> memref<1x16x128xf32, #tpu.memory_space<hbm>>
    %dma_wait3A_255 = tpu.memref_squeeze %dma_wait3A_254 : memref<1x16x128xf32, #tpu.memory_space<hbm>> -> memref<16x128xf32, #tpu.memory_space<hbm>>
    %dma_wait3A_256 = arith.constant 976 : i32
    %dma_wait3A_257 = arith.constant 0 : i32
    %dma_wait3A_258 = tpu.memref_slice %arg4[%add3A_248, %dma_wait3A_256, %dma_wait3A_257] : memref<64x1024x128xf32, #tpu.memory_space<hbm>> -> memref<1x16x128xf32, #tpu.memory_space<hbm>>
    %dma_wait3A_259 = tpu.memref_squeeze %dma_wait3A_258 : memref<1x16x128xf32, #tpu.memory_space<hbm>> -> memref<16x128xf32, #tpu.memory_space<hbm>>
    %dma_wait3A_260 = arith.constant 176 : i32
    %dma_wait3A_261 = arith.constant 0 : i32
    %dma_wait3A_262 = tpu.memref_slice %arg7[%dma_wait3A_260, %dma_wait3A_261] : memref<256x128xf32, #tpu.memory_space<vmem>> -> memref<16x128xf32, #tpu.memory_space<vmem>>
    tpu.wait_dma2 semaphore(%arg9 : memref<!tpu.dma_semaphore, #tpu.memory_space<semaphore_mem>>) src(%dma_wait3A_262 : memref<16x128xf32, #tpu.memory_space<vmem>>) dst(%dma_wait3A_259 : memref<16x128xf32, #tpu.memory_space<hbm>>)
    %add3A_263 = arith.constant 0 : i32
    %add3A_264 = arith.addi %mul3A_2, %add3A_263 : i32
    %dma_wait3A_265 = arith.constant 192 : i32
    %dma_wait3A_266 = arith.constant 0 : i32
    %dma_wait3A_267 = tpu.memref_slice %arg7[%dma_wait3A_265, %dma_wait3A_266] : memref<256x128xf32, #tpu.memory_space<vmem>> -> memref<16x128xf32, #tpu.memory_space<vmem>>
    %dma_wait3A_268 = arith.constant 992 : i32
    %dma_wait3A_269 = arith.constant 0 : i32
    %dma_wait3A_270 = tpu.memref_slice %arg4[%add3A_264, %dma_wait3A_268, %dma_wait3A_269] : memref<64x1024x128xf32, #tpu.memory_space<hbm>> -> memref<1x16x128xf32, #tpu.memory_space<hbm>>
    %dma_wait3A_271 = tpu.memref_squeeze %dma_wait3A_270 : memref<1x16x128xf32, #tpu.memory_space<hbm>> -> memref<16x128xf32, #tpu.memory_space<hbm>>
    %dma_wait3A_272 = arith.constant 992 : i32
    %dma_wait3A_273 = arith.constant 0 : i32
    %dma_wait3A_274 = tpu.memref_slice %arg4[%add3A_264, %dma_wait3A_272, %dma_wait3A_273] : memref<64x1024x128xf32, #tpu.memory_space<hbm>> -> memref<1x16x128xf32, #tpu.memory_space<hbm>>
    %dma_wait3A_275 = tpu.memref_squeeze %dma_wait3A_274 : memref<1x16x128xf32, #tpu.memory_space<hbm>> -> memref<16x128xf32, #tpu.memory_space<hbm>>
    %dma_wait3A_276 = arith.constant 192 : i32
    %dma_wait3A_277 = arith.constant 0 : i32
    %dma_wait3A_278 = tpu.memref_slice %arg7[%dma_wait3A_276, %dma_wait3A_277] : memref<256x128xf32, #tpu.memory_space<vmem>> -> memref<16x128xf32, #tpu.memory_space<vmem>>
    tpu.wait_dma2 semaphore(%arg9 : memref<!tpu.dma_semaphore, #tpu.memory_space<semaphore_mem>>) src(%dma_wait3A_278 : memref<16x128xf32, #tpu.memory_space<vmem>>) dst(%dma_wait3A_275 : memref<16x128xf32, #tpu.memory_space<hbm>>)
    %add3A_279 = arith.constant 1 : i32
    %add3A_280 = arith.addi %mul3A_2, %add3A_279 : i32
    %dma_wait3A_281 = arith.constant 208 : i32
    %dma_wait3A_282 = arith.constant 0 : i32
    %dma_wait3A_283 = tpu.memref_slice %arg7[%dma_wait3A_281, %dma_wait3A_282] : memref<256x128xf32, #tpu.memory_space<vmem>> -> memref<16x128xf32, #tpu.memory_space<vmem>>
    %dma_wait3A_284 = arith.constant 992 : i32
    %dma_wait3A_285 = arith.constant 0 : i32
    %dma_wait3A_286 = tpu.memref_slice %arg4[%add3A_280, %dma_wait3A_284, %dma_wait3A_285] : memref<64x1024x128xf32, #tpu.memory_space<hbm>> -> memref<1x16x128xf32, #tpu.memory_space<hbm>>
    %dma_wait3A_287 = tpu.memref_squeeze %dma_wait3A_286 : memref<1x16x128xf32, #tpu.memory_space<hbm>> -> memref<16x128xf32, #tpu.memory_space<hbm>>
    %dma_wait3A_288 = arith.constant 992 : i32
    %dma_wait3A_289 = arith.constant 0 : i32
    %dma_wait3A_290 = tpu.memref_slice %arg4[%add3A_280, %dma_wait3A_288, %dma_wait3A_289] : memref<64x1024x128xf32, #tpu.memory_space<hbm>> -> memref<1x16x128xf32, #tpu.memory_space<hbm>>
    %dma_wait3A_291 = tpu.memref_squeeze %dma_wait3A_290 : memref<1x16x128xf32, #tpu.memory_space<hbm>> -> memref<16x128xf32, #tpu.memory_space<hbm>>
    %dma_wait3A_292 = arith.constant 208 : i32
    %dma_wait3A_293 = arith.constant 0 : i32
    %dma_wait3A_294 = tpu.memref_slice %arg7[%dma_wait3A_292, %dma_wait3A_293] : memref<256x128xf32, #tpu.memory_space<vmem>> -> memref<16x128xf32, #tpu.memory_space<vmem>>
    tpu.wait_dma2 semaphore(%arg9 : memref<!tpu.dma_semaphore, #tpu.memory_space<semaphore_mem>>) src(%dma_wait3A_294 : memref<16x128xf32, #tpu.memory_space<vmem>>) dst(%dma_wait3A_291 : memref<16x128xf32, #tpu.memory_space<hbm>>)
    %add3A_295 = arith.constant 0 : i32
    %add3A_296 = arith.addi %mul3A_2, %add3A_295 : i32
    %dma_wait3A_297 = arith.constant 224 : i32
    %dma_wait3A_298 = arith.constant 0 : i32
    %dma_wait3A_299 = tpu.memref_slice %arg7[%dma_wait3A_297, %dma_wait3A_298] : memref<256x128xf32, #tpu.memory_space<vmem>> -> memref<16x128xf32, #tpu.memory_space<vmem>>
    %dma_wait3A_300 = arith.constant 1008 : i32
    %dma_wait3A_301 = arith.constant 0 : i32
    %dma_wait3A_302 = tpu.memref_slice %arg4[%add3A_296, %dma_wait3A_300, %dma_wait3A_301] : memref<64x1024x128xf32, #tpu.memory_space<hbm>> -> memref<1x16x128xf32, #tpu.memory_space<hbm>>
    %dma_wait3A_303 = tpu.memref_squeeze %dma_wait3A_302 : memref<1x16x128xf32, #tpu.memory_space<hbm>> -> memref<16x128xf32, #tpu.memory_space<hbm>>
    %dma_wait3A_304 = arith.constant 1008 : i32
    %dma_wait3A_305 = arith.constant 0 : i32
    %dma_wait3A_306 = tpu.memref_slice %arg4[%add3A_296, %dma_wait3A_304, %dma_wait3A_305] : memref<64x1024x128xf32, #tpu.memory_space<hbm>> -> memref<1x16x128xf32, #tpu.memory_space<hbm>>
    %dma_wait3A_307 = tpu.memref_squeeze %dma_wait3A_306 : memref<1x16x128xf32, #tpu.memory_space<hbm>> -> memref<16x128xf32, #tpu.memory_space<hbm>>
    %dma_wait3A_308 = arith.constant 224 : i32
    %dma_wait3A_309 = arith.constant 0 : i32
    %dma_wait3A_310 = tpu.memref_slice %arg7[%dma_wait3A_308, %dma_wait3A_309] : memref<256x128xf32, #tpu.memory_space<vmem>> -> memref<16x128xf32, #tpu.memory_space<vmem>>
    tpu.wait_dma2 semaphore(%arg9 : memref<!tpu.dma_semaphore, #tpu.memory_space<semaphore_mem>>) src(%dma_wait3A_310 : memref<16x128xf32, #tpu.memory_space<vmem>>) dst(%dma_wait3A_307 : memref<16x128xf32, #tpu.memory_space<hbm>>)
    %add3A_311 = arith.constant 1 : i32
    %add3A_312 = arith.addi %mul3A_2, %add3A_311 : i32
    %dma_wait3A_313 = arith.constant 240 : i32
    %dma_wait3A_314 = arith.constant 0 : i32
    %dma_wait3A_315 = tpu.memref_slice %arg7[%dma_wait3A_313, %dma_wait3A_314] : memref<256x128xf32, #tpu.memory_space<vmem>> -> memref<16x128xf32, #tpu.memory_space<vmem>>
    %dma_wait3A_316 = arith.constant 1008 : i32
    %dma_wait3A_317 = arith.constant 0 : i32
    %dma_wait3A_318 = tpu.memref_slice %arg4[%add3A_312, %dma_wait3A_316, %dma_wait3A_317] : memref<64x1024x128xf32, #tpu.memory_space<hbm>> -> memref<1x16x128xf32, #tpu.memory_space<hbm>>
    %dma_wait3A_319 = tpu.memref_squeeze %dma_wait3A_318 : memref<1x16x128xf32, #tpu.memory_space<hbm>> -> memref<16x128xf32, #tpu.memory_space<hbm>>
    %dma_wait3A_320 = arith.constant 1008 : i32
    %dma_wait3A_321 = arith.constant 0 : i32
    %dma_wait3A_322 = tpu.memref_slice %arg4[%add3A_312, %dma_wait3A_320, %dma_wait3A_321] : memref<64x1024x128xf32, #tpu.memory_space<hbm>> -> memref<1x16x128xf32, #tpu.memory_space<hbm>>
    %dma_wait3A_323 = tpu.memref_squeeze %dma_wait3A_322 : memref<1x16x128xf32, #tpu.memory_space<hbm>> -> memref<16x128xf32, #tpu.memory_space<hbm>>
    %dma_wait3A_324 = arith.constant 240 : i32
    %dma_wait3A_325 = arith.constant 0 : i32
    %dma_wait3A_326 = tpu.memref_slice %arg7[%dma_wait3A_324, %dma_wait3A_325] : memref<256x128xf32, #tpu.memory_space<vmem>> -> memref<16x128xf32, #tpu.memory_space<vmem>>
    tpu.wait_dma2 semaphore(%arg9 : memref<!tpu.dma_semaphore, #tpu.memory_space<semaphore_mem>>) src(%dma_wait3A_326 : memref<16x128xf32, #tpu.memory_space<vmem>>) dst(%dma_wait3A_323 : memref<16x128xf32, #tpu.memory_space<hbm>>)
    return
  }
}

module attributes {stable_mosaic.version = 14 : i64} {
  func.func @_topk_body(%arg0: i32, %arg1: memref<1x256x1024xf32, #tpu.memory_space<vmem>>, %arg2: memref<1x1x1024xf32, #tpu.memory_space<vmem>>, %arg3: memref<1x1024x8xi32, #tpu.memory_space<vmem>>) attributes {dimension_semantics = [#tpu.dimension_semantics<arbitrary>], iteration_bounds = array<i64: 16>, scalar_prefetch = 0 : i64, scratch_operands = 0 : i64, tpu.core_type = #tpu.core_type<tc>, window_params = [{transform_indices = @transform_0, window_bounds = array<i64: 1, 256, 1024>}, {transform_indices = @transform_1, window_bounds = array<i64: 1, 1, 1024>}, {transform_indices = @transform_2, window_bounds = array<i64: 1, 1024, 8>}]} {
    %get3A = arith.constant 0 : index
    %get3A_0 = arith.constant 0 : index
    %get3A_1 = arith.constant 0 : index
    %get3A_2 = vector.load %arg1[%get3A, %get3A_0, %get3A_1] : memref<1x256x1024xf32, #tpu.memory_space<vmem>>, vector<1x256x1024xf32>
    %get3A_3 = vector.shape_cast %get3A_2 : vector<1x256x1024xf32> to vector<256x1024xf32>
    %get3A_4 = arith.constant 0 : index
    %get3A_5 = arith.constant 0 : index
    %get3A_6 = arith.constant 0 : index
    %get3A_7 = vector.load %arg2[%get3A_4, %get3A_5, %get3A_6] : memref<1x1x1024xf32, #tpu.memory_space<vmem>>, vector<1x1x1024xf32>
    %get3A_8 = vector.shape_cast %get3A_7 : vector<1x1x1024xf32> to vector<1024xf32>
    %convert_element_type3A = arith.truncf %get3A_3 : vector<256x1024xf32> to vector<256x1024xbf16>
    %dot_general3A = arith.constant dense<0.000000e+00> : vector<1024x1024xf32>
    %dot_general3A_9 = tpu.matmul %convert_element_type3A, %convert_element_type3A, %dot_general3A {dimension_numbers = #tpu.dot_dimension_numbers<[0], [0], [1], [1], [0, 1, 1, 1], [], []>, transpose_lhs_hint = false} : vector<256x1024xbf16>, vector<256x1024xbf16>, vector<1024x1024xf32> -> vector<1024x1024xf32>
    %mul3A = arith.constant -2.000000e+00 : f32
    %mul3A_10 = vector.broadcast %mul3A : f32 to vector<1024x1024xf32>
    %mul3A_11 = arith.mulf %mul3A_10, %dot_general3A_9 : vector<1024x1024xf32>
    %broadcast_in_dim3A = vector.shape_cast %get3A_8 : vector<1024xf32> to vector<1x1024xf32>
    %add3A = vector.broadcast %broadcast_in_dim3A : vector<1x1024xf32> to vector<1024x1024xf32>
    %add3A_12 = arith.addf %mul3A_11, %add3A : vector<1024x1024xf32>
    %broadcast_in_dim3A_13 = vector.shape_cast %get3A_8 : vector<1024xf32> to vector<1024x1xf32>
    %add3A_14 = vector.broadcast %broadcast_in_dim3A_13 : vector<1024x1xf32> to vector<1024x1024xf32>
    %add3A_15 = arith.addf %add3A_12, %add3A_14 : vector<1024x1024xf32>
    %max3A = arith.constant 0.000000e+00 : f32
    %max3A_16 = vector.broadcast %max3A : f32 to vector<1024x1024xf32>
    %max3A_17 = arith.maximumf %add3A_15, %max3A_16 : vector<1024x1024xf32>
    %iota3A = tpu.iota {dimensions = array<i32: 1>} : vector<1024x1024xi32>
    %iota3A_18 = tpu.iota {dimensions = array<i32: 0>} : vector<1024x1024xi32>
    %iota3A_19 = tpu.iota {dimensions = array<i32: 1>} : vector<1x1024xi32>
    %iota3A_20 = vector.shape_cast %iota3A_19 : vector<1x1024xi32> to vector<1024xi32>
    %mul3A_21 = arith.constant 16 : i32
    %mul3A_22 = vector.broadcast %mul3A_21 : i32 to vector<1024xi32>
    %mul3A_23 = arith.muli %iota3A_20, %mul3A_22 : vector<1024xi32>
    %add3A_24 = vector.broadcast %arg0 : i32 to vector<1024xi32>
    %add3A_25 = arith.addi %mul3A_23, %add3A_24 : vector<1024xi32>
    %swap3A = arith.constant 0 : index
    %swap3A_26 = arith.constant 0 : index
    %swap3A_27 = arith.constant 0 : index
    %swap3A_28 = vector.load %arg3[%swap3A, %swap3A_26, %swap3A_27] : memref<1x1024x8xi32, #tpu.memory_space<vmem>>, vector<1x1024x1xi32>
    %swap3A_29 = vector.shape_cast %swap3A_28 : vector<1x1024x1xi32> to vector<1024xi32>
    %swap3A_30 = vector.shape_cast %add3A_25 : vector<1024xi32> to vector<1x1024x1xi32>
    tpu.vector_store %arg3[%swap3A, %swap3A_26, %swap3A_27], %swap3A_30 {strides = array<i32>} : memref<1x1024x8xi32, #tpu.memory_space<vmem>>, vector<1x1024x1xi32>,
    %eq3A = arith.cmpi eq, %iota3A, %iota3A_18 : vector<1024x1024xi32>
    %jit3A = arith.constant 3.000000e+38 : f32
    %broadcast_in_dim3A_31 = vector.broadcast %jit3A : f32 to vector<1024x1024xf32>
    %select_n3A = arith.select %eq3A, %broadcast_in_dim3A_31, %max3A_17 : vector<1024x1024xi1>, vector<1024x1024xf32>
    %reduce_min3A = arith.constant dense<0x7F800000> : vector<1024xf32>
    %reduce_min3A_32 = vector.multi_reduction <minimumf>, %select_n3A, %reduce_min3A [1] : vector<1024x1024xf32> to vector<1024xf32>
    %broadcast_in_dim3A_33 = vector.shape_cast %reduce_min3A_32 : vector<1024xf32> to vector<1024x1xf32>
    %eq3A_34 = vector.broadcast %broadcast_in_dim3A_33 : vector<1024x1xf32> to vector<1024x1024xf32>
    %eq3A_35 = arith.cmpf oeq, %select_n3A, %eq3A_34 : vector<1024x1024xf32>
    %jit3A_36 = arith.constant 1024 : i32
    %broadcast_in_dim3A_37 = vector.broadcast %jit3A_36 : i32 to vector<1024x1024xi32>
    %select_n3A_38 = arith.select %eq3A_35, %iota3A, %broadcast_in_dim3A_37 : vector<1024x1024xi1>, vector<1024x1024xi32>
    %reduce_min3A_39 = arith.constant dense<2147483647> : vector<1024xi32>
    %reduce_min3A_40 = vector.multi_reduction <minsi>, %select_n3A_38, %reduce_min3A_39 [1] : vector<1024x1024xi32> to vector<1024xi32>
    %mul3A_41 = arith.constant 16 : i32
    %mul3A_42 = vector.broadcast %mul3A_41 : i32 to vector<1024xi32>
    %mul3A_43 = arith.muli %reduce_min3A_40, %mul3A_42 : vector<1024xi32>
    %add3A_44 = vector.broadcast %arg0 : i32 to vector<1024xi32>
    %add3A_45 = arith.addi %mul3A_43, %add3A_44 : vector<1024xi32>
    %swap3A_46 = arith.constant 0 : index
    %swap3A_47 = arith.constant 0 : index
    %swap3A_48 = arith.constant 1 : index
    %swap3A_49 = vector.load %arg3[%swap3A_46, %swap3A_47, %swap3A_48] : memref<1x1024x8xi32, #tpu.memory_space<vmem>>, vector<1x1024x1xi32>
    %swap3A_50 = vector.shape_cast %swap3A_49 : vector<1x1024x1xi32> to vector<1024xi32>
    %swap3A_51 = vector.shape_cast %add3A_45 : vector<1024xi32> to vector<1x1024x1xi32>
    tpu.vector_store %arg3[%swap3A_46, %swap3A_47, %swap3A_48], %swap3A_51 {strides = array<i32>} : memref<1x1024x8xi32, #tpu.memory_space<vmem>>, vector<1x1024x1xi32>,
    %broadcast_in_dim3A_52 = vector.shape_cast %reduce_min3A_40 : vector<1024xi32> to vector<1024x1xi32>
    %eq3A_53 = vector.broadcast %broadcast_in_dim3A_52 : vector<1024x1xi32> to vector<1024x1024xi32>
    %eq3A_54 = arith.cmpi eq, %iota3A, %eq3A_53 : vector<1024x1024xi32>
    %jit3A_55 = arith.constant 3.000000e+38 : f32
    %broadcast_in_dim3A_56 = vector.broadcast %jit3A_55 : f32 to vector<1024x1024xf32>
    %select_n3A_57 = arith.select %eq3A_54, %broadcast_in_dim3A_56, %select_n3A : vector<1024x1024xi1>, vector<1024x1024xf32>
    %reduce_min3A_58 = arith.constant dense<0x7F800000> : vector<1024xf32>
    %reduce_min3A_59 = vector.multi_reduction <minimumf>, %select_n3A_57, %reduce_min3A_58 [1] : vector<1024x1024xf32> to vector<1024xf32>
    %broadcast_in_dim3A_60 = vector.shape_cast %reduce_min3A_59 : vector<1024xf32> to vector<1024x1xf32>
    %eq3A_61 = vector.broadcast %broadcast_in_dim3A_60 : vector<1024x1xf32> to vector<1024x1024xf32>
    %eq3A_62 = arith.cmpf oeq, %select_n3A_57, %eq3A_61 : vector<1024x1024xf32>
    %jit3A_63 = arith.constant 1024 : i32
    %broadcast_in_dim3A_64 = vector.broadcast %jit3A_63 : i32 to vector<1024x1024xi32>
    %select_n3A_65 = arith.select %eq3A_62, %iota3A, %broadcast_in_dim3A_64 : vector<1024x1024xi1>, vector<1024x1024xi32>
    %reduce_min3A_66 = arith.constant dense<2147483647> : vector<1024xi32>
    %reduce_min3A_67 = vector.multi_reduction <minsi>, %select_n3A_65, %reduce_min3A_66 [1] : vector<1024x1024xi32> to vector<1024xi32>
    %mul3A_68 = arith.constant 16 : i32
    %mul3A_69 = vector.broadcast %mul3A_68 : i32 to vector<1024xi32>
    %mul3A_70 = arith.muli %reduce_min3A_67, %mul3A_69 : vector<1024xi32>
    %add3A_71 = vector.broadcast %arg0 : i32 to vector<1024xi32>
    %add3A_72 = arith.addi %mul3A_70, %add3A_71 : vector<1024xi32>
    %swap3A_73 = arith.constant 0 : index
    %swap3A_74 = arith.constant 0 : index
    %swap3A_75 = arith.constant 2 : index
    %swap3A_76 = vector.load %arg3[%swap3A_73, %swap3A_74, %swap3A_75] : memref<1x1024x8xi32, #tpu.memory_space<vmem>>, vector<1x1024x1xi32>
    %swap3A_77 = vector.shape_cast %swap3A_76 : vector<1x1024x1xi32> to vector<1024xi32>
    %swap3A_78 = vector.shape_cast %add3A_72 : vector<1024xi32> to vector<1x1024x1xi32>
    tpu.vector_store %arg3[%swap3A_73, %swap3A_74, %swap3A_75], %swap3A_78 {strides = array<i32>} : memref<1x1024x8xi32, #tpu.memory_space<vmem>>, vector<1x1024x1xi32>,
    %broadcast_in_dim3A_79 = vector.shape_cast %reduce_min3A_67 : vector<1024xi32> to vector<1024x1xi32>
    %eq3A_80 = vector.broadcast %broadcast_in_dim3A_79 : vector<1024x1xi32> to vector<1024x1024xi32>
    %eq3A_81 = arith.cmpi eq, %iota3A, %eq3A_80 : vector<1024x1024xi32>
    %jit3A_82 = arith.constant 3.000000e+38 : f32
    %broadcast_in_dim3A_83 = vector.broadcast %jit3A_82 : f32 to vector<1024x1024xf32>
    %select_n3A_84 = arith.select %eq3A_81, %broadcast_in_dim3A_83, %select_n3A_57 : vector<1024x1024xi1>, vector<1024x1024xf32>
    %reduce_min3A_85 = arith.constant dense<0x7F800000> : vector<1024xf32>
    %reduce_min3A_86 = vector.multi_reduction <minimumf>, %select_n3A_84, %reduce_min3A_85 [1] : vector<1024x1024xf32> to vector<1024xf32>
    %broadcast_in_dim3A_87 = vector.shape_cast %reduce_min3A_86 : vector<1024xf32> to vector<1024x1xf32>
    %eq3A_88 = vector.broadcast %broadcast_in_dim3A_87 : vector<1024x1xf32> to vector<1024x1024xf32>
    %eq3A_89 = arith.cmpf oeq, %select_n3A_84, %eq3A_88 : vector<1024x1024xf32>
    %jit3A_90 = arith.constant 1024 : i32
    %broadcast_in_dim3A_91 = vector.broadcast %jit3A_90 : i32 to vector<1024x1024xi32>
    %select_n3A_92 = arith.select %eq3A_89, %iota3A, %broadcast_in_dim3A_91 : vector<1024x1024xi1>, vector<1024x1024xi32>
    %reduce_min3A_93 = arith.constant dense<2147483647> : vector<1024xi32>
    %reduce_min3A_94 = vector.multi_reduction <minsi>, %select_n3A_92, %reduce_min3A_93 [1] : vector<1024x1024xi32> to vector<1024xi32>
    %mul3A_95 = arith.constant 16 : i32
    %mul3A_96 = vector.broadcast %mul3A_95 : i32 to vector<1024xi32>
    %mul3A_97 = arith.muli %reduce_min3A_94, %mul3A_96 : vector<1024xi32>
    %add3A_98 = vector.broadcast %arg0 : i32 to vector<1024xi32>
    %add3A_99 = arith.addi %mul3A_97, %add3A_98 : vector<1024xi32>
    %swap3A_100 = arith.constant 0 : index
    %swap3A_101 = arith.constant 0 : index
    %swap3A_102 = arith.constant 3 : index
    %swap3A_103 = vector.load %arg3[%swap3A_100, %swap3A_101, %swap3A_102] : memref<1x1024x8xi32, #tpu.memory_space<vmem>>, vector<1x1024x1xi32>
    %swap3A_104 = vector.shape_cast %swap3A_103 : vector<1x1024x1xi32> to vector<1024xi32>
    %swap3A_105 = vector.shape_cast %add3A_99 : vector<1024xi32> to vector<1x1024x1xi32>
    tpu.vector_store %arg3[%swap3A_100, %swap3A_101, %swap3A_102], %swap3A_105 {strides = array<i32>} : memref<1x1024x8xi32, #tpu.memory_space<vmem>>, vector<1x1024x1xi32>,
    %broadcast_in_dim3A_106 = vector.shape_cast %reduce_min3A_94 : vector<1024xi32> to vector<1024x1xi32>
    %eq3A_107 = vector.broadcast %broadcast_in_dim3A_106 : vector<1024x1xi32> to vector<1024x1024xi32>
    %eq3A_108 = arith.cmpi eq, %iota3A, %eq3A_107 : vector<1024x1024xi32>
    %jit3A_109 = arith.constant 3.000000e+38 : f32
    %broadcast_in_dim3A_110 = vector.broadcast %jit3A_109 : f32 to vector<1024x1024xf32>
    %select_n3A_111 = arith.select %eq3A_108, %broadcast_in_dim3A_110, %select_n3A_84 : vector<1024x1024xi1>, vector<1024x1024xf32>
    %reduce_min3A_112 = arith.constant dense<0x7F800000> : vector<1024xf32>
    %reduce_min3A_113 = vector.multi_reduction <minimumf>, %select_n3A_111, %reduce_min3A_112 [1] : vector<1024x1024xf32> to vector<1024xf32>
    %broadcast_in_dim3A_114 = vector.shape_cast %reduce_min3A_113 : vector<1024xf32> to vector<1024x1xf32>
    %eq3A_115 = vector.broadcast %broadcast_in_dim3A_114 : vector<1024x1xf32> to vector<1024x1024xf32>
    %eq3A_116 = arith.cmpf oeq, %select_n3A_111, %eq3A_115 : vector<1024x1024xf32>
    %jit3A_117 = arith.constant 1024 : i32
    %broadcast_in_dim3A_118 = vector.broadcast %jit3A_117 : i32 to vector<1024x1024xi32>
    %select_n3A_119 = arith.select %eq3A_116, %iota3A, %broadcast_in_dim3A_118 : vector<1024x1024xi1>, vector<1024x1024xi32>
    %reduce_min3A_120 = arith.constant dense<2147483647> : vector<1024xi32>
    %reduce_min3A_121 = vector.multi_reduction <minsi>, %select_n3A_119, %reduce_min3A_120 [1] : vector<1024x1024xi32> to vector<1024xi32>
    %mul3A_122 = arith.constant 16 : i32
    %mul3A_123 = vector.broadcast %mul3A_122 : i32 to vector<1024xi32>
    %mul3A_124 = arith.muli %reduce_min3A_121, %mul3A_123 : vector<1024xi32>
    %add3A_125 = vector.broadcast %arg0 : i32 to vector<1024xi32>
    %add3A_126 = arith.addi %mul3A_124, %add3A_125 : vector<1024xi32>
    %swap3A_127 = arith.constant 0 : index
    %swap3A_128 = arith.constant 0 : index
    %swap3A_129 = arith.constant 4 : index
    %swap3A_130 = vector.load %arg3[%swap3A_127, %swap3A_128, %swap3A_129] : memref<1x1024x8xi32, #tpu.memory_space<vmem>>, vector<1x1024x1xi32>
    %swap3A_131 = vector.shape_cast %swap3A_130 : vector<1x1024x1xi32> to vector<1024xi32>
    %swap3A_132 = vector.shape_cast %add3A_126 : vector<1024xi32> to vector<1x1024x1xi32>
    tpu.vector_store %arg3[%swap3A_127, %swap3A_128, %swap3A_129], %swap3A_132 {strides = array<i32>} : memref<1x1024x8xi32, #tpu.memory_space<vmem>>, vector<1x1024x1xi32>,
    %broadcast_in_dim3A_133 = vector.shape_cast %reduce_min3A_121 : vector<1024xi32> to vector<1024x1xi32>
    %eq3A_134 = vector.broadcast %broadcast_in_dim3A_133 : vector<1024x1xi32> to vector<1024x1024xi32>
    %eq3A_135 = arith.cmpi eq, %iota3A, %eq3A_134 : vector<1024x1024xi32>
    %jit3A_136 = arith.constant 3.000000e+38 : f32
    %broadcast_in_dim3A_137 = vector.broadcast %jit3A_136 : f32 to vector<1024x1024xf32>
    %select_n3A_138 = arith.select %eq3A_135, %broadcast_in_dim3A_137, %select_n3A_111 : vector<1024x1024xi1>, vector<1024x1024xf32>
    %reduce_min3A_139 = arith.constant dense<0x7F800000> : vector<1024xf32>
    %reduce_min3A_140 = vector.multi_reduction <minimumf>, %select_n3A_138, %reduce_min3A_139 [1] : vector<1024x1024xf32> to vector<1024xf32>
    %broadcast_in_dim3A_141 = vector.shape_cast %reduce_min3A_140 : vector<1024xf32> to vector<1024x1xf32>
    %eq3A_142 = vector.broadcast %broadcast_in_dim3A_141 : vector<1024x1xf32> to vector<1024x1024xf32>
    %eq3A_143 = arith.cmpf oeq, %select_n3A_138, %eq3A_142 : vector<1024x1024xf32>
    %jit3A_144 = arith.constant 1024 : i32
    %broadcast_in_dim3A_145 = vector.broadcast %jit3A_144 : i32 to vector<1024x1024xi32>
    %select_n3A_146 = arith.select %eq3A_143, %iota3A, %broadcast_in_dim3A_145 : vector<1024x1024xi1>, vector<1024x1024xi32>
    %reduce_min3A_147 = arith.constant dense<2147483647> : vector<1024xi32>
    %reduce_min3A_148 = vector.multi_reduction <minsi>, %select_n3A_146, %reduce_min3A_147 [1] : vector<1024x1024xi32> to vector<1024xi32>
    %mul3A_149 = arith.constant 16 : i32
    %mul3A_150 = vector.broadcast %mul3A_149 : i32 to vector<1024xi32>
    %mul3A_151 = arith.muli %reduce_min3A_148, %mul3A_150 : vector<1024xi32>
    %add3A_152 = vector.broadcast %arg0 : i32 to vector<1024xi32>
    %add3A_153 = arith.addi %mul3A_151, %add3A_152 : vector<1024xi32>
    %swap3A_154 = arith.constant 0 : index
    %swap3A_155 = arith.constant 0 : index
    %swap3A_156 = arith.constant 5 : index
    %swap3A_157 = vector.load %arg3[%swap3A_154, %swap3A_155, %swap3A_156] : memref<1x1024x8xi32, #tpu.memory_space<vmem>>, vector<1x1024x1xi32>
    %swap3A_158 = vector.shape_cast %swap3A_157 : vector<1x1024x1xi32> to vector<1024xi32>
    %swap3A_159 = vector.shape_cast %add3A_153 : vector<1024xi32> to vector<1x1024x1xi32>
    tpu.vector_store %arg3[%swap3A_154, %swap3A_155, %swap3A_156], %swap3A_159 {strides = array<i32>} : memref<1x1024x8xi32, #tpu.memory_space<vmem>>, vector<1x1024x1xi32>,
    %broadcast_in_dim3A_160 = vector.shape_cast %reduce_min3A_148 : vector<1024xi32> to vector<1024x1xi32>
    %eq3A_161 = vector.broadcast %broadcast_in_dim3A_160 : vector<1024x1xi32> to vector<1024x1024xi32>
    %eq3A_162 = arith.cmpi eq, %iota3A, %eq3A_161 : vector<1024x1024xi32>
    %jit3A_163 = arith.constant 3.000000e+38 : f32
    %broadcast_in_dim3A_164 = vector.broadcast %jit3A_163 : f32 to vector<1024x1024xf32>
    %select_n3A_165 = arith.select %eq3A_162, %broadcast_in_dim3A_164, %select_n3A_138 : vector<1024x1024xi1>, vector<1024x1024xf32>
    %reduce_min3A_166 = arith.constant dense<0x7F800000> : vector<1024xf32>
    %reduce_min3A_167 = vector.multi_reduction <minimumf>, %select_n3A_165, %reduce_min3A_166 [1] : vector<1024x1024xf32> to vector<1024xf32>
    %broadcast_in_dim3A_168 = vector.shape_cast %reduce_min3A_167 : vector<1024xf32> to vector<1024x1xf32>
    %eq3A_169 = vector.broadcast %broadcast_in_dim3A_168 : vector<1024x1xf32> to vector<1024x1024xf32>
    %eq3A_170 = arith.cmpf oeq, %select_n3A_165, %eq3A_169 : vector<1024x1024xf32>
    %jit3A_171 = arith.constant 1024 : i32
    %broadcast_in_dim3A_172 = vector.broadcast %jit3A_171 : i32 to vector<1024x1024xi32>
    %select_n3A_173 = arith.select %eq3A_170, %iota3A, %broadcast_in_dim3A_172 : vector<1024x1024xi1>, vector<1024x1024xi32>
    %reduce_min3A_174 = arith.constant dense<2147483647> : vector<1024xi32>
    %reduce_min3A_175 = vector.multi_reduction <minsi>, %select_n3A_173, %reduce_min3A_174 [1] : vector<1024x1024xi32> to vector<1024xi32>
    %mul3A_176 = arith.constant 16 : i32
    %mul3A_177 = vector.broadcast %mul3A_176 : i32 to vector<1024xi32>
    %mul3A_178 = arith.muli %reduce_min3A_175, %mul3A_177 : vector<1024xi32>
    %add3A_179 = vector.broadcast %arg0 : i32 to vector<1024xi32>
    %add3A_180 = arith.addi %mul3A_178, %add3A_179 : vector<1024xi32>
    %swap3A_181 = arith.constant 0 : index
    %swap3A_182 = arith.constant 0 : index
    %swap3A_183 = arith.constant 6 : index
    %swap3A_184 = vector.load %arg3[%swap3A_181, %swap3A_182, %swap3A_183] : memref<1x1024x8xi32, #tpu.memory_space<vmem>>, vector<1x1024x1xi32>
    %swap3A_185 = vector.shape_cast %swap3A_184 : vector<1x1024x1xi32> to vector<1024xi32>
    %swap3A_186 = vector.shape_cast %add3A_180 : vector<1024xi32> to vector<1x1024x1xi32>
    tpu.vector_store %arg3[%swap3A_181, %swap3A_182, %swap3A_183], %swap3A_186 {strides = array<i32>} : memref<1x1024x8xi32, #tpu.memory_space<vmem>>, vector<1x1024x1xi32>,
    %broadcast_in_dim3A_187 = vector.shape_cast %reduce_min3A_175 : vector<1024xi32> to vector<1024x1xi32>
    %eq3A_188 = vector.broadcast %broadcast_in_dim3A_187 : vector<1024x1xi32> to vector<1024x1024xi32>
    %eq3A_189 = arith.cmpi eq, %iota3A, %eq3A_188 : vector<1024x1024xi32>
    %jit3A_190 = arith.constant 3.000000e+38 : f32
    %broadcast_in_dim3A_191 = vector.broadcast %jit3A_190 : f32 to vector<1024x1024xf32>
    %select_n3A_192 = arith.select %eq3A_189, %broadcast_in_dim3A_191, %select_n3A_165 : vector<1024x1024xi1>, vector<1024x1024xf32>
    %reduce_min3A_193 = arith.constant dense<0x7F800000> : vector<1024xf32>
    %reduce_min3A_194 = vector.multi_reduction <minimumf>, %select_n3A_192, %reduce_min3A_193 [1] : vector<1024x1024xf32> to vector<1024xf32>
    %broadcast_in_dim3A_195 = vector.shape_cast %reduce_min3A_194 : vector<1024xf32> to vector<1024x1xf32>
    %eq3A_196 = vector.broadcast %broadcast_in_dim3A_195 : vector<1024x1xf32> to vector<1024x1024xf32>
    %eq3A_197 = arith.cmpf oeq, %select_n3A_192, %eq3A_196 : vector<1024x1024xf32>
    %jit3A_198 = arith.constant 1024 : i32
    %broadcast_in_dim3A_199 = vector.broadcast %jit3A_198 : i32 to vector<1024x1024xi32>
    %select_n3A_200 = arith.select %eq3A_197, %iota3A, %broadcast_in_dim3A_199 : vector<1024x1024xi1>, vector<1024x1024xi32>
    %reduce_min3A_201 = arith.constant dense<2147483647> : vector<1024xi32>
    %reduce_min3A_202 = vector.multi_reduction <minsi>, %select_n3A_200, %reduce_min3A_201 [1] : vector<1024x1024xi32> to vector<1024xi32>
    %mul3A_203 = arith.constant 16 : i32
    %mul3A_204 = vector.broadcast %mul3A_203 : i32 to vector<1024xi32>
    %mul3A_205 = arith.muli %reduce_min3A_202, %mul3A_204 : vector<1024xi32>
    %add3A_206 = vector.broadcast %arg0 : i32 to vector<1024xi32>
    %add3A_207 = arith.addi %mul3A_205, %add3A_206 : vector<1024xi32>
    %swap3A_208 = arith.constant 0 : index
    %swap3A_209 = arith.constant 0 : index
    %swap3A_210 = arith.constant 7 : index
    %swap3A_211 = vector.load %arg3[%swap3A_208, %swap3A_209, %swap3A_210] : memref<1x1024x8xi32, #tpu.memory_space<vmem>>, vector<1x1024x1xi32>
    %swap3A_212 = vector.shape_cast %swap3A_211 : vector<1x1024x1xi32> to vector<1024xi32>
    %swap3A_213 = vector.shape_cast %add3A_207 : vector<1024xi32> to vector<1x1024x1xi32>
    tpu.vector_store %arg3[%swap3A_208, %swap3A_209, %swap3A_210], %swap3A_213 {strides = array<i32>} : memref<1x1024x8xi32, #tpu.memory_space<vmem>>, vector<1x1024x1xi32>,
    return
  }
  func.func @transform_0(%arg0: i32) -> (i32, i32, i32) {
    %c0_i32 = arith.constant 0 : i32
    %c0_i32_0 = arith.constant 0 : i32
    %c0_i32_1 = arith.constant 0 : i32
    return %arg0, %c0_i32, %c0_i32_0 : i32, i32, i32
  }
  func.func @transform_1(%arg0: i32) -> (i32, i32, i32) {
    %c0_i32 = arith.constant 0 : i32
    %c0_i32_0 = arith.constant 0 : i32
    %c0_i32_1 = arith.constant 0 : i32
    return %arg0, %c0_i32, %c0_i32_0 : i32, i32, i32
  }
  func.func @transform_2(%arg0: i32) -> (i32, i32, i32) {
    %c0_i32 = arith.constant 0 : i32
    %c0_i32_0 = arith.constant 0 : i32
    %c0_i32_1 = arith.constant 0 : i32
    return %arg0, %c0_i32, %c0_i32_0 : i32, i32, i32
  }
}

</mosaic_0001>

<sc_bundles>
// kernel: kernel.4.cloned.1.call-start
scs
__scs_entry_jumppad:
0x0: {  	(pc) =	sbr.rel $0x88, $3  }
0x1: {  	(tag) =	ssettag $0x0;
	lr =	simm.s32 $0x1  }
0x2: {  	[smem:$0x3F9F] =	sst lr;
	_ =	strace $0xD0000000  }
0x3: {  	_ = 	snop  }
0x4: {  	_ = 	snop  }
0x5: {  	_ = 	snop  }
0x6: {  	_ = 	snop  }
0x7: {  	_ = 	snop  }
__scs_overlays_trampoline_lowered:
0x8: {  	[smem:$0x3FAE] =	sst s0  }
0x9: {  	[smem:$0x3FAF] =	sst s1  }
0xa: {  	[smem:$0x3FB0] =	sst s2  }
0xb: {  	[smem:$0x3FB1] =	sst s3  }
0xc: {  	[smem:$0x3FB2] =	sst s4  }
0xd: {  	[smem:$0x3FB3] =	sst s5  }
0xe: {  	[smem:$0x3FB4] =	sst s6  }
0xf: {  	[smem:$0x3FB5] =	sst s7  }
0x10: {  	[smem:$0x3FB6] =	sst s8  }
0x11: {  	[smem:$0x3FB7] =	sst s9;
	s0 =	simm.s32 @!p0 $0x0  }
0x12: {  	s1 =	sld [smem:$0x3F9D];
	s0 =	simm.s32 @p0 $0x1  }
0x13: {  	[smem:$0x3FB8] =	sst s0;
	s0 =	simm.s32 @!p1 $0x0  }
0x14: {  	s2 =	sld [smem:$0x3F9C];
	s0 =	simm.s32 @p1 $0x1  }
0x15: {  	[smem:$0x3FB9] =	sst s0;
	s0 =	simm.s32 @!p2 $0x0  }
0x16: {  	s3 =	sld [smem:$0x3FDB];
	s0 =	simm.s32 @p2 $0x1  }
0x17: {  	s4 =	simm.s32 $0x1BF5;
	[smem:$0x3FBB] =	sst s0  }
0x18: {  	s0 =	sld [smem:$0x3F9E];
	_ =	swait.ge [sflag:s4], $0x0  }
0x19: {  	s7 =	sld [smem:$0x3F9F]  }
0x1a: {  	s8 =	sadd.s32 $0xFFFFE003, lr  }
0x1b: {  	s9 =	sadd.s32 $0xFFFFFEF7, lr;
	s5 =	simm.s32 $0xFFFFFFFF;
	p2 =	slt.u32 s8, $0xFFFFF086  }
0x1c: {  	p1 =	slt.u32 s9, $0xF7A;
	s5 =	simm.s32 @!p2 $0x0  }
0x1d: {  	s5 =	simm.s32 @p1 $0x1;
	p0 =	seq.s32 s7, s2  }
0x1e: {  	s7 =	smul.u32 @!p0 $0xF7A, s2;
	p2 =	seq.s32 @!p0 s5, $0x0  }
0x1f: {  	s9 =	smul.u32 $0xF7A, s1;
	s8 =	simm.s32 @!p0 $0x1BF5;
	p2 =	por !p2, p0  }
0x20: {  	[sflag:s8] =	ssyncset.s32 @!p0 $0xFFFFF086;
	s6 =	sadd.s32 @!p0 s3, s7;
	s7 =	simm.s32 @!p0 $0x108  }
0x21: {  	s3 =	sadd.s32 s3, s9;
	s6 =	sadd.s32 @!p0 $0x88, s6;
	s7 =	simm.s32 @p2 $0x1082  }
0x22: {  	[simem:s7], [sflag:s8] =	dma.local @!p0 [hbm:s6], $0xF7A  }
0x23: {  	s9 =	sor.u32 $0xD0000000, s2;
	s6 =	simm.s32 $0x108;
	_ =	swait.ge @!p0 [sflag:s8], $0x0  }
0x24: {  	s3 =	sadd.s32 $0x88, s3;
	s6 =	simm.s32 @!p1 $0x1082;
	[sflag:s4] =	ssyncset.s32 $0xFFFFF086  }
0x25: {  	[simem:s6], [sflag:s4] =	dma.local [hbm:s3], $0xF7A  }
0x26: {  	[smem:$0x3F9F] =	sst s1;
	(tag) =	ssettag s2;
	_ =	strace s9  }
0x27: {  	s1 =	sld [smem:$0x3FAF]  }
0x28: {  	s2 =	sld [smem:$0x3FB0]  }
0x29: {  	s4 =	sld [smem:$0x3FB2]  }
0x2a: {  	p0 =	seq.s32 s5, $0x0;
	s5 =	sld [smem:$0x3FB3]  }
0x2b: {  	s6 =	sld [smem:$0x3FB4]  }
0x2c: {  	s7 =	sld [smem:$0x3FB5]  }
0x2d: {  	s3 =	simm.s32 $0x108;
	s8 =	sld [smem:$0x3FB6]  }
0x2e: {  	s3 =	simm.s32 @!p0 $0x1082;
	s9 =	sld [smem:$0x3FB7]  }
0x2f: {  	lr =	sadd.s32 s0, s3;
	s0 =	sld [smem:$0x3FAE]  }
0x30: {  	s3 =	sld [smem:$0x3FB1]  }
0x31: {  	[smem:$0x3FBA] =	sst s10  }
0x32: {  	s10 =	sld [smem:$0x3FB8];
	_ =	sdelay $0x3  }
0x33: {  	p0 =	seq.s32 s10, $0x1;
	s10 =	sld [smem:$0x3FBA];
	_ =	sdelay $0x3  }
0x34: {  	[smem:$0x3FBA] =	sst s10  }
0x35: {  	s10 =	sld [smem:$0x3FB9];
	_ =	sdelay $0x3  }
0x36: {  	p1 =	seq.s32 s10, $0x1;
	s10 =	sld [smem:$0x3FBA];
	_ =	sdelay $0x3  }
0x37: {  	[smem:$0x3FBA] =	sst s10  }
0x38: {  	s10 =	sld [smem:$0x3FBB]  }
0x39: {  	_ = 	snop;
	(pc) =	sbr.ind lr, $3  }
0x3a: {  	_ = 	snop  }
0x3b: {  	_ = 	snop  }
0x3c: {  	p2 =	seq.s32 s10, $0x1;
	s10 =	sld [smem:$0x3FBA]  }
0x3d: {  	_ =	shalt  }
0x3e: {  	_ =	shalt  }
0x3f: {  	_ =	shalt  }
0x40: {  	_ =	shalt  }
0x41: {  	_ =	shalt  }
0x42: {  	_ =	shalt  }
0x43: {  	_ =	shalt  }
0x44: {  	_ =	shalt  }
0x45: {  	_ =	shalt  }
0x46: {  	_ =	shalt  }
0x47: {  	_ =	shalt  }
0x48: {  	_ =	shalt  }
0x49: {  	_ =	shalt  }
0x4a: {  	_ =	shalt  }
0x4b: {  	_ =	shalt  }
0x4c: {  	_ =	shalt  }
0x4d: {  	_ =	shalt  }
0x4e: {  	_ =	shalt  }
0x4f: {  	_ =	shalt  }
0x50: {  	_ =	shalt  }
0x51: {  	_ =	shalt  }
0x52: {  	_ =	shalt  }
0x53: {  	_ =	shalt  }
0x54: {  	_ =	shalt  }
0x55: {  	_ =	shalt  }
0x56: {  	_ =	shalt  }
0x57: {  	_ =	shalt  }
0x58: {  	_ =	shalt  }
0x59: {  	_ =	shalt  }
0x5a: {  	_ =	shalt  }
0x5b: {  	_ =	shalt  }
0x5c: {  	_ =	shalt  }
0x5d: {  	_ =	shalt  }
0x5e: {  	_ =	shalt  }
0x5f: {  	_ =	shalt  }
0x60: {  	_ =	shalt  }
0x61: {  	_ =	shalt  }
0x62: {  	_ =	shalt  }
0x63: {  	_ =	shalt  }
0x64: {  	_ =	shalt  }
0x65: {  	_ =	shalt  }
0x66: {  	_ =	shalt  }
0x67: {  	_ =	shalt  }
0x68: {  	_ =	shalt  }
0x69: {  	_ =	shalt  }
0x6a: {  	_ =	shalt  }
0x6b: {  	_ =	shalt  }
0x6c: {  	_ =	shalt  }
0x6d: {  	_ =	shalt  }
0x6e: {  	_ =	shalt  }
0x6f: {  	_ =	shalt  }
0x70: {  	_ =	shalt  }
0x71: {  	_ =	shalt  }
0x72: {  	_ =	shalt  }
0x73: {  	_ =	shalt  }
0x74: {  	_ =	shalt  }
0x75: {  	_ =	shalt  }
0x76: {  	_ =	shalt  }
0x77: {  	_ =	shalt  }
0x78: {  	_ =	shalt  }
0x79: {  	_ =	shalt  }
0x7a: {  	_ =	shalt  }
0x7b: {  	_ =	shalt  }
0x7c: {  	_ =	shalt  }
0x7d: {  	_ =	shalt  }
0x7e: {  	_ =	shalt  }
0x7f: {  	_ =	shalt  }
0x80: {  	_ =	shalt  }
0x81: {  	_ =	shalt  }
0x82: {  	_ =	shalt  }
0x83: {  	_ =	shalt  }
0x84: {  	_ =	shalt  }
0x85: {  	_ =	shalt  }
0x86: {  	_ =	shalt  }
0x87: {  	_ =	shalt  }
.Lfunc_end0:
.L_simem_size_0:
called_computation.1_lowered:
.L_overlay_start_0:
0x88: {  	s2 =	sld [smem:$0x3FD9]  }
0x89: {  	s3 =	sld [smem:$0x3FFE];
	_ =	sdelay $0x1  }
0x8a: {  	s1 =	srdreg.scid  }
0x8b: {  	s0 =	sand.u32 $0x1, s1  }
0x8c: {  	s17 =	sshll.u32 s0, $0xA;
	s2 =	sadd.s32 s3, s2  }
0x8d: {  	s2 =	sadd.s32 s2, s17  }
0x8e: {  	[smem:$0x3FC6] =	sst s2  }
0x8f: {  	_ = 	snop  }
0x90: {  	s2 =	sld [smem:$0x3FD0];
	(tm) =	ssettm $0x1  }
0x91: {  	s18 =	sld [smem:$0x3FFB];
	_ =	sdelay $0x3  }
0x92: {  	_ =	strace s18  }
0x93: {  	s3 =	sld [smem:$0x3FFC];
	_ =	sdelay $0x3  }
0x94: {  	_ =	strace s3  }
0x95: {  	s3 =	sld [smem:$0x3FFD];
	_ =	sdelay $0x3  }
0x96: {  	_ =	strace s3  }
0x97: {  	_ =	strace $0x8FFFFFFF  }
0x98: {  	s19 =	sld [smem:$0x3FDB];
	_ =	sdelay $0x1  }
0x99: {  	s4 =	simm.s32 $_scs_section_size  }
0x9a: {  	s5 =	simm.s32 $_size__tile_overlayer_lowered;
	s6 =	simm.s32 $_tile_overlayer_lowered  }
0x9b: {  	s22 =	simm.s32 $0x1BFF;
	s21 =	sshll.u32 s6, $0x1;
	s3 =	sadd.s32 s4, s19  }
0x9c: {  	s7 =	simm.s32 $0x0;
	s20 =	sshll.u32 s5, $0x1;
	s5 =	sadd.s32 s21, s3  }
0x9d: {  	[timem:s7], [sflag:s22] =	dma.local [hbm:s5], s20  }
0x9e: {  	_ =	swait.ge [sflag:s22], s20  }
0x9f: {  	s4 =	ssub.s32 $0x0, s20;
	[sflag:s22] =	ssyncset.done $0x0  }
0xa0: {  	[sflag:s22] =	ssyncadd.s32 s4;
	_ =	sdelay $0x1  }
0xa1: {  	s23 =	simm.s32 $0x1B8B  }
0xa2: {  	_ =	swait.ge [sflag:s23], $0x1  }
0xa3: {  	[sflag:s23] =	ssyncset.done $0x0  }
0xa4: {  	s25 =	simm.s32 $0x1B8E;
	s24 =	sld [smem:$0x3FFE];
	[sflag:s23] =	ssyncadd.s32 $0xFFFFFFFF  }
0xa5: {  	s26 =	simm.s32 $execute0_lowered;
	[smem:$0x3FD2] =	sst s25  }
0xa6: {  	s5 =	sshll.u32 s26, $0x1;
	_ =	strace $0x80000046;
	[dreg:$0x1] =	wrdreg $0xFFFFFFFF  }
0xa7: {  	s28 =	simm.s32 $_size_execute0_lowered;
	s3 =	sadd.s32 s3, s5;
	[dreg:$0x0] =	wrdreg $0x0  }
0xa8: {  	s5 =	sshll.u32 s28, $0x1;
	[dreg:$0x2] =	wrdreg s3  }
0xa9: {  	[dreg:$0x3] =	wrdreg s5  }
0xaa: {  	[dreg:$0x4] =	wrdreg $0xC0  }
0xab: {  	_ =	task [dreg:s7], $0x5FFFF  }
0xac: {  	[dreg:$0x1] =	wrdreg $0xFFFFFFFF  }
0xad: {  	[dreg:$0x0] =	wrdreg $0x60  }
0xae: {  	[dreg:$0x2] =	wrdreg s24  }
0xaf: {  	[dreg:$0x3] =	wrdreg s2  }
0xb0: {  	[dreg:$0x4] =	wrdreg $0x9  }
0xb1: {  	_ =	task.clear_ibuf [dreg:s7], $0x5FFFF;
	_ =	strace $0x90000046  }
0xb2: {  	s29 =	simm.s32 $0x9;
	_ =	strace $0x80000048  }
0xb3: {  	_ =	swait.ge [sflag:s29], $0x1  }
0xb4: {  	[sflag:s29] =	ssyncadd.s32 $0xFFFFFFFF  }
0xb5: {  	_ =	strace $0x90000048  }
0xb6: {  	_ =	sfence  }
0xb7: {  	s30 =	sld [smem:$0x0];
	_ =	sdelay $0x2  }
0xb8: {  	s31 =	sshll.u32 s1, $0xD;
	s1 =	sshrl.u32 s1, $0x2  }
0xb9: {  	s3 =	sand.u32 $0x4000, s31;
	s1 =	sadd.s32 s1, s30  }
0xba: {  	s0 =	sor.u32 s3, s0;
	s1 =	sshll.u32 s1, $0x11  }
0xbb: {  	s0 =	sor.u32 s1, s0  }
0xbc: {  	s0 =	sadd.s32 $0x8F2B, s0  }
0xbd: {  	[sflag:s0] =	ssyncadd.remote.s32 $0x1  }
0xbe: {  	_ =	sfence.sel $0xFFFF  }
0xbf: {  	[dreg:$0x0] =	wrdreg $0xFFFFFFFF;
	(pc) =	sbr.abs _section_cstart, $3  }
0xc0: {  	[dreg:$0x1] =	wrdreg $0xFFFFFFFF  }
0xc1: {  	_ =	task.clear_ibuf [dreg:s7], $0x2FFFF;
	_ =	strace $0x9FFFFFFF  }
0xc2: {  	(tm) =	ssettm $0x7FFFFFFF  }
0xc3: {  	_ =	shalt  }
tec
execute0_lowered:
.L_overlay_start_1:
0x0: {  	(tag) =	ssettag $0x1  }
0x1: {  	s0 =	rddreg [dreg:$0x0]  }
0x2: {  	s2 =	rddreg [dreg:$0x1]  }
0x3: {  	s1 =	srdreg.scid;
	s4 =	stileid.u32  }
0x4: {  	s3 =	simm.s32 $0x0;
	s7 =	simm.s32 $0x10800;
	s8 =	simm.s32 $0x11000  }
0x5: {  	s9 =	simm.s32 $0x11800;
	s10 =	simm.s32 $0x12000;
	s11 =	simm.s32 $0x12800  }
0x6: {  	s12 =	simm.s32 $0x13000;
	s13 =	simm.s32 $0x13800;
	s1 =	sand.u32 $0x1, s1  }
0x7: {  	s4 =	sshll.u32 s4, $0x1;
	[smem:$0x7FF] =	sst s3;
	s20 =	sadd.s32 $0x800, s0  }
0x8: {  	s23 =	sadd.s32 $0x900, s0;
	_ =	strace $0x80000047;
	[dreg:$0x3] =	wrdreg s20  }
0x9: {  	s24 =	sadd.s32 $0xA00, s0;
	s25 =	sadd.s32 $0xB00, s0;
	[dreg:$0x5] =	wrdreg s23  }
0xa: {  	s26 =	sadd.s32 $0xC00, s0;
	s28 =	sadd.s32 $0xD00, s0;
	[dreg:$0x6] =	wrdreg s24  }
0xb: {  	s29 =	sadd.s32 $0xE00, s0;
	s30 =	sadd.s32 $0xF00, s0;
	[dreg:$0x7] =	wrdreg s25  }
0xc: {  	s14 =	sadd.s32 $0x1000, s0;
	s16 =	sadd.s32 $0x1100, s0;
	[dreg:$0x8] =	wrdreg s26  }
0xd: {  	s17 =	sadd.s32 $0x1200, s0;
	s18 =	sadd.s32 $0x1300, s0;
	[dreg:$0x9] =	wrdreg s28  }
0xe: {  	s19 =	sadd.s32 $0x1400, s0;
	s4 =	sor.u32 s1, s4;
	[dreg:$0xa] =	wrdreg s29  }
0xf: {  	s1 =	ssub.s32 $0x2, s1;
	[dreg:$0xb] =	wrdreg s30;
	s20 =	sadd.s32 $0x1500, s0  }
0x10: {  	s25 =	simm.s32 $0x1;
	s23 =	simm.s32 $0x2;
	s5 =	sshll.u32 s4, $0xC  }
0x11: {  	s24 =	simm.s32 $0x0;
	s21 =	sshrl.u32 s1, $0x1;
	s6 =	sadd.s32 s5, s0  }
0x12: {  	s1 =	ssub.s32 s1, s21;
	s5 =	sshll.u32 s4, $0x12;
	s21 =	sadd.s32 $0x1600, s0  }
0x13: {  	s4 =	simm.s32 $0xF800;
	s22 =	sadd.s32 $0x4800, s6;
	s15 =	sor.u32 $0x20000, s5  }
0x14: {  	s31 =	smax.u32 s1, $0x1;
	s1 =	simm.s32 $0xF000;
	[dreg:$0x4] =	wrdreg s22  }
0x15: {  	s6 =	simm.s32 $0x10000;
	s22 =	sadd.s32 $0x1700, s0;
	[dreg:$0xc] =	wrdreg s31  }
.LBB2_1:
0x16: {  	[dreg:$0xd] =	wrdreg s24  }
0x17: {  	s0 =	rddreg [dreg:$0x4];
	s26 =	simm.s32 $0x3  }
0x18: {  	[tilespmem:s3], [sflag:$0x3] =	stream.linear.gather [hbm4b:s0+s3], $0x8000, $0x38;
	[tilespmem:$0x14000] =	vst v63  }
0x19: {  	_ =	swait.ge [sflag:s26], $0x8000  }
0x1a: {  	[sflag:s26] =	ssyncset.done $0x0  }
0x1b: {  	s29 =	simm.s32 $0x8000;
	s28 =	rddreg [dreg:$0x3];
	[sflag:s26] =	ssyncadd.s32 $0xFFFF8000  }
0x1c: {  	[tilespmem:s29], [sflag:$0x1] =	stream.linear.gather [hbm4b:s28+s3], $0x800, $0x38;
	[tilespmem:$0x14000] =	vst v63  }
0x1d: {  	s31 =	simm.s32 $0x8800;
	s30 =	rddreg [dreg:$0x5]  }
0x1e: {  	[tilespmem:s31], [sflag:$0x1] =	stream.linear.gather [hbm4b:s30+s3], $0x800, $0x38;
	[tilespmem:$0x14000] =	vst v63  }
0x1f: {  	s24 =	rddreg [dreg:$0x6];
	s26 =	simm.s32 $0x9000  }
0x20: {  	[tilespmem:s26], [sflag:$0x1] =	stream.linear.gather [hbm4b:s24+s3], $0x800, $0x38;
	[tilespmem:$0x14000] =	vst v63  }
0x21: {  	s28 =	rddreg [dreg:$0x7];
	s29 =	simm.s32 $0x9800  }
0x22: {  	[tilespmem:s29], [sflag:$0x1] =	stream.linear.gather [hbm4b:s28+s3], $0x800, $0x38;
	[tilespmem:$0x14000] =	vst v63  }
0x23: {  	s30 =	rddreg [dreg:$0x8];
	s31 =	simm.s32 $0xA000  }
0x24: {  	[tilespmem:s31], [sflag:$0x1] =	stream.linear.gather [hbm4b:s30+s3], $0x800, $0x38;
	[tilespmem:$0x14000] =	vst v63  }
0x25: {  	s24 =	rddreg [dreg:$0x9];
	s26 =	simm.s32 $0xA800  }
0x26: {  	[tilespmem:s26], [sflag:$0x1] =	stream.linear.gather [hbm4b:s24+s3], $0x800, $0x38;
	[tilespmem:$0x14000] =	vst v63  }
0x27: {  	s28 =	rddreg [dreg:$0xa];
	s29 =	simm.s32 $0xB000  }
0x28: {  	[tilespmem:s29], [sflag:$0x1] =	stream.linear.gather [hbm4b:s28+s3], $0x800, $0x38;
	[tilespmem:$0x14000] =	vst v63  }
0x29: {  	s30 =	rddreg [dreg:$0xb];
	s31 =	simm.s32 $0xB800;
	s24 =	simm.s32 $0x0  }
0x2a: {  	[tilespmem:s31], [sflag:$0x1] =	stream.linear.gather [hbm4b:s30+s3], $0x800, $0x38;
	[tilespmem:$0x14000] =	vst v63  }
.LBB2_2:
0x2b: {  	_ =	swait.ge [sflag:s25], $0x800;
	p0 =	seq.s32 s24, $0x7  }
0x2c: {  	[sflag:s25] =	ssyncset.done $0x0;
	s26 =	sshll.u32 @!p0 s24, $0xB  }
0x2d: {  	s29 =	simm.s32 @!p0 $0x0;
	s30 =	simm.s32 @!p0 $0x8000;
	p1 =	seq.s32 @!p0 s24, $0x0  }
0x2e: {  	[sflag:s25] =	ssyncadd.s32 $0xFFFFF800;
	s28 =	sadd.s32 @!p0 s26, s14;
	p1 =	por p0, !p1  }
0x2f: {  	[tilespmem:s30], [sflag:$0x1] =	stream.linear.gather @!p0 [hbm4b:s28+s29], $0x800, $0x38;
	[tilespmem:$0x14000] =	vst v63  }
0x30: {  	_ =	swait.ge @p1 [sflag:s23], $0x800  }
0x31: {  	[sflag:s23] =	ssyncset.done @p1 $0x0  }
0x32: {  	[sflag:s23] =	ssyncadd.s32 @p1 $0xFFFFF800  }
0x33: {  	_ =	swait.ge @p1 [sflag:s23], $0x800  }
0x34: {  	[sflag:s23] =	ssyncset.done @p1 $0x0  }
0x35: {  	s28 =	simm.s32 $0x8040;
	[sflag:s23] =	ssyncadd.s32 @p1 $0xFFFFF800  }
0x36: {  	v0 =	vld [tilespmem:s28+$0x30]  }
0x37: {  	v1 =	vld [tilespmem:s28+$0xFFFFFFD0]  }
0x38: {  	v2 =	vld [tilespmem:s28+$0xFFFFFFE0]  }
0x39: {  	v3 =	vld [tilespmem:s28+$0xFFFFFFF0]  }
0x3a: {  	v4 =	vld [tilespmem:s28+$0x0]  }
0x3b: {  	v5 =	vld [tilespmem:s28+$0x10]  }
0x3c: {  	v6 =	vld [tilespmem:s28+$0x20]  }
0x3d: {  	v7 =	vld [tilespmem:s28+$0xFFFFFFC0]  }
0x3e: {  	v8 =	vld.idx.msk [tilespmem:v0+s3+$0x0], $0xffff  }
0x3f: {  	v9 =	vld.idx.msk [tilespmem:v1+s3+$0x0], $0xffff  }
0x40: {  	v10 =	vld.idx.msk [tilespmem:v2+s3+$0x0], $0xffff  }
0x41: {  	v0 =	vadd.s32 $0x4000, v0;
	v11 =	vld.idx.msk [tilespmem:v3+s3+$0x0], $0xffff  }
0x42: {  	v1 =	vadd.s32 $0x4000, v1;
	v12 =	vld.idx.msk [tilespmem:v4+s3+$0x0], $0xffff  }
0x43: {  	s29 =	simm.s32 $0xC800;
	v2 =	vadd.s32 $0x4000, v2;
	v13 =	vld.idx.msk [tilespmem:v5+s3+$0x0], $0xffff  }
0x44: {  	v3 =	vadd.s32 $0x4000, v3;
	v14 =	vld.idx.msk [tilespmem:v6+s3+$0x0], $0xffff;
	[tilespmem:s29+$0xFFFFF870] =	vst v8  }
0x45: {  	v4 =	vadd.s32 $0x4000, v4;
	v62 =	vld.idx.msk [tilespmem:v7+s3+$0x0], $0xffff;
	[tilespmem:s29+$0xFFFFF810] =	vst v9  }
0x46: {  	v5 =	vadd.s32 $0x4000, v5;
	[tilespmem:s29+$0xFFFFF820] =	vst v10;
	v8 =	vld.idx.msk [tilespmem:v0+s3+$0x0], $0xffff  }
0x47: {  	v6 =	vadd.s32 $0x4000, v6;
	[tilespmem:s29+$0xFFFFF830] =	vst v11;
	v63 =	vld.idx.msk [tilespmem:v1+s3+$0x0], $0xffff  }
0x48: {  	v7 =	vadd.s32 $0x4000, v7;
	[tilespmem:s29+$0xFFFFF840] =	vst v12;
	v0 =	vld.idx.msk [tilespmem:v2+s3+$0x0], $0xffff  }
0x49: {  	[tilespmem:s29+$0xFFFFF850] =	vst v13;
	v1 =	vld.idx.msk [tilespmem:v3+s3+$0x0], $0xffff  }
0x4a: {  	[tilespmem:s29+$0xFFFFF860] =	vst v14;
	v2 =	vld.idx.msk [tilespmem:v4+s3+$0x0], $0xffff  }
0x4b: {  	[tilespmem:s29+$0xFFFFF800] =	vst v62;
	v3 =	vld.idx.msk [tilespmem:v5+s3+$0x0], $0xffff  }
0x4c: {  	v5 =	vld.idx.msk [tilespmem:v6+s3+$0x0], $0xffff;
	[tilespmem:s29+$0x70] =	vst v8  }
0x4d: {  	s30 =	simm.s32 $0x80C0;
	s28 =	simm.s32 $0x0;
	v4 =	vld.idx.msk [tilespmem:v7+s3+$0x0], $0xffff;
	[tilespmem:s29+$0x10] =	vst v63  }
.LBB2_3:
0x4e: {  	v6 =	vld [tilespmem:s30+$0x30];
	s28 =	sadd.s32 $0x8, s28;
	[tilespmem:s29+$0x20] =	vst v0  }
0x4f: {  	v0 =	vld [tilespmem:s30+$0xFFFFFFD0];
	p2 =	slt.u32 s28, $0x78;
	[tilespmem:s29+$0x30] =	vst v1  }
0x50: {  	v1 =	vld [tilespmem:s30+$0xFFFFFFE0];
	[tilespmem:s29+$0x40] =	vst v2  }
0x51: {  	v2 =	vld [tilespmem:s30+$0xFFFFFFF0];
	[tilespmem:s29+$0x50] =	vst v3  }
0x52: {  	v3 =	vld [tilespmem:s30+$0x0];
	[tilespmem:s29+$0x60] =	vst v5  }
0x53: {  	v5 =	vld [tilespmem:s30+$0x10];
	[tilespmem:s29+$0x0] =	vst v4  }
0x54: {  	v4 =	vadd.s32 $0x4000, v0;
	v7 =	vld [tilespmem:s30+$0x20]  }
0x55: {  	v8 =	vld [tilespmem:s30+$0xFFFFFFC0];
	v9 =	vadd.s32 $0x4000, v1  }
0x56: {  	v10 =	vadd.s32 $0x4000, v2;
	v11 =	vld.idx.msk [tilespmem:v6+s3+$0x0], $0xffff  }
0x57: {  	v0 =	vld.idx.msk [tilespmem:v0+s3+$0x0], $0xffff;
	v12 =	vadd.s32 $0x4000, v3  }
0x58: {  	v6 =	vadd.s32 $0x4000, v6;
	v1 =	vld.idx.msk [tilespmem:v1+s3+$0x0], $0xffff;
	v13 =	vadd.s32 $0x4000, v5  }
0x59: {  	v2 =	vld.idx.msk [tilespmem:v2+s3+$0x0], $0xffff;
	v14 =	vadd.s32 $0x4000, v7  }
0x5a: {  	v15 =	vadd.s32 $0x4000, v8;
	v3 =	vld.idx.msk [tilespmem:v3+s3+$0x0], $0xffff  }
0x5b: {  	s29 =	sadd.s32 $0x80, s29;
	v5 =	vld.idx.msk [tilespmem:v5+s3+$0x0], $0xffff  }
0x5c: {  	v7 =	vld.idx.msk [tilespmem:v7+s3+$0x0], $0xffff;
	[tilespmem:s29+$0xFFFFF870] =	vst v11  }
0x5d: {  	[tilespmem:s29+$0xFFFFF810] =	vst v0;
	v6 =	vld.idx.msk [tilespmem:v6+s3+$0x0], $0xffff  }
0x5e: {  	v8 =	vld.idx.msk [tilespmem:v8+s3+$0x0], $0xffff;
	[tilespmem:s29+$0xFFFFF820] =	vst v1  }
0x5f: {  	v11 =	vld.idx.msk [tilespmem:v4+s3+$0x0], $0xffff;
	[tilespmem:s29+$0xFFFFF830] =	vst v2  }
0x60: {  	v0 =	vld.idx.msk [tilespmem:v9+s3+$0x0], $0xffff;
	[tilespmem:s29+$0xFFFFF840] =	vst v3  }
.Ltmp0:
0x61: {  	v1 =	vld.idx.msk [tilespmem:v10+s3+$0x0], $0xffff;
	[tilespmem:s29+$0xFFFFF850] =	vst v5;
	(pc) =	sbr.rel @p2 .LBB2_3-.Ltmp0, $4  }
0x62: {  	v2 =	vld.idx.msk [tilespmem:v12+s3+$0x0], $0xffff;
	[tilespmem:s29+$0xFFFFF860] =	vst v7  }
0x63: {  	v3 =	vld.idx.msk [tilespmem:v13+s3+$0x0], $0xffff;
	[tilespmem:s29+$0x70] =	vst v6  }
0x64: {  	[tilespmem:s29+$0xFFFFF800] =	vst v8;
	v5 =	vld.idx.msk [tilespmem:v14+s3+$0x0], $0xffff  }
0x65: {  	s30 =	sadd.s32 $0x80, s30;
	v4 =	vld.idx.msk [tilespmem:v15+s3+$0x0], $0xffff;
	[tilespmem:s29+$0x10] =	vst v11  }
0x66: {  	[tilespmem:s29+$0x20] =	vst v0  }
0x67: {  	[tilespmem:s29+$0x30] =	vst v1  }
0x68: {  	s28 =	sshll.u32 s24, $0xE;
	[tilespmem:s29+$0x40] =	vst v2  }
0x69: {  	s30 =	sor.u32 s5, s28;
	[tilespmem:s29+$0x50] =	vst v3  }
0x6a: {  	s30 =	sshrl.u32 s30, $0x3;
	[tilespmem:s29+$0x60] =	vst v5  }
0x6b: {  	s0 =	simm.s32 $0xC000;
	[tilespmem:s29+$0x0] =	vst v4;
	s29 =	sadd.s32 s2, s30  }
0x6c: {  	[hbm4b:s29+s3] =	stream.linear.scatter [tilespmem:s0], [sflag:$0x2], $0x800, $0x38;
	[tilespmem:$0x14000] =	vst v63  }
0x6d: {  	s29 =	sor.u32 s15, s28  }
0x6e: {  	s29 =	sshrl.u32 s29, $0x3  }
0x6f: {  	s0 =	simm.s32 $0xC800;
	s29 =	sadd.s32 s2, s29  }
0x70: {  	[hbm4b:s29+s3] =	stream.linear.scatter [tilespmem:s0], [sflag:$0x2], $0x800, $0x38;
	[tilespmem:$0x14000] =	vst v63  }
0x71: {  	_ =	swait.ge [sflag:s25], $0x800  }
0x72: {  	s31 =	simm.s32 @!p0 $0x8800;
	[sflag:s25] =	ssyncset.done $0x0  }
0x73: {  	s30 =	simm.s32 @!p0 $0x0;
	s29 =	sadd.s32 @!p0 s26, s16;
	[sflag:s25] =	ssyncadd.s32 $0xFFFFF800  }
0x74: {  	[tilespmem:s31], [sflag:$0x1] =	stream.linear.gather @!p0 [hbm4b:s29+s30], $0x800, $0x38;
	[tilespmem:$0x14000] =	vst v63  }
0x75: {  	_ =	swait.ge @p1 [sflag:s23], $0x800  }
0x76: {  	[sflag:s23] =	ssyncset.done @p1 $0x0  }
0x77: {  	[sflag:s23] =	ssyncadd.s32 @p1 $0xFFFFF800  }
0x78: {  	_ =	swait.ge @p1 [sflag:s23], $0x800  }
0x79: {  	[sflag:s23] =	ssyncset.done @p1 $0x0  }
0x7a: {  	s29 =	simm.s32 $0x8870;
	[sflag:s23] =	ssyncadd.s32 @p1 $0xFFFFF800  }
0x7b: {  	v0 =	vld [tilespmem:s29+$0x0]  }
0x7c: {  	v1 =	vld [tilespmem:s29+$0xFFFFFFA0]  }
0x7d: {  	v2 =	vld [tilespmem:s29+$0xFFFFFFB0]  }
0x7e: {  	v3 =	vld [tilespmem:s29+$0xFFFFFFC0]  }
0x7f: {  	v4 =	vld [tilespmem:s29+$0xFFFFFFD0]  }
0x80: {  	v5 =	vld [tilespmem:s29+$0xFFFFFFE0]  }
0x81: {  	v6 =	vld [tilespmem:s29+$0xFFFFFFF0]  }
0x82: {  	v7 =	vld [tilespmem:s29+$0xFFFFFF90]  }
0x83: {  	v8 =	vld.idx.msk [tilespmem:v0+s3+$0x0], $0xffff  }
0x84: {  	v9 =	vld.idx.msk [tilespmem:v1+s3+$0x0], $0xffff  }
0x85: {  	v10 =	vld.idx.msk [tilespmem:v2+s3+$0x0], $0xffff  }
0x86: {  	v0 =	vadd.s32 $0x4000, v0;
	v11 =	vld.idx.msk [tilespmem:v3+s3+$0x0], $0xffff  }
0x87: {  	v1 =	vadd.s32 $0x4000, v1;
	v12 =	vld.idx.msk [tilespmem:v4+s3+$0x0], $0xffff  }
0x88: {  	s29 =	simm.s32 $0xD870;
	v2 =	vadd.s32 $0x4000, v2;
	v13 =	vld.idx.msk [tilespmem:v5+s3+$0x0], $0xffff  }
0x89: {  	v3 =	vadd.s32 $0x4000, v3;
	v14 =	vld.idx.msk [tilespmem:v6+s3+$0x0], $0xffff;
	[tilespmem:s29+$0xFFFFF800] =	vst v8  }
0x8a: {  	v4 =	vadd.s32 $0x4000, v4;
	v62 =	vld.idx.msk [tilespmem:v7+s3+$0x0], $0xffff;
	[tilespmem:s29+$0xFFFFF7A0] =	vst v9  }
0x8b: {  	v5 =	vadd.s32 $0x4000, v5;
	[tilespmem:s29+$0xFFFFF7B0] =	vst v10;
	v8 =	vld.idx.msk [tilespmem:v0+s3+$0x0], $0xffff  }
0x8c: {  	v6 =	vadd.s32 $0x4000, v6;
	[tilespmem:s29+$0xFFFFF7C0] =	vst v11;
	v63 =	vld.idx.msk [tilespmem:v1+s3+$0x0], $0xffff  }
0x8d: {  	v7 =	vadd.s32 $0x4000, v7;
	[tilespmem:s29+$0xFFFFF7D0] =	vst v12;
	v0 =	vld.idx.msk [tilespmem:v2+s3+$0x0], $0xffff  }
0x8e: {  	[tilespmem:s29+$0xFFFFF7E0] =	vst v13;
	v1 =	vld.idx.msk [tilespmem:v3+s3+$0x0], $0xffff  }
0x8f: {  	[tilespmem:s29+$0xFFFFF7F0] =	vst v14;
	v2 =	vld.idx.msk [tilespmem:v4+s3+$0x0], $0xffff  }
0x90: {  	[tilespmem:s29+$0xFFFFF790] =	vst v62;
	v3 =	vld.idx.msk [tilespmem:v5+s3+$0x0], $0xffff  }
0x91: {  	v5 =	vld.idx.msk [tilespmem:v6+s3+$0x0], $0xffff;
	[tilespmem:s29+$0x0] =	vst v8  }
0x92: {  	s30 =	simm.s32 $0x0;
	s31 =	simm.s32 $0x88F0;
	v4 =	vld.idx.msk [tilespmem:v7+s3+$0x0], $0xffff;
	[tilespmem:s29+$0xFFFFFFA0] =	vst v63  }
.LBB2_5:
0x93: {  	v6 =	vld [tilespmem:s31+$0x0];
	s30 =	sadd.s32 $0x8, s30;
	[tilespmem:s29+$0xFFFFFFB0] =	vst v0  }
0x94: {  	v0 =	vld [tilespmem:s31+$0xFFFFFFA0];
	p2 =	slt.u32 s30, $0x78;
	[tilespmem:s29+$0xFFFFFFC0] =	vst v1  }
0x95: {  	v1 =	vld [tilespmem:s31+$0xFFFFFFB0];
	[tilespmem:s29+$0xFFFFFFD0] =	vst v2  }
0x96: {  	v2 =	vld [tilespmem:s31+$0xFFFFFFC0];
	[tilespmem:s29+$0xFFFFFFE0] =	vst v3  }
0x97: {  	v3 =	vld [tilespmem:s31+$0xFFFFFFD0];
	[tilespmem:s29+$0xFFFFFFF0] =	vst v5  }
0x98: {  	v5 =	vld [tilespmem:s31+$0xFFFFFFE0];
	[tilespmem:s29+$0xFFFFFF90] =	vst v4  }
0x99: {  	v4 =	vadd.s32 $0x4000, v0;
	v7 =	vld [tilespmem:s31+$0xFFFFFFF0]  }
0x9a: {  	v8 =	vld [tilespmem:s31+$0xFFFFFF90];
	v9 =	vadd.s32 $0x4000, v1  }
0x9b: {  	v10 =	vadd.s32 $0x4000, v2;
	v11 =	vld.idx.msk [tilespmem:v6+s3+$0x0], $0xffff  }
0x9c: {  	v0 =	vld.idx.msk [tilespmem:v0+s3+$0x0], $0xffff;
	v12 =	vadd.s32 $0x4000, v3  }
0x9d: {  	v6 =	vadd.s32 $0x4000, v6;
	v1 =	vld.idx.msk [tilespmem:v1+s3+$0x0], $0xffff;
	v13 =	vadd.s32 $0x4000, v5  }
0x9e: {  	v2 =	vld.idx.msk [tilespmem:v2+s3+$0x0], $0xffff;
	v14 =	vadd.s32 $0x4000, v7  }
0x9f: {  	v15 =	vadd.s32 $0x4000, v8;
	v3 =	vld.idx.msk [tilespmem:v3+s3+$0x0], $0xffff  }
0xa0: {  	s29 =	sadd.s32 $0x80, s29;
	v5 =	vld.idx.msk [tilespmem:v5+s3+$0x0], $0xffff  }
0xa1: {  	v7 =	vld.idx.msk [tilespmem:v7+s3+$0x0], $0xffff;
	[tilespmem:s29+$0xFFFFF800] =	vst v11  }
0xa2: {  	[tilespmem:s29+$0xFFFFF7A0] =	vst v0;
	v6 =	vld.idx.msk [tilespmem:v6+s3+$0x0], $0xffff  }
0xa3: {  	v8 =	vld.idx.msk [tilespmem:v8+s3+$0x0], $0xffff;
	[tilespmem:s29+$0xFFFFF7B0] =	vst v1  }
0xa4: {  	v11 =	vld.idx.msk [tilespmem:v4+s3+$0x0], $0xffff;
	[tilespmem:s29+$0xFFFFF7C0] =	vst v2  }
0xa5: {  	v0 =	vld.idx.msk [tilespmem:v9+s3+$0x0], $0xffff;
	[tilespmem:s29+$0xFFFFF7D0] =	vst v3  }
.Ltmp1:
0xa6: {  	v1 =	vld.idx.msk [tilespmem:v10+s3+$0x0], $0xffff;
	[tilespmem:s29+$0xFFFFF7E0] =	vst v5;
	(pc) =	sbr.rel @p2 .LBB2_5-.Ltmp1, $4  }
0xa7: {  	v2 =	vld.idx.msk [tilespmem:v12+s3+$0x0], $0xffff;
	[tilespmem:s29+$0xFFFFF7F0] =	vst v7  }
0xa8: {  	v3 =	vld.idx.msk [tilespmem:v13+s3+$0x0], $0xffff;
	[tilespmem:s29+$0x0] =	vst v6  }
0xa9: {  	[tilespmem:s29+$0xFFFFF790] =	vst v8;
	v5 =	vld.idx.msk [tilespmem:v14+s3+$0x0], $0xffff  }
0xaa: {  	s31 =	sadd.s32 $0x80, s31;
	v4 =	vld.idx.msk [tilespmem:v15+s3+$0x0], $0xffff;
	[tilespmem:s29+$0xFFFFFFA0] =	vst v11  }
0xab: {  	[tilespmem:s29+$0xFFFFFFB0] =	vst v0  }
0xac: {  	[tilespmem:s29+$0xFFFFFFC0] =	vst v1  }
0xad: {  	s30 =	sor.u32 $0x800, s28;
	[tilespmem:s29+$0xFFFFFFD0] =	vst v2  }
0xae: {  	s31 =	sor.u32 s5, s30;
	[tilespmem:s29+$0xFFFFFFE0] =	vst v3  }
0xaf: {  	s31 =	sshrl.u32 s31, $0x3;
	[tilespmem:s29+$0xFFFFFFF0] =	vst v5  }
0xb0: {  	s0 =	simm.s32 $0xD000;
	[tilespmem:s29+$0xFFFFFF90] =	vst v4;
	s29 =	sadd.s32 s2, s31  }
0xb1: {  	[hbm4b:s29+s3] =	stream.linear.scatter [tilespmem:s0], [sflag:$0x2], $0x800, $0x38;
	[tilespmem:$0x14000] =	vst v63  }
0xb2: {  	s29 =	sor.u32 s15, s30  }
0xb3: {  	s29 =	sshrl.u32 s29, $0x3  }
0xb4: {  	s0 =	simm.s32 $0xD800;
	s29 =	sadd.s32 s2, s29  }
0xb5: {  	[hbm4b:s29+s3] =	stream.linear.scatter [tilespmem:s0], [sflag:$0x2], $0x800, $0x38;
	[tilespmem:$0x14000] =	vst v63  }
0xb6: {  	_ =	swait.ge [sflag:s25], $0x800  }
0xb7: {  	s31 =	simm.s32 @!p0 $0x9000;
	[sflag:s25] =	ssyncset.done $0x0  }
0xb8: {  	s30 =	simm.s32 @!p0 $0x0;
	s29 =	sadd.s32 @!p0 s26, s17;
	[sflag:s25] =	ssyncadd.s32 $0xFFFFF800  }
0xb9: {  	[tilespmem:s31], [sflag:$0x1] =	stream.linear.gather @!p0 [hbm4b:s29+s30], $0x800, $0x38;
	[tilespmem:$0x14000] =	vst v63  }
0xba: {  	_ =	swait.ge @p1 [sflag:s23], $0x800  }
0xbb: {  	[sflag:s23] =	ssyncset.done @p1 $0x0  }
0xbc: {  	[sflag:s23] =	ssyncadd.s32 @p1 $0xFFFFF800  }
0xbd: {  	_ =	swait.ge @p1 [sflag:s23], $0x800  }
0xbe: {  	[sflag:s23] =	ssyncset.done @p1 $0x0  }
0xbf: {  	s29 =	simm.s32 $0x9070;
	[sflag:s23] =	ssyncadd.s32 @p1 $0xFFFFF800  }
0xc0: {  	v0 =	vld [tilespmem:s29+$0x0]  }
0xc1: {  	v1 =	vld [tilespmem:s29+$0xFFFFFFA0]  }
0xc2: {  	v2 =	vld [tilespmem:s29+$0xFFFFFFB0]  }
0xc3: {  	v3 =	vld [tilespmem:s29+$0xFFFFFFC0]  }
0xc4: {  	v4 =	vld [tilespmem:s29+$0xFFFFFFD0]  }
0xc5: {  	v5 =	vld [tilespmem:s29+$0xFFFFFFE0]  }
0xc6: {  	v6 =	vld [tilespmem:s29+$0xFFFFFFF0]  }
0xc7: {  	v7 =	vld [tilespmem:s29+$0xFFFFFF90]  }
0xc8: {  	v8 =	vld.idx.msk [tilespmem:v0+s3+$0x0], $0xffff  }
0xc9: {  	v9 =	vld.idx.msk [tilespmem:v1+s3+$0x0], $0xffff  }
0xca: {  	v10 =	vld.idx.msk [tilespmem:v2+s3+$0x0], $0xffff  }
0xcb: {  	v0 =	vadd.s32 $0x4000, v0;
	v11 =	vld.idx.msk [tilespmem:v3+s3+$0x0], $0xffff  }
0xcc: {  	v1 =	vadd.s32 $0x4000, v1;
	v12 =	vld.idx.msk [tilespmem:v4+s3+$0x0], $0xffff  }
0xcd: {  	s29 =	simm.s32 $0xE870;
	v2 =	vadd.s32 $0x4000, v2;
	v13 =	vld.idx.msk [tilespmem:v5+s3+$0x0], $0xffff  }
0xce: {  	v3 =	vadd.s32 $0x4000, v3;
	v14 =	vld.idx.msk [tilespmem:v6+s3+$0x0], $0xffff;
	[tilespmem:s29+$0xFFFFF800] =	vst v8  }
0xcf: {  	v4 =	vadd.s32 $0x4000, v4;
	v62 =	vld.idx.msk [tilespmem:v7+s3+$0x0], $0xffff;
	[tilespmem:s29+$0xFFFFF7A0] =	vst v9  }
0xd0: {  	v5 =	vadd.s32 $0x4000, v5;
	[tilespmem:s29+$0xFFFFF7B0] =	vst v10;
	v8 =	vld.idx.msk [tilespmem:v0+s3+$0x0], $0xffff  }
0xd1: {  	v6 =	vadd.s32 $0x4000, v6;
	[tilespmem:s29+$0xFFFFF7C0] =	vst v11;
	v63 =	vld.idx.msk [tilespmem:v1+s3+$0x0], $0xffff  }
0xd2: {  	v7 =	vadd.s32 $0x4000, v7;
	[tilespmem:s29+$0xFFFFF7D0] =	vst v12;
	v0 =	vld.idx.msk [tilespmem:v2+s3+$0x0], $0xffff  }
0xd3: {  	[tilespmem:s29+$0xFFFFF7E0] =	vst v13;
	v1 =	vld.idx.msk [tilespmem:v3+s3+$0x0], $0xffff  }
0xd4: {  	[tilespmem:s29+$0xFFFFF7F0] =	vst v14;
	v2 =	vld.idx.msk [tilespmem:v4+s3+$0x0], $0xffff  }
0xd5: {  	[tilespmem:s29+$0xFFFFF790] =	vst v62;
	v3 =	vld.idx.msk [tilespmem:v5+s3+$0x0], $0xffff  }
0xd6: {  	v5 =	vld.idx.msk [tilespmem:v6+s3+$0x0], $0xffff;
	[tilespmem:s29+$0x0] =	vst v8  }
0xd7: {  	s30 =	simm.s32 $0x0;
	s31 =	simm.s32 $0x90F0;
	v4 =	vld.idx.msk [tilespmem:v7+s3+$0x0], $0xffff;
	[tilespmem:s29+$0xFFFFFFA0] =	vst v63  }
.LBB2_7:
0xd8: {  	v6 =	vld [tilespmem:s31+$0x0];
	s30 =	sadd.s32 $0x8, s30;
	[tilespmem:s29+$0xFFFFFFB0] =	vst v0  }
0xd9: {  	v0 =	vld [tilespmem:s31+$0xFFFFFFA0];
	p2 =	slt.u32 s30, $0x78;
	[tilespmem:s29+$0xFFFFFFC0] =	vst v1  }
0xda: {  	v1 =	vld [tilespmem:s31+$0xFFFFFFB0];
	[tilespmem:s29+$0xFFFFFFD0] =	vst v2  }
0xdb: {  	v2 =	vld [tilespmem:s31+$0xFFFFFFC0];
	[tilespmem:s29+$0xFFFFFFE0] =	vst v3  }
0xdc: {  	v3 =	vld [tilespmem:s31+$0xFFFFFFD0];
	[tilespmem:s29+$0xFFFFFFF0] =	vst v5  }
0xdd: {  	v5 =	vld [tilespmem:s31+$0xFFFFFFE0];
	[tilespmem:s29+$0xFFFFFF90] =	vst v4  }
0xde: {  	v4 =	vadd.s32 $0x4000, v0;
	v7 =	vld [tilespmem:s31+$0xFFFFFFF0]  }
0xdf: {  	v8 =	vld [tilespmem:s31+$0xFFFFFF90];
	v9 =	vadd.s32 $0x4000, v1  }
0xe0: {  	v10 =	vadd.s32 $0x4000, v2;
	v11 =	vld.idx.msk [tilespmem:v6+s3+$0x0], $0xffff  }
0xe1: {  	v0 =	vld.idx.msk [tilespmem:v0+s3+$0x0], $0xffff;
	v12 =	vadd.s32 $0x4000, v3  }
0xe2: {  	v6 =	vadd.s32 $0x4000, v6;
	v1 =	vld.idx.msk [tilespmem:v1+s3+$0x0], $0xffff;
	v13 =	vadd.s32 $0x4000, v5  }
0xe3: {  	v2 =	vld.idx.msk [tilespmem:v2+s3+$0x0], $0xffff;
	v14 =	vadd.s32 $0x4000, v7  }
0xe4: {  	v15 =	vadd.s32 $0x4000, v8;
	v3 =	vld.idx.msk [tilespmem:v3+s3+$0x0], $0xffff  }
0xe5: {  	s29 =	sadd.s32 $0x80, s29;
	v5 =	vld.idx.msk [tilespmem:v5+s3+$0x0], $0xffff  }
0xe6: {  	v7 =	vld.idx.msk [tilespmem:v7+s3+$0x0], $0xffff;
	[tilespmem:s29+$0xFFFFF800] =	vst v11  }
0xe7: {  	[tilespmem:s29+$0xFFFFF7A0] =	vst v0;
	v6 =	vld.idx.msk [tilespmem:v6+s3+$0x0], $0xffff  }
0xe8: {  	v8 =	vld.idx.msk [tilespmem:v8+s3+$0x0], $0xffff;
	[tilespmem:s29+$0xFFFFF7B0] =	vst v1  }
0xe9: {  	v11 =	vld.idx.msk [tilespmem:v4+s3+$0x0], $0xffff;
	[tilespmem:s29+$0xFFFFF7C0] =	vst v2  }
0xea: {  	v0 =	vld.idx.msk [tilespmem:v9+s3+$0x0], $0xffff;
	[tilespmem:s29+$0xFFFFF7D0] =	vst v3  }
.Ltmp2:
0xeb: {  	v1 =	vld.idx.msk [tilespmem:v10+s3+$0x0], $0xffff;
	[tilespmem:s29+$0xFFFFF7E0] =	vst v5;
	(pc) =	sbr.rel @p2 .LBB2_7-.Ltmp2, $4  }
0xec: {  	v2 =	vld.idx.msk [tilespmem:v12+s3+$0x0], $0xffff;
	[tilespmem:s29+$0xFFFFF7F0] =	vst v7  }
0xed: {  	v3 =	vld.idx.msk [tilespmem:v13+s3+$0x0], $0xffff;
	[tilespmem:s29+$0x0] =	vst v6  }
0xee: {  	[tilespmem:s29+$0xFFFFF790] =	vst v8;
	v5 =	vld.idx.msk [tilespmem:v14+s3+$0x0], $0xffff  }
0xef: {  	s31 =	sadd.s32 $0x80, s31;
	v4 =	vld.idx.msk [tilespmem:v15+s3+$0x0], $0xffff;
	[tilespmem:s29+$0xFFFFFFA0] =	vst v11  }
0xf0: {  	[tilespmem:s29+$0xFFFFFFB0] =	vst v0  }
0xf1: {  	[tilespmem:s29+$0xFFFFFFC0] =	vst v1  }
0xf2: {  	s30 =	sor.u32 $0x1000, s28;
	[tilespmem:s29+$0xFFFFFFD0] =	vst v2  }
0xf3: {  	s31 =	sor.u32 s5, s30;
	[tilespmem:s29+$0xFFFFFFE0] =	vst v3  }
0xf4: {  	s31 =	sshrl.u32 s31, $0x3;
	[tilespmem:s29+$0xFFFFFFF0] =	vst v5  }
0xf5: {  	s0 =	simm.s32 $0xE000;
	[tilespmem:s29+$0xFFFFFF90] =	vst v4;
	s29 =	sadd.s32 s2, s31  }
0xf6: {  	[hbm4b:s29+s3] =	stream.linear.scatter [tilespmem:s0], [sflag:$0x2], $0x800, $0x38;
	[tilespmem:$0x14000] =	vst v63  }
0xf7: {  	s29 =	sor.u32 s15, s30  }
0xf8: {  	s29 =	sshrl.u32 s29, $0x3  }
0xf9: {  	s0 =	simm.s32 $0xE800;
	s29 =	sadd.s32 s2, s29  }
0xfa: {  	[hbm4b:s29+s3] =	stream.linear.scatter [tilespmem:s0], [sflag:$0x2], $0x800, $0x38;
	[tilespmem:$0x14000] =	vst v63  }
0xfb: {  	_ =	swait.ge [sflag:s25], $0x800  }
0xfc: {  	s31 =	simm.s32 @!p0 $0x9800;
	[sflag:s25] =	ssyncset.done $0x0  }
0xfd: {  	s30 =	simm.s32 @!p0 $0x0;
	s29 =	sadd.s32 @!p0 s26, s18;
	[sflag:s25] =	ssyncadd.s32 $0xFFFFF800  }
0xfe: {  	[tilespmem:s31], [sflag:$0x1] =	stream.linear.gather @!p0 [hbm4b:s29+s30], $0x800, $0x38;
	[tilespmem:$0x14000] =	vst v63  }
0xff: {  	_ =	swait.ge @p1 [sflag:s23], $0x800  }
0x100: {  	[sflag:s23] =	ssyncset.done @p1 $0x0  }
0x101: {  	[sflag:s23] =	ssyncadd.s32 @p1 $0xFFFFF800  }
0x102: {  	_ =	swait.ge @p1 [sflag:s23], $0x800  }
0x103: {  	[sflag:s23] =	ssyncset.done @p1 $0x0  }
0x104: {  	s29 =	simm.s32 $0x9870;
	[sflag:s23] =	ssyncadd.s32 @p1 $0xFFFFF800  }
0x105: {  	v0 =	vld [tilespmem:s29+$0x0]  }
0x106: {  	v1 =	vld [tilespmem:s29+$0xFFFFFFA0]  }
0x107: {  	v2 =	vld [tilespmem:s29+$0xFFFFFFB0]  }
0x108: {  	v3 =	vld [tilespmem:s29+$0xFFFFFFC0]  }
0x109: {  	v4 =	vld [tilespmem:s29+$0xFFFFFFD0]  }
0x10a: {  	v5 =	vld [tilespmem:s29+$0xFFFFFFE0]  }
0x10b: {  	v6 =	vld [tilespmem:s29+$0xFFFFFFF0]  }
0x10c: {  	v7 =	vld [tilespmem:s29+$0xFFFFFF90]  }
0x10d: {  	v8 =	vld.idx.msk [tilespmem:v0+s3+$0x0], $0xffff  }
0x10e: {  	v9 =	vld.idx.msk [tilespmem:v1+s3+$0x0], $0xffff  }
0x10f: {  	v10 =	vld.idx.msk [tilespmem:v2+s3+$0x0], $0xffff  }
0x110: {  	v0 =	vadd.s32 $0x4000, v0;
	v11 =	vld.idx.msk [tilespmem:v3+s3+$0x0], $0xffff  }
0x111: {  	v1 =	vadd.s32 $0x4000, v1;
	v12 =	vld.idx.msk [tilespmem:v4+s3+$0x0], $0xffff  }
0x112: {  	s29 =	simm.s32 $0xF870;
	v2 =	vadd.s32 $0x4000, v2;
	v13 =	vld.idx.msk [tilespmem:v5+s3+$0x0], $0xffff  }
0x113: {  	v3 =	vadd.s32 $0x4000, v3;
	v14 =	vld.idx.msk [tilespmem:v6+s3+$0x0], $0xffff;
	[tilespmem:s29+$0xFFFFF800] =	vst v8  }
0x114: {  	v4 =	vadd.s32 $0x4000, v4;
	v62 =	vld.idx.msk [tilespmem:v7+s3+$0x0], $0xffff;
	[tilespmem:s29+$0xFFFFF7A0] =	vst v9  }
0x115: {  	v5 =	vadd.s32 $0x4000, v5;
	[tilespmem:s29+$0xFFFFF7B0] =	vst v10;
	v8 =	vld.idx.msk [tilespmem:v0+s3+$0x0], $0xffff  }
0x116: {  	v6 =	vadd.s32 $0x4000, v6;
	[tilespmem:s29+$0xFFFFF7C0] =	vst v11;
	v63 =	vld.idx.msk [tilespmem:v1+s3+$0x0], $0xffff  }
0x117: {  	v7 =	vadd.s32 $0x4000, v7;
	[tilespmem:s29+$0xFFFFF7D0] =	vst v12;
	v0 =	vld.idx.msk [tilespmem:v2+s3+$0x0], $0xffff  }
0x118: {  	[tilespmem:s29+$0xFFFFF7E0] =	vst v13;
	v1 =	vld.idx.msk [tilespmem:v3+s3+$0x0], $0xffff  }
0x119: {  	[tilespmem:s29+$0xFFFFF7F0] =	vst v14;
	v2 =	vld.idx.msk [tilespmem:v4+s3+$0x0], $0xffff  }
0x11a: {  	[tilespmem:s29+$0xFFFFF790] =	vst v62;
	v3 =	vld.idx.msk [tilespmem:v5+s3+$0x0], $0xffff  }
0x11b: {  	v5 =	vld.idx.msk [tilespmem:v6+s3+$0x0], $0xffff;
	[tilespmem:s29+$0x0] =	vst v8  }
0x11c: {  	s30 =	simm.s32 $0x0;
	s31 =	simm.s32 $0x98F0;
	v4 =	vld.idx.msk [tilespmem:v7+s3+$0x0], $0xffff;
	[tilespmem:s29+$0xFFFFFFA0] =	vst v63  }
.LBB2_9:
0x11d: {  	v6 =	vld [tilespmem:s31+$0x0];
	s30 =	sadd.s32 $0x8, s30;
	[tilespmem:s29+$0xFFFFFFB0] =	vst v0  }
0x11e: {  	v0 =	vld [tilespmem:s31+$0xFFFFFFA0];
	p2 =	slt.u32 s30, $0x78;
	[tilespmem:s29+$0xFFFFFFC0] =	vst v1  }
0x11f: {  	v1 =	vld [tilespmem:s31+$0xFFFFFFB0];
	[tilespmem:s29+$0xFFFFFFD0] =	vst v2  }
0x120: {  	v2 =	vld [tilespmem:s31+$0xFFFFFFC0];
	[tilespmem:s29+$0xFFFFFFE0] =	vst v3  }
0x121: {  	v3 =	vld [tilespmem:s31+$0xFFFFFFD0];
	[tilespmem:s29+$0xFFFFFFF0] =	vst v5  }
0x122: {  	v5 =	vld [tilespmem:s31+$0xFFFFFFE0];
	[tilespmem:s29+$0xFFFFFF90] =	vst v4  }
0x123: {  	v4 =	vadd.s32 $0x4000, v0;
	v7 =	vld [tilespmem:s31+$0xFFFFFFF0]  }
0x124: {  	v8 =	vld [tilespmem:s31+$0xFFFFFF90];
	v9 =	vadd.s32 $0x4000, v1  }
0x125: {  	v10 =	vadd.s32 $0x4000, v2;
	v11 =	vld.idx.msk [tilespmem:v6+s3+$0x0], $0xffff  }
0x126: {  	v0 =	vld.idx.msk [tilespmem:v0+s3+$0x0], $0xffff;
	v12 =	vadd.s32 $0x4000, v3  }
0x127: {  	v6 =	vadd.s32 $0x4000, v6;
	v1 =	vld.idx.msk [tilespmem:v1+s3+$0x0], $0xffff;
	v13 =	vadd.s32 $0x4000, v5  }
0x128: {  	v2 =	vld.idx.msk [tilespmem:v2+s3+$0x0], $0xffff;
	v14 =	vadd.s32 $0x4000, v7  }
0x129: {  	v15 =	vadd.s32 $0x4000, v8;
	v3 =	vld.idx.msk [tilespmem:v3+s3+$0x0], $0xffff  }
0x12a: {  	s29 =	sadd.s32 $0x80, s29;
	v5 =	vld.idx.msk [tilespmem:v5+s3+$0x0], $0xffff  }
0x12b: {  	v7 =	vld.idx.msk [tilespmem:v7+s3+$0x0], $0xffff;
	[tilespmem:s29+$0xFFFFF800] =	vst v11  }
0x12c: {  	[tilespmem:s29+$0xFFFFF7A0] =	vst v0;
	v6 =	vld.idx.msk [tilespmem:v6+s3+$0x0], $0xffff  }
0x12d: {  	v8 =	vld.idx.msk [tilespmem:v8+s3+$0x0], $0xffff;
	[tilespmem:s29+$0xFFFFF7B0] =	vst v1  }
0x12e: {  	v11 =	vld.idx.msk [tilespmem:v4+s3+$0x0], $0xffff;
	[tilespmem:s29+$0xFFFFF7C0] =	vst v2  }
0x12f: {  	v0 =	vld.idx.msk [tilespmem:v9+s3+$0x0], $0xffff;
	[tilespmem:s29+$0xFFFFF7D0] =	vst v3  }
.Ltmp3:
0x130: {  	v1 =	vld.idx.msk [tilespmem:v10+s3+$0x0], $0xffff;
	[tilespmem:s29+$0xFFFFF7E0] =	vst v5;
	(pc) =	sbr.rel @p2 .LBB2_9-.Ltmp3, $4  }
0x131: {  	v2 =	vld.idx.msk [tilespmem:v12+s3+$0x0], $0xffff;
	[tilespmem:s29+$0xFFFFF7F0] =	vst v7  }
0x132: {  	v3 =	vld.idx.msk [tilespmem:v13+s3+$0x0], $0xffff;
	[tilespmem:s29+$0x0] =	vst v6  }
0x133: {  	[tilespmem:s29+$0xFFFFF790] =	vst v8;
	v5 =	vld.idx.msk [tilespmem:v14+s3+$0x0], $0xffff  }
0x134: {  	s31 =	sadd.s32 $0x80, s31;
	v4 =	vld.idx.msk [tilespmem:v15+s3+$0x0], $0xffff;
	[tilespmem:s29+$0xFFFFFFA0] =	vst v11  }
0x135: {  	[tilespmem:s29+$0xFFFFFFB0] =	vst v0  }
0x136: {  	[tilespmem:s29+$0xFFFFFFC0] =	vst v1  }
0x137: {  	s30 =	sor.u32 $0x1800, s28;
	[tilespmem:s29+$0xFFFFFFD0] =	vst v2  }
0x138: {  	s31 =	sor.u32 s5, s30;
	[tilespmem:s29+$0xFFFFFFE0] =	vst v3  }
0x139: {  	s31 =	sshrl.u32 s31, $0x3;
	[tilespmem:s29+$0xFFFFFFF0] =	vst v5  }
0x13a: {  	[tilespmem:s29+$0xFFFFFF90] =	vst v4;
	s29 =	sadd.s32 s2, s31  }
0x13b: {  	[hbm4b:s29+s3] =	stream.linear.scatter [tilespmem:s1], [sflag:$0x2], $0x800, $0x38;
	[tilespmem:$0x14000] =	vst v63  }
0x13c: {  	s29 =	sor.u32 s15, s30  }
0x13d: {  	s29 =	sshrl.u32 s29, $0x3  }
0x13e: {  	s29 =	sadd.s32 s2, s29  }
0x13f: {  	[hbm4b:s29+s3] =	stream.linear.scatter [tilespmem:s4], [sflag:$0x2], $0x800, $0x38;
	[tilespmem:$0x14000] =	vst v63  }
0x140: {  	_ =	swait.ge [sflag:s25], $0x800  }
0x141: {  	s31 =	simm.s32 @!p0 $0xA000;
	[sflag:s25] =	ssyncset.done $0x0  }
0x142: {  	s30 =	simm.s32 @!p0 $0x0;
	s29 =	sadd.s32 @!p0 s26, s19;
	[sflag:s25] =	ssyncadd.s32 $0xFFFFF800  }
0x143: {  	[tilespmem:s31], [sflag:$0x1] =	stream.linear.gather @!p0 [hbm4b:s29+s30], $0x800, $0x38;
	[tilespmem:$0x14000] =	vst v63  }
0x144: {  	_ =	swait.ge @p1 [sflag:s23], $0x800  }
0x145: {  	[sflag:s23] =	ssyncset.done @p1 $0x0  }
0x146: {  	[sflag:s23] =	ssyncadd.s32 @p1 $0xFFFFF800  }
0x147: {  	_ =	swait.ge @p1 [sflag:s23], $0x800  }
0x148: {  	[sflag:s23] =	ssyncset.done @p1 $0x0  }
0x149: {  	s29 =	simm.s32 $0x0;
	[sflag:s23] =	ssyncadd.s32 @p1 $0xFFFFF800  }
0x14a: {  	v0 =	vld [tilespmem:s29+$0xA070];
	_ =	sdelay $0x1  }
0x14b: {  	v1 =	vld [tilespmem:s29+$0xA000]  }
0x14c: {  	v2 =	vld [tilespmem:s29+$0xA010]  }
0x14d: {  	v3 =	vld [tilespmem:s29+$0xA020]  }
0x14e: {  	v4 =	vld [tilespmem:s29+$0xA030]  }
0x14f: {  	v5 =	vld [tilespmem:s29+$0xA040]  }
0x150: {  	v6 =	vld [tilespmem:s29+$0xA050]  }
0x151: {  	v8 =	vld.idx.msk [tilespmem:v0+s3+$0x0], $0xffff  }
0x152: {  	v7 =	vld [tilespmem:s29+$0xA060];
	v0 =	vadd.s32 $0x4000, v0  }
0x153: {  	v9 =	vld.idx.msk [tilespmem:v1+s3+$0x0], $0xffff  }
0x154: {  	v10 =	vld.idx.msk [tilespmem:v2+s3+$0x0], $0xffff  }
0x155: {  	v11 =	vld.idx.msk [tilespmem:v3+s3+$0x0], $0xffff  }
0x156: {  	v1 =	vadd.s32 $0x4000, v1;
	v12 =	vld.idx.msk [tilespmem:v4+s3+$0x0], $0xffff;
	[tilespmem:s29+$0x10070] =	vst v8  }
0x157: {  	v2 =	vadd.s32 $0x4000, v2;
	v0 =	vld.idx.msk [tilespmem:v0+s3+$0x0], $0xffff  }
0x158: {  	v14 =	vadd.s32 $0x4000, v3;
	v13 =	vld.idx.msk [tilespmem:v5+s3+$0x0], $0xffff  }
0x159: {  	v15 =	vld.idx.msk [tilespmem:v6+s3+$0x0], $0xffff;
	v4 =	vadd.s32 $0x4000, v4;
	[tilespmem:s29+$0x10000] =	vst v9  }
0x15a: {  	v5 =	vadd.s32 $0x4000, v5;
	[tilespmem:s29+$0x10010] =	vst v10;
	v8 =	vld.idx.msk [tilespmem:v7+s3+$0x0], $0xffff  }
0x15b: {  	v6 =	vadd.s32 $0x4000, v6;
	[tilespmem:s29+$0x10020] =	vst v11;
	v3 =	vld.idx.msk [tilespmem:v1+s3+$0x0], $0xffff  }
0x15c: {  	v1 =	vld.idx.msk [tilespmem:v2+s3+$0x0], $0xffff;
	[tilespmem:s29+$0x10870] =	vst v0;
	v0 =	vadd.s32 $0x4000, v7  }
0x15d: {  	[tilespmem:s29+$0x10030] =	vst v12;
	v2 =	vld.idx.msk [tilespmem:v14+s3+$0x0], $0xffff  }
0x15e: {  	[tilespmem:s29+$0x10040] =	vst v13;
	v4 =	vld.idx.msk [tilespmem:v4+s3+$0x0], $0xffff  }
0x15f: {  	[tilespmem:s29+$0x10050] =	vst v15;
	v5 =	vld.idx.msk [tilespmem:v5+s3+$0x0], $0xffff  }
0x160: {  	s30 =	simm.s32 $0x0;
	s31 =	simm.s32 $0x200;
	v6 =	vld.idx.msk [tilespmem:v6+s3+$0x0], $0xffff;
	[tilespmem:s29+$0x10060] =	vst v8  }
.LBB2_11:
0x161: {  	s0 =	sshra.s32 s31, $0x2;
	s30 =	sadd.s32 $0x8, s30;
	[tilespmem:s29+$0x10800] =	vst v3;
	v0 =	vld.idx.msk [tilespmem:v0+s3+$0x0], $0xffff  }
0x162: {  	v3 =	vld [tilespmem:s0+$0xA070];
	p2 =	slt.u32 s30, $0x78;
	[tilespmem:s29+$0x10810] =	vst v1  }
0x163: {  	v1 =	vld [tilespmem:s0+$0xA000];
	[tilespmem:s29+$0x10820] =	vst v2  }
0x164: {  	v2 =	vld [tilespmem:s0+$0xA010];
	[tilespmem:s29+$0x10830] =	vst v4  }
0x165: {  	v4 =	vld [tilespmem:s0+$0xA020];
	[tilespmem:s29+$0x10840] =	vst v5  }
0x166: {  	v5 =	vld [tilespmem:s0+$0xA030];
	[tilespmem:s29+$0x10850] =	vst v6  }
0x167: {  	v6 =	vld [tilespmem:s0+$0xA040];
	[tilespmem:s29+$0x10860] =	vst v0;
	s29 =	smov.u32 s0  }
0x168: {  	v7 =	vadd.s32 $0x4000, v1;
	v8 =	vld [tilespmem:s29+$0xA050]  }
0x169: {  	v9 =	vadd.s32 $0x4000, v2;
	v10 =	vld [tilespmem:s29+$0xA060]  }
0x16a: {  	v11 =	vadd.s32 $0x4000, v4;
	v12 =	vld.idx.msk [tilespmem:v3+s3+$0x0], $0xffff  }
0x16b: {  	v1 =	vld.idx.msk [tilespmem:v1+s3+$0x0], $0xffff;
	v13 =	vadd.s32 $0x4000, v5  }
0x16c: {  	v3 =	vadd.s32 $0x4000, v3;
	v2 =	vld.idx.msk [tilespmem:v2+s3+$0x0], $0xffff;
	v14 =	vadd.s32 $0x4000, v6  }
0x16d: {  	v4 =	vld.idx.msk [tilespmem:v4+s3+$0x0], $0xffff;
	v15 =	vadd.s32 $0x4000, v8  }
0x16e: {  	v5 =	vld.idx.msk [tilespmem:v5+s3+$0x0], $0xffff;
	v0 =	vadd.s32 $0x4000, v10  }
0x16f: {  	v6 =	vld.idx.msk [tilespmem:v6+s3+$0x0], $0xffff  }
0x170: {  	v8 =	vld.idx.msk [tilespmem:v8+s3+$0x0], $0xffff;
	[tilespmem:s29+$0x10070] =	vst v12  }
0x171: {  	[tilespmem:s29+$0x10000] =	vst v1;
	v12 =	vld.idx.msk [tilespmem:v3+s3+$0x0], $0xffff  }
0x172: {  	[tilespmem:s29+$0x10010] =	vst v2;
	v10 =	vld.idx.msk [tilespmem:v10+s3+$0x0], $0xffff  }
0x173: {  	v3 =	vld.idx.msk [tilespmem:v7+s3+$0x0], $0xffff;
	[tilespmem:s29+$0x10020] =	vst v4  }
.Ltmp4:
0x174: {  	v1 =	vld.idx.msk [tilespmem:v9+s3+$0x0], $0xffff;
	[tilespmem:s29+$0x10030] =	vst v5;
	(pc) =	sbr.rel @p2 .LBB2_11-.Ltmp4, $4  }
0x175: {  	v2 =	vld.idx.msk [tilespmem:v11+s3+$0x0], $0xffff;
	[tilespmem:s29+$0x10040] =	vst v6  }
0x176: {  	v4 =	vld.idx.msk [tilespmem:v13+s3+$0x0], $0xffff;
	[tilespmem:s29+$0x10050] =	vst v8  }
0x177: {  	v5 =	vld.idx.msk [tilespmem:v14+s3+$0x0], $0xffff;
	[tilespmem:s29+$0x10870] =	vst v12  }
0x178: {  	s31 =	sadd.s32 $0x200, s31;
	v6 =	vld.idx.msk [tilespmem:v15+s3+$0x0], $0xffff;
	[tilespmem:s29+$0x10060] =	vst v10  }
0x179: {  	_ =	sdelay $0x2  }
0x17a: {  	[tilespmem:s29+$0x10800] =	vst v3  }
0x17b: {  	v0 =	vld.idx.msk [tilespmem:v0+s3+$0x0], $0xffff;
	[tilespmem:s29+$0x10810] =	vst v1  }
0x17c: {  	[tilespmem:s29+$0x10820] =	vst v2  }
0x17d: {  	s0 =	sor.u32 $0x2000, s28;
	[tilespmem:s29+$0x10830] =	vst v4  }
0x17e: {  	s30 =	sor.u32 s5, s0;
	[tilespmem:s29+$0x10840] =	vst v5  }
0x17f: {  	s0 =	sor.u32 s15, s0;
	s30 =	sshrl.u32 s30, $0x3;
	[tilespmem:s29+$0x10850] =	vst v6  }
0x180: {  	s0 =	sshrl.u32 s0, $0x3;
	[tilespmem:s29+$0x10860] =	vst v0;
	s29 =	sadd.s32 s2, s30  }
0x181: {  	[hbm4b:s29+s3] =	stream.linear.scatter [tilespmem:s6], [sflag:$0x2], $0x800, $0x38;
	[tilespmem:$0x14000] =	vst v63  }
0x182: {  	s0 =	sadd.s32 s2, s0  }
0x183: {  	[hbm4b:s0+s3] =	stream.linear.scatter [tilespmem:s7], [sflag:$0x2], $0x800, $0x38;
	[tilespmem:$0x14000] =	vst v63  }
0x184: {  	_ =	swait.ge [sflag:s25], $0x800  }
0x185: {  	s30 =	simm.s32 @!p0 $0xA800;
	[sflag:s25] =	ssyncset.done $0x0  }
0x186: {  	s29 =	simm.s32 @!p0 $0x0;
	s0 =	sadd.s32 @!p0 s26, s20;
	[sflag:s25] =	ssyncadd.s32 $0xFFFFF800  }
0x187: {  	[tilespmem:s30], [sflag:$0x1] =	stream.linear.gather @!p0 [hbm4b:s0+s29], $0x800, $0x38;
	[tilespmem:$0x14000] =	vst v63  }
0x188: {  	_ =	swait.ge @p1 [sflag:s23], $0x800  }
0x189: {  	[sflag:s23] =	ssyncset.done @p1 $0x0  }
0x18a: {  	[sflag:s23] =	ssyncadd.s32 @p1 $0xFFFFF800  }
0x18b: {  	_ =	swait.ge @p1 [sflag:s23], $0x800  }
0x18c: {  	[sflag:s23] =	ssyncset.done @p1 $0x0  }
0x18d: {  	s29 =	simm.s32 $0x0;
	[sflag:s23] =	ssyncadd.s32 @p1 $0xFFFFF800  }
0x18e: {  	v0 =	vld [tilespmem:s29+$0xA870];
	_ =	sdelay $0x1  }
0x18f: {  	v1 =	vld [tilespmem:s29+$0xA800]  }
0x190: {  	v2 =	vld [tilespmem:s29+$0xA810]  }
0x191: {  	v3 =	vld [tilespmem:s29+$0xA820]  }
0x192: {  	v4 =	vld [tilespmem:s29+$0xA830]  }
0x193: {  	v5 =	vld [tilespmem:s29+$0xA840]  }
0x194: {  	v6 =	vld [tilespmem:s29+$0xA850]  }
0x195: {  	v8 =	vld.idx.msk [tilespmem:v0+s3+$0x0], $0xffff  }
0x196: {  	v7 =	vld [tilespmem:s29+$0xA860];
	v0 =	vadd.s32 $0x4000, v0  }
0x197: {  	v9 =	vld.idx.msk [tilespmem:v1+s3+$0x0], $0xffff  }
0x198: {  	v10 =	vld.idx.msk [tilespmem:v2+s3+$0x0], $0xffff  }
0x199: {  	v11 =	vld.idx.msk [tilespmem:v3+s3+$0x0], $0xffff  }
0x19a: {  	v1 =	vadd.s32 $0x4000, v1;
	v12 =	vld.idx.msk [tilespmem:v4+s3+$0x0], $0xffff;
	[tilespmem:s29+$0x11070] =	vst v8  }
0x19b: {  	v2 =	vadd.s32 $0x4000, v2;
	v0 =	vld.idx.msk [tilespmem:v0+s3+$0x0], $0xffff  }
0x19c: {  	v14 =	vadd.s32 $0x4000, v3;
	v13 =	vld.idx.msk [tilespmem:v5+s3+$0x0], $0xffff  }
0x19d: {  	v15 =	vld.idx.msk [tilespmem:v6+s3+$0x0], $0xffff;
	v4 =	vadd.s32 $0x4000, v4;
	[tilespmem:s29+$0x11000] =	vst v9  }
0x19e: {  	v5 =	vadd.s32 $0x4000, v5;
	[tilespmem:s29+$0x11010] =	vst v10;
	v8 =	vld.idx.msk [tilespmem:v7+s3+$0x0], $0xffff  }
0x19f: {  	v6 =	vadd.s32 $0x4000, v6;
	[tilespmem:s29+$0x11020] =	vst v11;
	v3 =	vld.idx.msk [tilespmem:v1+s3+$0x0], $0xffff  }
0x1a0: {  	v1 =	vld.idx.msk [tilespmem:v2+s3+$0x0], $0xffff;
	[tilespmem:s29+$0x11870] =	vst v0;
	v0 =	vadd.s32 $0x4000, v7  }
0x1a1: {  	[tilespmem:s29+$0x11030] =	vst v12;
	v2 =	vld.idx.msk [tilespmem:v14+s3+$0x0], $0xffff  }
0x1a2: {  	[tilespmem:s29+$0x11040] =	vst v13;
	v4 =	vld.idx.msk [tilespmem:v4+s3+$0x0], $0xffff  }
0x1a3: {  	[tilespmem:s29+$0x11050] =	vst v15;
	v5 =	vld.idx.msk [tilespmem:v5+s3+$0x0], $0xffff  }
0x1a4: {  	s31 =	simm.s32 $0x200;
	s30 =	simm.s32 $0x0;
	v6 =	vld.idx.msk [tilespmem:v6+s3+$0x0], $0xffff;
	[tilespmem:s29+$0x11060] =	vst v8  }
.LBB2_13:
0x1a5: {  	s0 =	sshra.s32 s31, $0x2;
	s30 =	sadd.s32 $0x8, s30;
	[tilespmem:s29+$0x11800] =	vst v3;
	v0 =	vld.idx.msk [tilespmem:v0+s3+$0x0], $0xffff  }
0x1a6: {  	v3 =	vld [tilespmem:s0+$0xA870];
	p2 =	slt.u32 s30, $0x78;
	[tilespmem:s29+$0x11810] =	vst v1  }
0x1a7: {  	v1 =	vld [tilespmem:s0+$0xA800];
	[tilespmem:s29+$0x11820] =	vst v2  }
0x1a8: {  	v2 =	vld [tilespmem:s0+$0xA810];
	[tilespmem:s29+$0x11830] =	vst v4  }
0x1a9: {  	v4 =	vld [tilespmem:s0+$0xA820];
	[tilespmem:s29+$0x11840] =	vst v5  }
0x1aa: {  	v5 =	vld [tilespmem:s0+$0xA830];
	[tilespmem:s29+$0x11850] =	vst v6  }
0x1ab: {  	v6 =	vld [tilespmem:s0+$0xA840];
	[tilespmem:s29+$0x11860] =	vst v0;
	s29 =	smov.u32 s0  }
0x1ac: {  	v7 =	vadd.s32 $0x4000, v1;
	v8 =	vld [tilespmem:s29+$0xA850]  }
0x1ad: {  	v9 =	vadd.s32 $0x4000, v2;
	v10 =	vld [tilespmem:s29+$0xA860]  }
0x1ae: {  	v11 =	vadd.s32 $0x4000, v4;
	v12 =	vld.idx.msk [tilespmem:v3+s3+$0x0], $0xffff  }
0x1af: {  	v1 =	vld.idx.msk [tilespmem:v1+s3+$0x0], $0xffff;
	v13 =	vadd.s32 $0x4000, v5  }
0x1b0: {  	v3 =	vadd.s32 $0x4000, v3;
	v2 =	vld.idx.msk [tilespmem:v2+s3+$0x0], $0xffff;
	v14 =	vadd.s32 $0x4000, v6  }
0x1b1: {  	v4 =	vld.idx.msk [tilespmem:v4+s3+$0x0], $0xffff;
	v15 =	vadd.s32 $0x4000, v8  }
0x1b2: {  	v5 =	vld.idx.msk [tilespmem:v5+s3+$0x0], $0xffff;
	v0 =	vadd.s32 $0x4000, v10  }
0x1b3: {  	v6 =	vld.idx.msk [tilespmem:v6+s3+$0x0], $0xffff  }
0x1b4: {  	v8 =	vld.idx.msk [tilespmem:v8+s3+$0x0], $0xffff;
	[tilespmem:s29+$0x11070] =	vst v12  }
0x1b5: {  	[tilespmem:s29+$0x11000] =	vst v1;
	v12 =	vld.idx.msk [tilespmem:v3+s3+$0x0], $0xffff  }
0x1b6: {  	[tilespmem:s29+$0x11010] =	vst v2;
	v10 =	vld.idx.msk [tilespmem:v10+s3+$0x0], $0xffff  }
0x1b7: {  	v3 =	vld.idx.msk [tilespmem:v7+s3+$0x0], $0xffff;
	[tilespmem:s29+$0x11020] =	vst v4  }
.Ltmp5:
0x1b8: {  	v1 =	vld.idx.msk [tilespmem:v9+s3+$0x0], $0xffff;
	[tilespmem:s29+$0x11030] =	vst v5;
	(pc) =	sbr.rel @p2 .LBB2_13-.Ltmp5, $4  }
0x1b9: {  	v2 =	vld.idx.msk [tilespmem:v11+s3+$0x0], $0xffff;
	[tilespmem:s29+$0x11040] =	vst v6  }
0x1ba: {  	v4 =	vld.idx.msk [tilespmem:v13+s3+$0x0], $0xffff;
	[tilespmem:s29+$0x11050] =	vst v8  }
0x1bb: {  	v5 =	vld.idx.msk [tilespmem:v14+s3+$0x0], $0xffff;
	[tilespmem:s29+$0x11870] =	vst v12  }
0x1bc: {  	s31 =	sadd.s32 $0x200, s31;
	v6 =	vld.idx.msk [tilespmem:v15+s3+$0x0], $0xffff;
	[tilespmem:s29+$0x11060] =	vst v10  }
0x1bd: {  	_ =	sdelay $0x2  }
0x1be: {  	[tilespmem:s29+$0x11800] =	vst v3  }
0x1bf: {  	v0 =	vld.idx.msk [tilespmem:v0+s3+$0x0], $0xffff;
	[tilespmem:s29+$0x11810] =	vst v1  }
0x1c0: {  	[tilespmem:s29+$0x11820] =	vst v2  }
0x1c1: {  	s0 =	sor.u32 $0x2800, s28;
	[tilespmem:s29+$0x11830] =	vst v4  }
0x1c2: {  	s30 =	sor.u32 s5, s0;
	[tilespmem:s29+$0x11840] =	vst v5  }
0x1c3: {  	s0 =	sor.u32 s15, s0;
	s30 =	sshrl.u32 s30, $0x3;
	[tilespmem:s29+$0x11850] =	vst v6  }
0x1c4: {  	s0 =	sshrl.u32 s0, $0x3;
	[tilespmem:s29+$0x11860] =	vst v0;
	s29 =	sadd.s32 s2, s30  }
0x1c5: {  	[hbm4b:s29+s3] =	stream.linear.scatter [tilespmem:s8], [sflag:$0x2], $0x800, $0x38;
	[tilespmem:$0x14000] =	vst v63  }
0x1c6: {  	s0 =	sadd.s32 s2, s0  }
0x1c7: {  	[hbm4b:s0+s3] =	stream.linear.scatter [tilespmem:s9], [sflag:$0x2], $0x800, $0x38;
	[tilespmem:$0x14000] =	vst v63  }
0x1c8: {  	_ =	swait.ge [sflag:s25], $0x800  }
0x1c9: {  	s30 =	simm.s32 @!p0 $0xB000;
	[sflag:s25] =	ssyncset.done $0x0  }
0x1ca: {  	s29 =	simm.s32 @!p0 $0x0;
	s0 =	sadd.s32 @!p0 s26, s21;
	[sflag:s25] =	ssyncadd.s32 $0xFFFFF800  }
0x1cb: {  	[tilespmem:s30], [sflag:$0x1] =	stream.linear.gather @!p0 [hbm4b:s0+s29], $0x800, $0x38;
	[tilespmem:$0x14000] =	vst v63  }
0x1cc: {  	_ =	swait.ge @p1 [sflag:s23], $0x800  }
0x1cd: {  	[sflag:s23] =	ssyncset.done @p1 $0x0  }
0x1ce: {  	[sflag:s23] =	ssyncadd.s32 @p1 $0xFFFFF800  }
0x1cf: {  	_ =	swait.ge @p1 [sflag:s23], $0x800  }
0x1d0: {  	[sflag:s23] =	ssyncset.done @p1 $0x0  }
0x1d1: {  	s29 =	simm.s32 $0x0;
	[sflag:s23] =	ssyncadd.s32 @p1 $0xFFFFF800  }
0x1d2: {  	v0 =	vld [tilespmem:s29+$0xB070];
	_ =	sdelay $0x1  }
0x1d3: {  	v1 =	vld [tilespmem:s29+$0xB000]  }
0x1d4: {  	v2 =	vld [tilespmem:s29+$0xB010]  }
0x1d5: {  	v3 =	vld [tilespmem:s29+$0xB020]  }
0x1d6: {  	v4 =	vld [tilespmem:s29+$0xB030]  }
0x1d7: {  	v5 =	vld [tilespmem:s29+$0xB040]  }
0x1d8: {  	v6 =	vld [tilespmem:s29+$0xB050]  }
0x1d9: {  	v8 =	vld.idx.msk [tilespmem:v0+s3+$0x0], $0xffff  }
0x1da: {  	v7 =	vld [tilespmem:s29+$0xB060];
	v0 =	vadd.s32 $0x4000, v0  }
0x1db: {  	v9 =	vld.idx.msk [tilespmem:v1+s3+$0x0], $0xffff  }
0x1dc: {  	v10 =	vld.idx.msk [tilespmem:v2+s3+$0x0], $0xffff  }
0x1dd: {  	v11 =	vld.idx.msk [tilespmem:v3+s3+$0x0], $0xffff  }
0x1de: {  	v1 =	vadd.s32 $0x4000, v1;
	v12 =	vld.idx.msk [tilespmem:v4+s3+$0x0], $0xffff;
	[tilespmem:s29+$0x12070] =	vst v8  }
0x1df: {  	v2 =	vadd.s32 $0x4000, v2;
	v0 =	vld.idx.msk [tilespmem:v0+s3+$0x0], $0xffff  }
0x1e0: {  	v14 =	vadd.s32 $0x4000, v3;
	v13 =	vld.idx.msk [tilespmem:v5+s3+$0x0], $0xffff  }
0x1e1: {  	v15 =	vld.idx.msk [tilespmem:v6+s3+$0x0], $0xffff;
	v4 =	vadd.s32 $0x4000, v4;
	[tilespmem:s29+$0x12000] =	vst v9  }
0x1e2: {  	v5 =	vadd.s32 $0x4000, v5;
	[tilespmem:s29+$0x12010] =	vst v10;
	v8 =	vld.idx.msk [tilespmem:v7+s3+$0x0], $0xffff  }
0x1e3: {  	v6 =	vadd.s32 $0x4000, v6;
	[tilespmem:s29+$0x12020] =	vst v11;
	v3 =	vld.idx.msk [tilespmem:v1+s3+$0x0], $0xffff  }
0x1e4: {  	v1 =	vld.idx.msk [tilespmem:v2+s3+$0x0], $0xffff;
	[tilespmem:s29+$0x12870] =	vst v0;
	v0 =	vadd.s32 $0x4000, v7  }
0x1e5: {  	[tilespmem:s29+$0x12030] =	vst v12;
	v2 =	vld.idx.msk [tilespmem:v14+s3+$0x0], $0xffff  }
0x1e6: {  	[tilespmem:s29+$0x12040] =	vst v13;
	v4 =	vld.idx.msk [tilespmem:v4+s3+$0x0], $0xffff  }
0x1e7: {  	[tilespmem:s29+$0x12050] =	vst v15;
	v5 =	vld.idx.msk [tilespmem:v5+s3+$0x0], $0xffff  }
0x1e8: {  	s31 =	simm.s32 $0x200;
	s30 =	simm.s32 $0x0;
	v6 =	vld.idx.msk [tilespmem:v6+s3+$0x0], $0xffff;
	[tilespmem:s29+$0x12060] =	vst v8  }
.LBB2_15:
0x1e9: {  	s0 =	sshra.s32 s31, $0x2;
	s30 =	sadd.s32 $0x8, s30;
	[tilespmem:s29+$0x12800] =	vst v3;
	v0 =	vld.idx.msk [tilespmem:v0+s3+$0x0], $0xffff  }
0x1ea: {  	v3 =	vld [tilespmem:s0+$0xB070];
	p2 =	slt.u32 s30, $0x78;
	[tilespmem:s29+$0x12810] =	vst v1  }
0x1eb: {  	v1 =	vld [tilespmem:s0+$0xB000];
	[tilespmem:s29+$0x12820] =	vst v2  }
0x1ec: {  	v2 =	vld [tilespmem:s0+$0xB010];
	[tilespmem:s29+$0x12830] =	vst v4  }
0x1ed: {  	v4 =	vld [tilespmem:s0+$0xB020];
	[tilespmem:s29+$0x12840] =	vst v5  }
0x1ee: {  	v5 =	vld [tilespmem:s0+$0xB030];
	[tilespmem:s29+$0x12850] =	vst v6  }
0x1ef: {  	v6 =	vld [tilespmem:s0+$0xB040];
	[tilespmem:s29+$0x12860] =	vst v0;
	s29 =	smov.u32 s0  }
0x1f0: {  	v7 =	vadd.s32 $0x4000, v1;
	v8 =	vld [tilespmem:s29+$0xB050]  }
0x1f1: {  	v9 =	vadd.s32 $0x4000, v2;
	v10 =	vld [tilespmem:s29+$0xB060]  }
0x1f2: {  	v11 =	vadd.s32 $0x4000, v4;
	v12 =	vld.idx.msk [tilespmem:v3+s3+$0x0], $0xffff  }
0x1f3: {  	v1 =	vld.idx.msk [tilespmem:v1+s3+$0x0], $0xffff;
	v13 =	vadd.s32 $0x4000, v5  }
0x1f4: {  	v3 =	vadd.s32 $0x4000, v3;
	v2 =	vld.idx.msk [tilespmem:v2+s3+$0x0], $0xffff;
	v14 =	vadd.s32 $0x4000, v6  }
0x1f5: {  	v4 =	vld.idx.msk [tilespmem:v4+s3+$0x0], $0xffff;
	v15 =	vadd.s32 $0x4000, v8  }
0x1f6: {  	v5 =	vld.idx.msk [tilespmem:v5+s3+$0x0], $0xffff;
	v0 =	vadd.s32 $0x4000, v10  }
0x1f7: {  	v6 =	vld.idx.msk [tilespmem:v6+s3+$0x0], $0xffff  }
0x1f8: {  	v8 =	vld.idx.msk [tilespmem:v8+s3+$0x0], $0xffff;
	[tilespmem:s29+$0x12070] =	vst v12  }
0x1f9: {  	[tilespmem:s29+$0x12000] =	vst v1;
	v12 =	vld.idx.msk [tilespmem:v3+s3+$0x0], $0xffff  }
0x1fa: {  	[tilespmem:s29+$0x12010] =	vst v2;
	v10 =	vld.idx.msk [tilespmem:v10+s3+$0x0], $0xffff  }
0x1fb: {  	v3 =	vld.idx.msk [tilespmem:v7+s3+$0x0], $0xffff;
	[tilespmem:s29+$0x12020] =	vst v4  }
.Ltmp6:
0x1fc: {  	v1 =	vld.idx.msk [tilespmem:v9+s3+$0x0], $0xffff;
	[tilespmem:s29+$0x12030] =	vst v5;
	(pc) =	sbr.rel @p2 .LBB2_15-.Ltmp6, $4  }
0x1fd: {  	v2 =	vld.idx.msk [tilespmem:v11+s3+$0x0], $0xffff;
	[tilespmem:s29+$0x12040] =	vst v6  }
0x1fe: {  	v4 =	vld.idx.msk [tilespmem:v13+s3+$0x0], $0xffff;
	[tilespmem:s29+$0x12050] =	vst v8  }
0x1ff: {  	v5 =	vld.idx.msk [tilespmem:v14+s3+$0x0], $0xffff;
	[tilespmem:s29+$0x12870] =	vst v12  }
0x200: {  	s31 =	sadd.s32 $0x200, s31;
	v6 =	vld.idx.msk [tilespmem:v15+s3+$0x0], $0xffff;
	[tilespmem:s29+$0x12060] =	vst v10  }
0x201: {  	_ =	sdelay $0x2  }
0x202: {  	[tilespmem:s29+$0x12800] =	vst v3  }
0x203: {  	v0 =	vld.idx.msk [tilespmem:v0+s3+$0x0], $0xffff;
	[tilespmem:s29+$0x12810] =	vst v1  }
0x204: {  	[tilespmem:s29+$0x12820] =	vst v2  }
0x205: {  	s0 =	sor.u32 $0x3000, s28;
	[tilespmem:s29+$0x12830] =	vst v4  }
0x206: {  	s30 =	sor.u32 s5, s0;
	[tilespmem:s29+$0x12840] =	vst v5  }
0x207: {  	s0 =	sor.u32 s15, s0;
	s30 =	sshrl.u32 s30, $0x3;
	[tilespmem:s29+$0x12850] =	vst v6  }
0x208: {  	s0 =	sshrl.u32 s0, $0x3;
	[tilespmem:s29+$0x12860] =	vst v0;
	s29 =	sadd.s32 s2, s30  }
0x209: {  	[hbm4b:s29+s3] =	stream.linear.scatter [tilespmem:s10], [sflag:$0x2], $0x800, $0x38;
	[tilespmem:$0x14000] =	vst v63  }
0x20a: {  	s0 =	sadd.s32 s2, s0  }
0x20b: {  	[hbm4b:s0+s3] =	stream.linear.scatter [tilespmem:s11], [sflag:$0x2], $0x800, $0x38;
	[tilespmem:$0x14000] =	vst v63  }
0x20c: {  	_ =	swait.ge [sflag:s25], $0x800  }
0x20d: {  	s29 =	simm.s32 @!p0 $0xB800;
	[sflag:s25] =	ssyncset.done $0x0  }
0x20e: {  	s0 =	sadd.s32 @!p0 s26, s22;
	s26 =	simm.s32 @!p0 $0x0;
	[sflag:s25] =	ssyncadd.s32 $0xFFFFF800  }
0x20f: {  	[tilespmem:s29], [sflag:$0x1] =	stream.linear.gather @!p0 [hbm4b:s0+s26], $0x800, $0x38;
	[tilespmem:$0x14000] =	vst v63  }
0x210: {  	_ =	swait.ge @p1 [sflag:s23], $0x800  }
0x211: {  	[sflag:s23] =	ssyncset.done @p1 $0x0  }
0x212: {  	[sflag:s23] =	ssyncadd.s32 @p1 $0xFFFFF800  }
0x213: {  	_ =	swait.ge @p1 [sflag:s23], $0x800  }
0x214: {  	[sflag:s23] =	ssyncset.done @p1 $0x0  }
0x215: {  	s26 =	simm.s32 $0x0;
	[sflag:s23] =	ssyncadd.s32 @p1 $0xFFFFF800  }
0x216: {  	v0 =	vld [tilespmem:s26+$0xB870];
	_ =	sdelay $0x1  }
0x217: {  	v1 =	vld [tilespmem:s26+$0xB800]  }
0x218: {  	v2 =	vld [tilespmem:s26+$0xB810]  }
0x219: {  	v3 =	vld [tilespmem:s26+$0xB820]  }
0x21a: {  	v4 =	vld [tilespmem:s26+$0xB830]  }
0x21b: {  	v5 =	vld [tilespmem:s26+$0xB840]  }
0x21c: {  	v6 =	vld [tilespmem:s26+$0xB850]  }
0x21d: {  	v8 =	vld.idx.msk [tilespmem:v0+s3+$0x0], $0xffff  }
0x21e: {  	v7 =	vld [tilespmem:s26+$0xB860];
	v0 =	vadd.s32 $0x4000, v0  }
0x21f: {  	v9 =	vld.idx.msk [tilespmem:v1+s3+$0x0], $0xffff  }
0x220: {  	v10 =	vld.idx.msk [tilespmem:v2+s3+$0x0], $0xffff  }
0x221: {  	v11 =	vld.idx.msk [tilespmem:v3+s3+$0x0], $0xffff  }
0x222: {  	v1 =	vadd.s32 $0x4000, v1;
	v12 =	vld.idx.msk [tilespmem:v4+s3+$0x0], $0xffff;
	[tilespmem:s26+$0x13070] =	vst v8  }
0x223: {  	v2 =	vadd.s32 $0x4000, v2;
	v0 =	vld.idx.msk [tilespmem:v0+s3+$0x0], $0xffff  }
0x224: {  	v14 =	vadd.s32 $0x4000, v3;
	v13 =	vld.idx.msk [tilespmem:v5+s3+$0x0], $0xffff  }
0x225: {  	v15 =	vld.idx.msk [tilespmem:v6+s3+$0x0], $0xffff;
	v4 =	vadd.s32 $0x4000, v4;
	[tilespmem:s26+$0x13000] =	vst v9  }
0x226: {  	v5 =	vadd.s32 $0x4000, v5;
	[tilespmem:s26+$0x13010] =	vst v10;
	v8 =	vld.idx.msk [tilespmem:v7+s3+$0x0], $0xffff  }
0x227: {  	v6 =	vadd.s32 $0x4000, v6;
	[tilespmem:s26+$0x13020] =	vst v11;
	v3 =	vld.idx.msk [tilespmem:v1+s3+$0x0], $0xffff  }
0x228: {  	v1 =	vld.idx.msk [tilespmem:v2+s3+$0x0], $0xffff;
	[tilespmem:s26+$0x13870] =	vst v0;
	v0 =	vadd.s32 $0x4000, v7  }
0x229: {  	[tilespmem:s26+$0x13030] =	vst v12;
	v2 =	vld.idx.msk [tilespmem:v14+s3+$0x0], $0xffff  }
0x22a: {  	[tilespmem:s26+$0x13040] =	vst v13;
	v4 =	vld.idx.msk [tilespmem:v4+s3+$0x0], $0xffff  }
0x22b: {  	[tilespmem:s26+$0x13050] =	vst v15;
	v5 =	vld.idx.msk [tilespmem:v5+s3+$0x0], $0xffff  }
0x22c: {  	s30 =	simm.s32 $0x200;
	s29 =	simm.s32 $0x0;
	v6 =	vld.idx.msk [tilespmem:v6+s3+$0x0], $0xffff;
	[tilespmem:s26+$0x13060] =	vst v8  }
.LBB2_17:
0x22d: {  	s0 =	sshra.s32 s30, $0x2;
	s29 =	sadd.s32 $0x8, s29;
	[tilespmem:s26+$0x13800] =	vst v3;
	v0 =	vld.idx.msk [tilespmem:v0+s3+$0x0], $0xffff  }
0x22e: {  	v3 =	vld [tilespmem:s0+$0xB870];
	p0 =	slt.u32 s29, $0x78;
	[tilespmem:s26+$0x13810] =	vst v1  }
0x22f: {  	v1 =	vld [tilespmem:s0+$0xB800];
	[tilespmem:s26+$0x13820] =	vst v2  }
0x230: {  	v2 =	vld [tilespmem:s0+$0xB810];
	[tilespmem:s26+$0x13830] =	vst v4  }
0x231: {  	v4 =	vld [tilespmem:s0+$0xB820];
	[tilespmem:s26+$0x13840] =	vst v5  }
0x232: {  	v5 =	vld [tilespmem:s0+$0xB830];
	[tilespmem:s26+$0x13850] =	vst v6  }
0x233: {  	v6 =	vld [tilespmem:s0+$0xB840];
	[tilespmem:s26+$0x13860] =	vst v0;
	s26 =	smov.u32 s0  }
0x234: {  	v7 =	vadd.s32 $0x4000, v1;
	v8 =	vld [tilespmem:s26+$0xB850]  }
0x235: {  	v9 =	vadd.s32 $0x4000, v2;
	v10 =	vld [tilespmem:s26+$0xB860]  }
0x236: {  	v11 =	vadd.s32 $0x4000, v4;
	v12 =	vld.idx.msk [tilespmem:v3+s3+$0x0], $0xffff  }
0x237: {  	v1 =	vld.idx.msk [tilespmem:v1+s3+$0x0], $0xffff;
	v13 =	vadd.s32 $0x4000, v5  }
0x238: {  	v3 =	vadd.s32 $0x4000, v3;
	v2 =	vld.idx.msk [tilespmem:v2+s3+$0x0], $0xffff;
	v14 =	vadd.s32 $0x4000, v6  }
0x239: {  	v4 =	vld.idx.msk [tilespmem:v4+s3+$0x0], $0xffff;
	v15 =	vadd.s32 $0x4000, v8  }
0x23a: {  	v5 =	vld.idx.msk [tilespmem:v5+s3+$0x0], $0xffff;
	v0 =	vadd.s32 $0x4000, v10  }
0x23b: {  	v6 =	vld.idx.msk [tilespmem:v6+s3+$0x0], $0xffff  }
0x23c: {  	v8 =	vld.idx.msk [tilespmem:v8+s3+$0x0], $0xffff;
	[tilespmem:s26+$0x13070] =	vst v12  }
0x23d: {  	[tilespmem:s26+$0x13000] =	vst v1;
	v12 =	vld.idx.msk [tilespmem:v3+s3+$0x0], $0xffff  }
0x23e: {  	[tilespmem:s26+$0x13010] =	vst v2;
	v10 =	vld.idx.msk [tilespmem:v10+s3+$0x0], $0xffff  }
0x23f: {  	v3 =	vld.idx.msk [tilespmem:v7+s3+$0x0], $0xffff;
	[tilespmem:s26+$0x13020] =	vst v4  }
.Ltmp7:
0x240: {  	v1 =	vld.idx.msk [tilespmem:v9+s3+$0x0], $0xffff;
	[tilespmem:s26+$0x13030] =	vst v5;
	(pc) =	sbr.rel @p0 .LBB2_17-.Ltmp7, $4  }
0x241: {  	v2 =	vld.idx.msk [tilespmem:v11+s3+$0x0], $0xffff;
	[tilespmem:s26+$0x13040] =	vst v6  }
0x242: {  	v4 =	vld.idx.msk [tilespmem:v13+s3+$0x0], $0xffff;
	[tilespmem:s26+$0x13050] =	vst v8  }
0x243: {  	v5 =	vld.idx.msk [tilespmem:v14+s3+$0x0], $0xffff;
	[tilespmem:s26+$0x13870] =	vst v12  }
0x244: {  	s30 =	sadd.s32 $0x200, s30;
	v6 =	vld.idx.msk [tilespmem:v15+s3+$0x0], $0xffff;
	[tilespmem:s26+$0x13060] =	vst v10  }
0x245: {  	_ =	sdelay $0x2  }
0x246: {  	[tilespmem:s26+$0x13800] =	vst v3  }
0x247: {  	v0 =	vld.idx.msk [tilespmem:v0+s3+$0x0], $0xffff;
	[tilespmem:s26+$0x13810] =	vst v1  }
0x248: {  	[tilespmem:s26+$0x13820] =	vst v2  }
0x249: {  	s0 =	sor.u32 $0x3800, s28;
	s24 =	sadd.s32 $0x1, s24;
	[tilespmem:s26+$0x13830] =	vst v4  }
0x24a: {  	s28 =	sor.u32 s5, s0;
	p0 =	sne.s32 s24, $0x8;
	[tilespmem:s26+$0x13840] =	vst v5  }
.Ltmp8:
0x24b: {  	s0 =	sor.u32 s15, s0;
	s28 =	sshrl.u32 s28, $0x3;
	[tilespmem:s26+$0x13850] =	vst v6;
	(pc) =	sbr.rel @p0 .LBB2_2-.Ltmp8, $4  }
0x24c: {  	s0 =	sshrl.u32 s0, $0x3;
	s31 =	sadd.s32 s2, s28;
	[tilespmem:s26+$0x13860] =	vst v0  }
0x24d: {  	[hbm4b:s31+s3] =	stream.linear.scatter [tilespmem:s12], [sflag:$0x2], $0x800, $0x38;
	[tilespmem:$0x14000] =	vst v63  }
0x24e: {  	s0 =	sadd.s32 s2, s0  }
0x24f: {  	[hbm4b:s0+s3] =	stream.linear.scatter [tilespmem:s13], [sflag:$0x2], $0x800, $0x38;
	[tilespmem:$0x14000] =	vst v63  }
0x250: {  	_ =	swait.ge [sflag:s23], $0x800  }
0x251: {  	[sflag:s23] =	ssyncset.done $0x0  }
0x252: {  	[sflag:s23] =	ssyncadd.s32 $0xFFFFF800  }
0x253: {  	_ =	swait.ge [sflag:s23], $0x800  }
0x254: {  	[sflag:s23] =	ssyncset.done $0x0  }
0x255: {  	[sflag:s23] =	ssyncadd.s32 $0xFFFFF800  }
0x256: {  	_ =	swait.ge [sflag:s23], $0x800  }
0x257: {  	[sflag:s23] =	ssyncset.done $0x0  }
0x258: {  	[sflag:s23] =	ssyncadd.s32 $0xFFFFF800  }
0x259: {  	_ =	swait.ge [sflag:s23], $0x800  }
0x25a: {  	[sflag:s23] =	ssyncset.done $0x0  }
0x25b: {  	[sflag:s23] =	ssyncadd.s32 $0xFFFFF800  }
0x25c: {  	_ =	swait.ge [sflag:s23], $0x800  }
0x25d: {  	[sflag:s23] =	ssyncset.done $0x0  }
0x25e: {  	[sflag:s23] =	ssyncadd.s32 $0xFFFFF800  }
0x25f: {  	_ =	swait.ge [sflag:s23], $0x800  }
0x260: {  	[sflag:s23] =	ssyncset.done $0x0  }
0x261: {  	[sflag:s23] =	ssyncadd.s32 $0xFFFFF800  }
0x262: {  	_ =	swait.ge [sflag:s23], $0x800  }
0x263: {  	[sflag:s23] =	ssyncset.done $0x0  }
0x264: {  	[sflag:s23] =	ssyncadd.s32 $0xFFFFF800  }
0x265: {  	_ =	swait.ge [sflag:s23], $0x800  }
0x266: {  	[sflag:s23] =	ssyncset.done $0x0  }
0x267: {  	[sflag:s23] =	ssyncadd.s32 $0xFFFFF800  }
0x268: {  	_ =	swait.ge [sflag:s23], $0x800  }
0x269: {  	[sflag:s23] =	ssyncset.done $0x0  }
0x26a: {  	[sflag:s23] =	ssyncadd.s32 $0xFFFFF800  }
0x26b: {  	_ =	swait.ge [sflag:s23], $0x800  }
0x26c: {  	[sflag:s23] =	ssyncset.done $0x0  }
0x26d: {  	[sflag:s23] =	ssyncadd.s32 $0xFFFFF800  }
0x26e: {  	_ =	swait.ge [sflag:s23], $0x800  }
0x26f: {  	[sflag:s23] =	ssyncset.done $0x0  }
0x270: {  	[sflag:s23] =	ssyncadd.s32 $0xFFFFF800  }
0x271: {  	_ =	swait.ge [sflag:s23], $0x800  }
0x272: {  	[sflag:s23] =	ssyncset.done $0x0  }
0x273: {  	[sflag:s23] =	ssyncadd.s32 $0xFFFFF800  }
0x274: {  	_ =	swait.ge [sflag:s23], $0x800  }
0x275: {  	[sflag:s23] =	ssyncset.done $0x0  }
0x276: {  	[sflag:s23] =	ssyncadd.s32 $0xFFFFF800  }
0x277: {  	_ =	swait.ge [sflag:s23], $0x800  }
0x278: {  	[sflag:s23] =	ssyncset.done $0x0  }
0x279: {  	[sflag:s23] =	ssyncadd.s32 $0xFFFFF800  }
0x27a: {  	_ =	swait.ge [sflag:s23], $0x800  }
0x27b: {  	[sflag:s23] =	ssyncset.done $0x0  }
0x27c: {  	[sflag:s23] =	ssyncadd.s32 $0xFFFFF800  }
0x27d: {  	_ =	swait.ge [sflag:s23], $0x800  }
0x27e: {  	s24 =	rddreg [dreg:$0xd]  }
0x27f: {  	s0 =	rddreg [dreg:$0xc];
	s24 =	sadd.s32 $0x1, s24  }
0x280: {  	p0 =	sne.s32 s24, s0  }
.Ltmp9:
0x281: {  	_ = 	snop;
	(pc) =	sbr.rel @p0 .LBB2_1-.Ltmp9, $3  }
0x282: {  	_ =	sdelay $0x1  }
0x283: {  	[sflag:s23] =	ssyncset.done $0x0  }
0x284: {  	[sflag:s23] =	ssyncadd.s32 $0xFFFFF800  }
0x285: {  	_ =	sfence.sel $0x180000  }
0x286: {  	[bflag:$0x0] =	sbarrier.arrive $0xFFFF  }
0x287: {  	_ =	strace $0x90000047  }
0x288: {  	s0 =	stileid.u32;
	[bflag:$0x2] =	sbarrier.arrive $0xFFFF  }
0x289: {  	p0 =	sne.s32 s0, $0x0;
	s0 =	rddreg [dreg:$0x2]  }
0x28a: {  	s0 =	sadd.s32 @!p0 $0x100000, s0  }
0x28b: {  	[sflag:s0] =	ssyncadd.tile.s32 @!p0 $0x1;
	_ =	shalt  }
.Lfunc_end2:
_tile_overlayer_lowered:
.L_overlay_start_2:
0x28c: {  	(tag) =	ssettag $0x2  }
0x28d: {  	s0 =	rddreg [dreg:$0x0];
	s2 =	stileid.u32  }
0x28e: {  	s1 =	rddreg [dreg:$0x1];
	p0 =	sne.s32 s2, $0x0  }
0x28f: {  	s3 =	rddreg [dreg:$0x2];
	[bflag:$0x3] =	sbarrier.arrive $0xFFFF;
	s2 =	simm.s32 @!p0 $0x1C03  }
0x290: {  	[timem:s3], [sflag:s2] =	dma.local @!p0 [hbm:s0], s1  }
0x291: {  	s0 =	simm.s32 @!p0 $0x3  }
0x292: {  	_ =	swait.ge @!p0 [sflag:s0], s1  }
0x293: {  	s1 =	ssub.s32 @!p0 $0x0, s1;
	[sflag:s0] =	ssyncset.done @!p0 $0x0  }
0x294: {  	[sflag:s0] =	ssyncadd.s32 @!p0 s1  }
0x295: {  	[bflag:$0x3] =	sbarrier.arrive $0xFFFF  }
0x296: {  	_ =	shalt  }

// kernel: sparse-core-data-format-call.cloned.1.call-start
scs
called_computation_lowered:
.L_overlay_start_0:
0x0: {  	s2 =	sld [smem:$0x3FD9]  }
0x1: {  	s3 =	sld [smem:$0x3FFE];
	_ =	sdelay $0x1  }
0x2: {  	s1 =	srdreg.scid  }
0x3: {  	s0 =	sand.u32 $0x1, s1  }
0x4: {  	s18 =	sshll.u32 s0, $0xA;
	s2 =	sadd.s32 s3, s2  }
0x5: {  	s2 =	sadd.s32 s2, s18  }
0x6: {  	[smem:$0x3FC6] =	sst s2  }
0x7: {  	_ = 	snop  }
0x8: {  	s2 =	sld [smem:$0x3FD0];
	(tm) =	ssettm $0x1  }
0x9: {  	s19 =	sld [smem:$0x3FFB];
	_ =	sdelay $0x3  }
0xa: {  	_ =	strace s19  }
0xb: {  	s3 =	sld [smem:$0x3FFC];
	_ =	sdelay $0x3  }
0xc: {  	_ =	strace s3  }
0xd: {  	s3 =	sld [smem:$0x3FFD];
	_ =	sdelay $0x3  }
0xe: {  	_ =	strace s3  }
0xf: {  	_ =	strace $0x8FFFFFFF  }
0x10: {  	s20 =	sld [smem:$0x3FDB];
	_ =	sdelay $0x1  }
0x11: {  	s4 =	simm.s32 $_scs_section_size  }
0x12: {  	s5 =	simm.s32 $_size__tile_overlayer_lowered;
	s6 =	simm.s32 $_tile_overlayer_lowered  }
0x13: {  	s23 =	simm.s32 $0x1BFF;
	s22 =	sshll.u32 s6, $0x1;
	s3 =	sadd.s32 s4, s20  }
0x14: {  	s7 =	simm.s32 $0x0;
	s21 =	sshll.u32 s5, $0x1;
	s5 =	sadd.s32 s22, s3  }
0x15: {  	[timem:s7], [sflag:s23] =	dma.local [hbm:s5], s21  }
0x16: {  	_ =	swait.ge [sflag:s23], s21  }
0x17: {  	s4 =	ssub.s32 $0x0, s21;
	[sflag:s23] =	ssyncset.done $0x0  }
0x18: {  	[sflag:s23] =	ssyncadd.s32 s4;
	_ =	sdelay $0x1  }
0x19: {  	s24 =	simm.s32 $0x1B8B  }
0x1a: {  	_ =	swait.ge [sflag:s24], $0x1  }
0x1b: {  	[sflag:s24] =	ssyncset.done $0x0  }
0x1c: {  	s26 =	simm.s32 $0x1B8E;
	s25 =	sld [smem:$0x3FFE];
	[sflag:s24] =	ssyncadd.s32 $0xFFFFFFFF  }
0x1d: {  	s27 =	simm.s32 $execute0_lowered;
	[smem:$0x3FD2] =	sst s26  }
0x1e: {  	s5 =	sshll.u32 s27, $0x1;
	_ =	strace $0x80000049;
	[dreg:$0x1] =	wrdreg $0xFFFFFFFF  }
0x1f: {  	s28 =	simm.s32 $_size_execute0_lowered;
	s3 =	sadd.s32 s3, s5;
	[dreg:$0x0] =	wrdreg $0x0  }
0x20: {  	s5 =	sshll.u32 s28, $0x1;
	[dreg:$0x2] =	wrdreg s3  }
0x21: {  	[dreg:$0x3] =	wrdreg s5  }
0x22: {  	[dreg:$0x4] =	wrdreg $0xC0  }
0x23: {  	_ =	task [dreg:s7], $0x5FFFF  }
0x24: {  	[dreg:$0x1] =	wrdreg $0xFFFFFFFF  }
0x25: {  	[dreg:$0x0] =	wrdreg $0x60  }
0x26: {  	[dreg:$0x2] =	wrdreg s25  }
0x27: {  	[dreg:$0x3] =	wrdreg s2  }
0x28: {  	[dreg:$0x4] =	wrdreg $0x9  }
0x29: {  	_ =	task.clear_ibuf [dreg:s7], $0x5FFFF;
	_ =	strace $0x90000049  }
0x2a: {  	s29 =	simm.s32 $0x9;
	_ =	strace $0x8000004B  }
0x2b: {  	_ =	swait.ge [sflag:s29], $0x1  }
0x2c: {  	[sflag:s29] =	ssyncadd.s32 $0xFFFFFFFF  }
0x2d: {  	_ =	strace $0x9000004B  }
0x2e: {  	_ =	sfence  }
0x2f: {  	s30 =	sld [smem:$0x0];
	_ =	sdelay $0x2  }
0x30: {  	s31 =	sshll.u32 s1, $0xD;
	s1 =	sshrl.u32 s1, $0x2  }
0x31: {  	s3 =	sand.u32 $0x4000, s31;
	s1 =	sadd.s32 s1, s30  }
0x32: {  	s0 =	sor.u32 s3, s0;
	s1 =	sshll.u32 s1, $0x11  }
0x33: {  	s0 =	sor.u32 s1, s0  }
0x34: {  	s0 =	sadd.s32 $0x8F2B, s0  }
0x35: {  	[sflag:s0] =	ssyncadd.remote.s32 $0x1  }
0x36: {  	_ =	sfence.sel $0xFFFF  }
0x37: {  	[dreg:$0x0] =	wrdreg $0xFFFFFFFF;
	(pc) =	sbr.abs _section_cstart, $3  }
0x38: {  	[dreg:$0x1] =	wrdreg $0xFFFFFFFF  }
0x39: {  	_ =	task.clear_ibuf [dreg:s7], $0x2FFFF;
	_ =	strace $0x9FFFFFFF  }
0x3a: {  	(tm) =	ssettm $0x7FFFFFFF  }
0x3b: {  	_ =	shalt  }
tec
execute0_lowered:
.L_overlay_start_1:
0x0: {  	(tag) =	ssettag $0x1  }
0x1: {  	s0 =	srdreg.scid  }
0x2: {  	s1 =	sshll.u32 s0, $0x4  }
0x3: {  	s6 =	rddreg [dreg:$0x0];
	s0 =	stileid.u32;
	s1 =	sand.u32 $0x10, s1  }
0x4: {  	s3 =	rddreg [dreg:$0x1];
	s5 =	simm.s32 $0x1;
	s1 =	sor.u32 s0, s1  }
0x5: {  	s31 =	simm.s32 $0x2;
	s13 =	simm.s32 $0x0;
	s2 =	sshll.u32 s1, $0x7  }
0x6: {  	s8 =	simm.s32 $0x20000;
	s12 =	simm.s32 $0x0;
	s4 =	ssub.s32 $0x2000, s2  }
0x7: {  	s9 =	simm.s32 $0x0;
	s11 =	simm.s32 $0x0;
	s30 =	sand.u32 $0xF80, s4  }
.Ltmp0:
0x8: {  	s6 =	sadd.s32 $0x800, s6;
	p0 =	sne.s32 s30, $0x0;
	(pc) =	sbr.rel .LBB1_1-.Ltmp0, $4  }
0x9: {  	s1 =	rddreg [dreg:$0x2];
	s7 =	sshrl.u32 s4, $0xC;
	s5 =	simm.s32 @!p0 $0x0  }
0xa: {  	_ =	strace $0x8000004A;
	s4 =	simm.s32 $0x1;
	s5 =	sadd.s32 s5, s7  }
0xb: {  	s10 =	smov.u32 s2;
	[sflag:s4] =	ssyncpa.u1 $0x0;
	s5 =	sshll.u32 s5, $0x4  }
0xc: {  	[sflag:s31] =	ssyncpa.u1 $0x0;
	p0 =	por $0x0, $0x0;
	s7 =	sor.u32 $0x1, s5  }
.LBB1_4:
0xd: {  	s16 =	sshll.u32 s13, $0xD  }
0xe: {  	s17 =	sand.u32 $0x78, s12;
	s18 =	sshll.u32 s12, $0x3;
	s30 =	sshll.u32 s13, $0x7  }
0xf: {  	s16 =	sand.u32 $0x10000, s16;
	s19 =	sand.u32 $0x1FC00, s18;
	s18 =	sand.u32 $0x1C00, s18  }
0x10: {  	s13 =	sand.u32 $0x380, s30;
	s16 =	sadd.s32 s19, s16;
	s17 =	sor.u32 s17, s18  }
0x11: {  	s16 =	sand.u32 $0x1E000, s16;
	s13 =	sor.u32 s13, s17  }
0x12: {  	[tilespmem:s15+$0x810 ss:$0x81] =	vst.msk $0xffff, v2;
	s31 =	sand.u32 $0x7, s12;
	s13 =	sor.u32 s16, s13  }
0x13: {  	[tilespmem:s15+$0x1020 ss:$0x81] =	vst.msk $0xffff, v0;
	s12 =	sshll.u32 s31, $0x12;
	s13 =	sshrl.u32 s13, $0x3  }
0x14: {  	[tilespmem:s15+$0x0 ss:$0x81] =	vst.msk $0xffff, v1;
	s12 =	sor.u32 $0x80, s12;
	s13 =	sadd.s32 s3, s13  }
0x15: {  	[hbm4b:s13+s12] =	stream.strided.scatter [tilespmem:s14], [sflag:$0x2], $0x2000, s8, s12, $0x20;
	[tilespmem:$0x8080] =	vst v63  }
.LBB1_5:
0x16: {  	s14 =	sadd.s32 $0x1, s9  }
0x17: {  	s12 =	sadd.s32 $0x1000, s10;
	s16 =	smov.u32 s10;
	p2 =	sgt.s32 s14, $0xF  }
0x18: {  	s16 =	smov.u32 @p2 s12  }
0x19: {  	s14 =	simm.s32 @p2 $0x0;
	p2 =	sgt.s32 s16, $0x1FFF  }
0x1a: {  	s16 =	smov.u32 @p2 s2;
	p2 =	sne.s32 s11, s7  }
.Ltmp1:
0x1b: {  	p1 =	slt.u32 s11, $0x2;
	(pc) =	sbr.rel @!p2 .LBB1_6-.Ltmp1, $4  }
0x1c: {  	s15 =	simm.s32 @!p1 $0x2  }
0x1d: {  	s13 =	smov.u32 s9;
	p0 =	por !p0, !p0;
	_ =	swait.ge @!p1 [sflag:s15], $0x2000  }
0x1e: {  	s12 =	smov.u32 s10;
	[sflag:s15] =	ssyncset.done @!p1 $0x0;
	s9 =	smov.u32 s14  }
0x1f: {  	s11 =	sadd.s32 $0x1, s11;
	[sflag:s15] =	ssyncadd.s32 @!p1 $0xFFFFE000;
	s10 =	smov.u32 s16  }
.LBB1_1:
0x20: {  	p1 =	sge.u32 s11, s5  }
0x21: {  	s31 =	sadd.s32 $0xFFFFFFFF, s11;
	s14 =	sxor.u32 @!p1 $0xFFFFFFFF, s11  }
0x22: {  	s15 =	sshll.u32 @!p1 s10, $0x8;
	s16 =	sshll.u32 @!p1 s9, $0x4;
	s17 =	simm.s32 @!p1 $0x800  }
0x23: {  	s14 =	sshll.u32 @!p1 s14, $0xD;
	s16 =	sand.u32 @!p1 $0xF0, s16;
	s15 =	sadd.s32 @!p1 s6, s15  }
0x24: {  	s14 =	sand.u32 @!p1 $0x2000, s14;
	s15 =	sadd.s32 @!p1 s16, s15;
	s16 =	simm.s32 @!p1 $0x40  }
0x25: {  	[tilespmem:s14], [sflag:$0x1] =	stream.strided.gather @!p1 [hbm4b:s15+s16], $0x2000, s17, s16, $0x38;
	[tilespmem:$0x8080] =	vst v63  }
0x26: {  	p1 =	sge.u32 s31, s5  }
.Ltmp2:
0x27: {  	_ = 	snop;
	(pc) =	sbr.rel @p1 .LBB1_5-.Ltmp2, $1  }
0x28: {  	_ =	sdelay $0x3  }
0x29: {  	s14 =	simm.s32 $0x1  }
0x2a: {  	_ =	swait.ge [sflag:s4], $0x2000;
	s14 =	simm.s32 @!p0 $0x0  }
0x2b: {  	[sflag:s4] =	ssyncset.done $0x0;
	s15 =	sshll.u32 s14, $0xD  }
0x2c: {  	[sflag:s4] =	ssyncadd.s32 $0xFFFFE000;
	s18 =	sor.u32 $0x20, s15  }
0x2d: {  	s14 =	smul.u32 $0x8100, s14;
	v3 =	vld [tilespmem:s18+$0x10]  }
0x2e: {  	s30 =	sand.u32 $0x1, s11;
	v2 =	vld [tilespmem:s18+$0xFFFFFFF0]  }
0x2f: {  	s15 =	smul.u32 $0x8100, s30;
	s14 =	sshrl.u32 s14, $0x2;
	v0 =	vld [tilespmem:s18+$0x0]  }
0x30: {  	v1 =	vld [tilespmem:s18+$0xFFFFFFE0];
	s16 =	sor.u32 $0x4000, s14  }
0x31: {  	s31 =	sshrl.u32 s15, $0x2;
	s15 =	sadd.s32 $0x0, s16  }
0x32: {  	s17 =	simm.s32 $0x4;
	s18 =	sadd.s32 $0x40, s18;
	s14 =	sor.u32 $0x4000, s31;
	[tilespmem:s15+$0x1830 ss:$0x81] =	vst.msk $0xffff, v3  }
.LBB1_3:
0x33: {  	v3 =	vld [tilespmem:s18+$0x10];
	p1 =	sne.s32 s17, $0x1FC;
	[tilespmem:s15+$0x810 ss:$0x81] =	vst.msk $0xffff, v2;
	s19 =	smov.u32 s17;
	s17 =	sadd.s32 $0x4, s17  }
.Ltmp3:
0x34: {  	v2 =	vld [tilespmem:s18+$0xFFFFFFF0];
	[tilespmem:s15+$0x1020 ss:$0x81] =	vst.msk $0xffff, v0;
	(pc) =	sbr.rel @p1 .LBB1_3-.Ltmp3, $4  }
0x35: {  	v0 =	vld [tilespmem:s18+$0x0];
	[tilespmem:s15+$0x0 ss:$0x81] =	vst.msk $0xffff, v1  }
0x36: {  	s15 =	sshra.s32 s19, $0x2;
	v1 =	vld [tilespmem:s18+$0xFFFFFFE0]  }
0x37: {  	s15 =	sadd.s32 s15, s16  }
0x38: {  	s18 =	sadd.s32 $0x40, s18;
	[tilespmem:s15+$0x1830 ss:$0x81] =	vst.msk $0xffff, v3  }
.Ltmp4:
0x39: {  	_ = 	snop;
	(pc) =	sbr.rel .LBB1_4-.Ltmp4, $1  }
0x3a: {  	_ =	sdelay $0x3  }
.LBB1_6:
0x3b: {  	_ =	sfence.sel $0x180000  }
0x3c: {  	s2 =	simm.s32 $0x1;
	[bflag:$0x0] =	sbarrier.arrive $0xFFFF  }
0x3d: {  	s31 =	simm.s32 $0x2;
	[sflag:s2] =	ssyncpa.u1 $0x1  }
0x3e: {  	[sflag:s31] =	ssyncpa.u1 $0x1  }
0x3f: {  	p0 =	sne.s32 s0, $0x0;
	_ =	strace $0x9000004A  }
0x40: {  	s0 =	sadd.s32 @!p0 $0x100000, s1;
	[bflag:$0x2] =	sbarrier.arrive $0xFFFF  }
0x41: {  	[sflag:s0] =	ssyncadd.tile.s32 @!p0 $0x1;
	_ =	shalt  }
.Lfunc_end1:
_tile_overlayer_lowered:
.L_overlay_start_2:
0x42: {  	(tag) =	ssettag $0x2  }
0x43: {  	s0 =	rddreg [dreg:$0x0];
	s2 =	stileid.u32  }
0x44: {  	s1 =	rddreg [dreg:$0x1];
	p0 =	sne.s32 s2, $0x0  }
0x45: {  	s3 =	rddreg [dreg:$0x2];
	[bflag:$0x3] =	sbarrier.arrive $0xFFFF;
	s2 =	simm.s32 @!p0 $0x1C01  }
0x46: {  	[timem:s3], [sflag:s2] =	dma.local @!p0 [hbm:s0], s1  }
0x47: {  	s0 =	simm.s32 @!p0 $0x1  }
0x48: {  	_ =	swait.ge @!p0 [sflag:s0], s1  }
0x49: {  	s1 =	ssub.s32 @!p0 $0x0, s1;
	[sflag:s0] =	ssyncset.done @!p0 $0x0  }
0x4a: {  	[sflag:s0] =	ssyncadd.s32 @!p0 s1  }
0x4b: {  	[bflag:$0x3] =	sbarrier.arrive $0xFFFF  }
0x4c: {  	_ =	shalt  }

</sc_bundles>
